<compile_context>
chip_gen: v7x
topology: tpu7x:2x2x1
jax: 0.10.2.dev20260603
libtpu: 0.0.44.dev20260713+nightly
codegen_flags: <defaults>
</compile_context>

<pallas_src>
import functools

import jax
import jax.numpy as jnp
from jax import lax
from jax.experimental import pallas as pl
from jax.experimental.pallas import tpu as pltpu
from jax.experimental.pallas import tpu_sc as plsc

NC = 2
NS = 16
NW = NC * NS
WIN = 128
RB = 128

_MESH = plsc.VectorSubcoreMesh(core_axis_name="c", subcore_axis_name="s",
                               num_cores=NC, num_subcores=NS)


def _sc_degree(dst3, zeros1, n_pad):
  nwin = dst3.shape[1]
  rpt = n_pad // NS

  @functools.partial(
      pl.kernel,
      out_type=jax.ShapeDtypeStruct((NC * n_pad,), jnp.float32),
      mesh=_MESH,
      scratch_types=[
          pltpu.VMEM((nwin, WIN), jnp.int32),
          pltpu.VMEM((WIN,), jnp.float32),
          pltpu.VMEM((rpt,), jnp.float32),
          pltpu.VMEM_SHARED((n_pad,), jnp.float32),
      ],
  )
  def run(dst_hbm, zero_hbm, deg_hbm, didx_all, ones_v, dbuf, deg_sp):
    cid = lax.axis_index("c")
    sid = lax.axis_index("s")
    wid = cid * NS + sid
    pltpu.sync_copy(zero_hbm, dbuf)
    pltpu.sync_copy(dbuf, deg_sp.at[pl.ds(sid * rpt, rpt)])
    for j in range(WIN // 16):
      ones_v[pl.ds(j * 16, 16)] = jnp.full((16,), 1.0, jnp.float32)
    pltpu.sync_copy(dst_hbm.at[wid], didx_all)
    plsc.subcore_barrier()

    def win(w, carry):
      pltpu.sync_copy(ones_v, deg_sp.at[didx_all.at[w]], add=True)
      return carry

    lax.fori_loop(0, nwin, win, 0)
    plsc.subcore_barrier()
    pltpu.sync_copy(deg_sp.at[pl.ds(sid * rpt, rpt)], dbuf)
    pltpu.sync_copy(dbuf, deg_hbm.at[pl.ds(cid * n_pad + sid * rpt, rpt)])

  return run(dst3, zeros1)


def _sc_scatter_rows(hs, src3, dst3, zrows, n_pad):
  nwin = src3.shape[1]
  h = hs.shape[1]
  rpt = n_pad // NS

  @functools.partial(
      pl.kernel,
      out_type=jax.ShapeDtypeStruct((NC * n_pad, h), jnp.float32),
      mesh=_MESH,
      scratch_types=[
          pltpu.VMEM((nwin, WIN), jnp.int32),
          pltpu.VMEM((nwin, WIN), jnp.int32),
          pltpu.VMEM((WIN, h), jnp.float32),
          pltpu.VMEM_SHARED((n_pad, h), jnp.float32),
      ],
  )
  def run(hs_hbm, src_hbm, dst_hbm, zr_hbm, acc_hbm,
          sidx_all, didx_all, rows, acc_sp):
    rbuf = rows
    cid = lax.axis_index("c")
    sid = lax.axis_index("s")
    wid = cid * NS + sid
    pltpu.sync_copy(zr_hbm, rbuf)
    for k in range(rpt // RB):
      pltpu.sync_copy(rbuf, acc_sp.at[pl.ds(sid * rpt + k * RB, RB)])
    pltpu.sync_copy(src_hbm.at[wid], sidx_all)
    pltpu.sync_copy(dst_hbm.at[wid], didx_all)
    plsc.subcore_barrier()

    def win(w, carry):
      pltpu.sync_copy(hs_hbm.at[sidx_all.at[w]], rows)
      pltpu.sync_copy(rows, acc_sp.at[didx_all.at[w]], add=True)
      return carry

    lax.fori_loop(0, nwin, win, 0)
    plsc.subcore_barrier()
    for k in range(rpt // RB):
      pltpu.sync_copy(acc_sp.at[pl.ds(sid * rpt + k * RB, RB)], rbuf)
      pltpu.sync_copy(
          rbuf, acc_hbm.at[pl.ds(cid * n_pad + sid * rpt + k * RB, RB)])

  return run(hs, src3, dst3, zrows)


def _tc_dinv(dega, degb):
  def body(a_ref, b_ref, o_ref):
    o_ref[...] = lax.rsqrt(a_ref[...] + b_ref[...] + 1.0)

  return pl.pallas_call(
      body, out_shape=jax.ShapeDtypeStruct(dega.shape, jnp.float32))(dega, degb)


def _tc_prep1(x, w1, dinv, blk):
  n, f = x.shape
  h = w1.shape[1]
  grid = n // blk

  def body(x_ref, w_ref, d_ref, o_ref):
    o_ref[...] = d_ref[...] * jnp.dot(x_ref[...], w_ref[...],
                                      preferred_element_type=jnp.float32)

  return pl.pallas_call(
      body,
      grid=(grid,),
      in_specs=[
          pl.BlockSpec((blk, f), lambda i: (i, 0)),
          pl.BlockSpec((f, h), lambda i: (0, 0)),
          pl.BlockSpec((blk, 1), lambda i: (i, 0)),
      ],
      out_specs=pl.BlockSpec((blk, h), lambda i: (i, 0)),
      out_shape=jax.ShapeDtypeStruct((n, h), jnp.float32),
  )(x, w1, dinv)


def _tc_prep2(acc, hs1, dinv, b1, w2, blk):
  n, h = hs1.shape
  grid = n // blk

  def body(a_ref, hs_ref, d_ref, b_ref, w_ref, o_ref):
    pre = d_ref[...] * (a_ref[0] + a_ref[1] + hs_ref[...]) + b_ref[...]
    x2 = jnp.maximum(pre, 0.0)
    o_ref[...] = d_ref[...] * jnp.dot(x2, w_ref[...],
                                      preferred_element_type=jnp.float32)

  return pl.pallas_call(
      body,
      grid=(grid,),
      in_specs=[
          pl.BlockSpec((NC, blk, h), lambda i: (0, i, 0)),
          pl.BlockSpec((blk, h), lambda i: (i, 0)),
          pl.BlockSpec((blk, 1), lambda i: (i, 0)),
          pl.BlockSpec((1, h), lambda i: (0, 0)),
          pl.BlockSpec((h, h), lambda i: (0, 0)),
      ],
      out_specs=pl.BlockSpec((blk, h), lambda i: (i, 0)),
      out_shape=jax.ShapeDtypeStruct((n, h), jnp.float32),
  )(acc, hs1, dinv, b1, w2)


def _tc_final(acc, hs2, dinv, b2, batch2, wc, bc, num_graphs, blk):
  n, h = hs2.shape
  c = wc.shape[1]
  grid = n // blk

  def body(a_ref, hs_ref, d_ref, b_ref, bt_ref, wc_ref, bc_ref, o_ref, pooled):
    i = pl.program_id(0)

    @pl.when(i == 0)
    def _init():
      pooled[...] = jnp.full((num_graphs, h), -jnp.inf, jnp.float32)

    hx = jnp.maximum(
        d_ref[...] * (a_ref[0] + a_ref[1] + hs_ref[...]) + b_ref[...], 0.0)
    bt = bt_ref[...]
    sb = blk // 10
    for s0 in range(0, blk, sb):
      bts = bt[s0:s0 + sb]
      hxs = hx[s0:s0 + sb]
      g_lo = bts[0, 0]
      g_hi = bts[sb - 1, 0]

      def seg(g, carry, bts=bts, hxs=hxs):
        m = jnp.max(jnp.where(bts == g, hxs, -jnp.inf), axis=0, keepdims=True)
        pooled[pl.ds(g, 1), :] = jnp.maximum(pooled[pl.ds(g, 1), :], m)
        return carry

      lax.fori_loop(g_lo, g_hi + 1, seg, 0)

    @pl.when(i == pl.num_programs(0) - 1)
    def _finish():
      logits = jnp.dot(pooled[...], wc_ref[...],
                       preferred_element_type=jnp.float32) + bc_ref[...]
      mx = jnp.max(logits, axis=-1, keepdims=True)
      lse = jnp.log(jnp.sum(jnp.exp(logits - mx), axis=-1, keepdims=True)) + mx
      o_ref[...] = logits - lse

  return pl.pallas_call(
      body,
      grid=(grid,),
      in_specs=[
          pl.BlockSpec((NC, blk, h), lambda i: (0, i, 0)),
          pl.BlockSpec((blk, h), lambda i: (i, 0)),
          pl.BlockSpec((blk, 1), lambda i: (i, 0)),
          pl.BlockSpec((1, h), lambda i: (0, 0)),
          pl.BlockSpec((blk, 1), lambda i: (i, 0)),
          pl.BlockSpec((h, c), lambda i: (0, 0)),
          pl.BlockSpec((1, c), lambda i: (0, 0)),
      ],
      out_specs=pl.BlockSpec((num_graphs, c), lambda i: (0, 0)),
      out_shape=jax.ShapeDtypeStruct((num_graphs, c), jnp.float32),
      scratch_shapes=[pltpu.VMEM((num_graphs, h), jnp.float32)],
  )(acc, hs2, dinv, b2, batch2, wc, bc)


def kernel(x, edge_index, batch, W1, b1, W2, b2, Wc, bc):
  n, f = x.shape
  e = edge_index.shape[1]
  h = W1.shape[1]
  g = 64
  n_pad = ((n + 16 * NS - 1) // (16 * NS)) * (16 * NS)
  assert (n_pad // NS) % RB == 0
  epw = NW * WIN
  e_pad = ((e + epw - 1) // epw) * epw
  ew = e_pad // NW
  nwin = ew // WIN
  blk = 2000
  assert n % blk == 0

  pad_ar = jnp.arange(e_pad - e, dtype=jnp.int32)
  src = jnp.concatenate([edge_index[0], pad_ar % n])
  dst = jnp.concatenate([edge_index[1], n + pad_ar % (n_pad - n)])
  src3 = src.reshape(NW, nwin, WIN)
  dst3 = dst.reshape(NW, nwin, WIN)
  zeros1 = jnp.zeros((n_pad // NS,), jnp.float32)
  zrows = jnp.zeros((RB, h), jnp.float32)

  deg2 = _sc_degree(dst3, zeros1, n_pad)
  deg_rows = deg2.reshape(NC, n_pad // 128, 128)
  dinv = _tc_dinv(deg_rows[0], deg_rows[1])
  dinv = dinv.reshape(n_pad, 1)

  hs1 = _tc_prep1(x, W1, dinv, blk)
  acc1 = _sc_scatter_rows(hs1, src3, dst3, zrows, n_pad)
  acc1 = acc1.reshape(NC, n_pad, h)
  hs2 = _tc_prep2(acc1, hs1, dinv, b1.reshape(1, h), W2, blk)
  acc2 = _sc_scatter_rows(hs2, src3, dst3, zrows, n_pad).reshape(NC, n_pad, h)
  return _tc_final(acc2, hs2, dinv, b2.reshape(1, h),
                   batch.reshape(n, 1), Wc, bc.reshape(1, Wc.shape[1]), g, blk)

# --- scband reference (transcript-rebuilt; emitter-appended) ---
"""Pipeline reference for scband-pre-trained-gnn-73306501808602 (READ-ONLY COPY).

The authoritative reference and input builder live on the scoring server;
editing this copy changes nothing except your own understanding.
"""

import jax, jax.numpy as jnp
import numpy as np

N = 10000      # nodes
E = 320000     # edges
F_IN = 128     # num_features
H = 128        # hidden_dim
C = 2          # num_classes
G = 64         # graphs in batch (for global max pooling)


def setup_inputs(seed: int = 0) -> dict:
    key = jax.random.key(seed)
    ks = jax.random.split(key, 10)
    x = jax.random.normal(ks[0], (N, F_IN), dtype=jnp.float32)
    edge_index = jax.random.randint(ks[1], (2, E), 0, N, dtype=jnp.int32)
    batch = jnp.sort(jax.random.randint(ks[2], (N,), 0, G, dtype=jnp.int32))
    # GCNConv1 params (PyG GCNConv: x @ W + scatter, bias added after aggregation)
    W1 = jax.random.normal(ks[3], (F_IN, H), dtype=jnp.float32) * (1.0 / np.sqrt(F_IN))
    b1 = jnp.zeros((H,), dtype=jnp.float32)
    # GCNConv2 params
    W2 = jax.random.normal(ks[4], (H, H), dtype=jnp.float32) * (1.0 / np.sqrt(H))
    b2 = jnp.zeros((H,), dtype=jnp.float32)
    # classifier Linear(H, C)
    Wc = jax.random.normal(ks[5], (H, C), dtype=jnp.float32) * (1.0 / np.sqrt(H))
    bc = jnp.zeros((C,), dtype=jnp.float32)
    return {"x": x, "edge_index": edge_index, "batch": batch,
            "W1": W1, "b1": b1, "W2": W2, "b2": b2, "Wc": Wc, "bc": bc}


def _gcn_conv(x, edge_index, W, b, num_nodes):
    # PyG GCNConv (default add_self_loops=True, normalize=True):
    # h = x @ W; add self loops; norm = deg^{-1/2}[src]*deg^{-1/2}[dst];
    # out = scatter_add(norm * h[src] -> dst) + b
    h = x @ W
    src = edge_index[0]
    dst = edge_index[1]
    loop = jnp.arange(num_nodes, dtype=src.dtype)
    src = jnp.concatenate([src, loop])
    dst = jnp.concatenate([dst, loop])
    deg = jnp.zeros((num_nodes,), dtype=h.dtype).at[dst].add(1.0)
    dinv = 1.0 / jnp.sqrt(deg)  # deg >= 1 because of self loops
    norm = dinv[src] * dinv[dst]
    out = jnp.zeros((num_nodes, h.shape[1]), dtype=h.dtype).at[dst].add(norm[:, None] * h[src])
    return out + b


def reference(x, edge_index, batch, W1, b1, W2, b2, Wc, bc):
    num_nodes = x.shape[0]
    h = jax.nn.relu(_gcn_conv(x, edge_index, W1, b1, num_nodes))
    # dropout(p=0.5) is identity in eval mode
    h = jax.nn.relu(_gcn_conv(h, edge_index, W2, b2, num_nodes))
    # global max pool over graphs
    pooled = jax.ops.segment_max(h, batch, num_segments=G)
    logits = pooled @ Wc + bc
    return jax.nn.log_softmax(logits, axis=-1)

if __name__ == "__main__":
    import jax
    _d = setup_inputs()
    print(jax.jit(kernel)(*tuple(_d.values())))

</pallas_src>

<mosaic_0001>
#map = affine_map<(d0, d1) -> (0, 0, 0)>
#map1 = affine_map<(d0, d1) -> (0)>
module attributes {stable_mosaic.version = 14 : i64} {
  func.func @run(%arg0: i32, %arg1: i32, %arg2: memref<32x79x128xi32, #tpu.memory_space<hbm>>, %arg3: memref<640xf32, #tpu.memory_space<hbm>>, %arg4: memref<20480xf32, #tpu.memory_space<hbm>>, %arg5: memref<79x128xi32, #tpu.memory_space<vmem>>, %arg6: memref<128xf32, #tpu.memory_space<vmem>>, %arg7: memref<640xf32, #tpu.memory_space<vmem>>, %arg8: memref<10240xf32, #tpu.memory_space<vmem_shared>>) attributes {dimension_semantics = [#tpu.dimension_semantics<core_parallel>, #tpu.dimension_semantics<subcore_parallel>], iteration_bounds = array<i64: 2, 16>, scalar_prefetch = 0 : i64, scratch_operands = 4 : i64, tpu.core_type = #tpu.core_type<sc_vector_subcore>, window_params = [{transform_indices = #map}, {transform_indices = #map1}, {transform_indices = #map1}]} {
    %mul3A = arith.constant 16 : i32
    %mul3A_0 = arith.muli %arg0, %mul3A : i32
    %add3A = arith.addi %mul3A_0, %arg1 : i32
    "tpu.region"() ({
      %run_scoped3A = tpu.sem_alloc : memref<!tpu.dma_semaphore, #tpu.memory_space<semaphore_mem>>
      tpu.enqueue_dma source(%arg3 : memref<640xf32, #tpu.memory_space<hbm>>) target(%arg7 : memref<640xf32, #tpu.memory_space<vmem>>) target_semaphore(%run_scoped3A : memref<!tpu.dma_semaphore, #tpu.memory_space<semaphore_mem>>)
      tpu.wait_dma2 semaphore(%run_scoped3A : memref<!tpu.dma_semaphore, #tpu.memory_space<semaphore_mem>>) src(%arg3 : memref<640xf32, #tpu.memory_space<hbm>>) dst(%arg7 : memref<640xf32, #tpu.memory_space<vmem>>)
      tpu.yield
    }) : () -> ()
    %mul3A_1 = arith.constant 640 : i32
    %mul3A_2 = arith.muli %arg1, %mul3A_1 : i32
    "tpu.region"() ({
      %run_scoped3A = tpu.sem_alloc : memref<!tpu.dma_semaphore, #tpu.memory_space<semaphore_mem>>
      %dma_start3A = tpu.memref_slice %arg8[%mul3A_2] : memref<10240xf32, #tpu.memory_space<vmem_shared>> -> memref<640xf32, #tpu.memory_space<vmem_shared>>
      %dma_start3A_62 = tpu.memref_slice %arg8[%mul3A_2] : memref<10240xf32, #tpu.memory_space<vmem_shared>> -> memref<640xf32, #tpu.memory_space<vmem_shared>>
      tpu.enqueue_dma source(%arg7 : memref<640xf32, #tpu.memory_space<vmem>>) target(%dma_start3A_62 : memref<640xf32, #tpu.memory_space<vmem_shared>>) target_semaphore(%run_scoped3A : memref<!tpu.dma_semaphore, #tpu.memory_space<semaphore_mem>>)
      %dma_wait3A = tpu.memref_slice %arg8[%mul3A_2] : memref<10240xf32, #tpu.memory_space<vmem_shared>> -> memref<640xf32, #tpu.memory_space<vmem_shared>>
      %dma_wait3A_63 = tpu.memref_slice %arg8[%mul3A_2] : memref<10240xf32, #tpu.memory_space<vmem_shared>> -> memref<640xf32, #tpu.memory_space<vmem_shared>>
      tpu.wait_dma2 semaphore(%run_scoped3A : memref<!tpu.dma_semaphore, #tpu.memory_space<semaphore_mem>>) src(%arg7 : memref<640xf32, #tpu.memory_space<vmem>>) dst(%dma_wait3A_63 : memref<640xf32, #tpu.memory_space<vmem_shared>>)
      tpu.yield
    }) : () -> ()
    %broadcast_in_dim3A = arith.constant 1.000000e+00 : f32
    %broadcast_in_dim3A_3 = vector.broadcast %broadcast_in_dim3A : f32 to vector<16xf32>
    %swap3A = arith.constant 0 : index
    %swap3A_4 = tpu.vector_load %arg6[%swap3A] {strides = array<i32>} : memref<128xf32, #tpu.memory_space<vmem>>, vector<16xf32>,
    %swap3A_5 = vector.shape_cast %swap3A_4 : vector<16xf32> to vector<16xf32>
    %swap3A_6 = vector.shape_cast %broadcast_in_dim3A_3 : vector<16xf32> to vector<16xf32>
    tpu.vector_store %arg6[%swap3A], %swap3A_6 {strides = array<i32>} : memref<128xf32, #tpu.memory_space<vmem>>, vector<16xf32>,
    %broadcast_in_dim3A_7 = arith.constant 1.000000e+00 : f32
    %broadcast_in_dim3A_8 = vector.broadcast %broadcast_in_dim3A_7 : f32 to vector<16xf32>
    %swap3A_9 = arith.constant 16 : index
    %swap3A_10 = tpu.vector_load %arg6[%swap3A_9] {strides = array<i32>} : memref<128xf32, #tpu.memory_space<vmem>>, vector<16xf32>,
    %swap3A_11 = vector.shape_cast %swap3A_10 : vector<16xf32> to vector<16xf32>
    %swap3A_12 = vector.shape_cast %broadcast_in_dim3A_8 : vector<16xf32> to vector<16xf32>
    tpu.vector_store %arg6[%swap3A_9], %swap3A_12 {strides = array<i32>} : memref<128xf32, #tpu.memory_space<vmem>>, vector<16xf32>,
    %broadcast_in_dim3A_13 = arith.constant 1.000000e+00 : f32
    %broadcast_in_dim3A_14 = vector.broadcast %broadcast_in_dim3A_13 : f32 to vector<16xf32>
    %swap3A_15 = arith.constant 32 : index
    %swap3A_16 = tpu.vector_load %arg6[%swap3A_15] {strides = array<i32>} : memref<128xf32, #tpu.memory_space<vmem>>, vector<16xf32>,
    %swap3A_17 = vector.shape_cast %swap3A_16 : vector<16xf32> to vector<16xf32>
    %swap3A_18 = vector.shape_cast %broadcast_in_dim3A_14 : vector<16xf32> to vector<16xf32>
    tpu.vector_store %arg6[%swap3A_15], %swap3A_18 {strides = array<i32>} : memref<128xf32, #tpu.memory_space<vmem>>, vector<16xf32>,
    %broadcast_in_dim3A_19 = arith.constant 1.000000e+00 : f32
    %broadcast_in_dim3A_20 = vector.broadcast %broadcast_in_dim3A_19 : f32 to vector<16xf32>
    %swap3A_21 = arith.constant 48 : index
    %swap3A_22 = tpu.vector_load %arg6[%swap3A_21] {strides = array<i32>} : memref<128xf32, #tpu.memory_space<vmem>>, vector<16xf32>,
    %swap3A_23 = vector.shape_cast %swap3A_22 : vector<16xf32> to vector<16xf32>
    %swap3A_24 = vector.shape_cast %broadcast_in_dim3A_20 : vector<16xf32> to vector<16xf32>
    tpu.vector_store %arg6[%swap3A_21], %swap3A_24 {strides = array<i32>} : memref<128xf32, #tpu.memory_space<vmem>>, vector<16xf32>,
    %broadcast_in_dim3A_25 = arith.constant 1.000000e+00 : f32
    %broadcast_in_dim3A_26 = vector.broadcast %broadcast_in_dim3A_25 : f32 to vector<16xf32>
    %swap3A_27 = arith.constant 64 : index
    %swap3A_28 = tpu.vector_load %arg6[%swap3A_27] {strides = array<i32>} : memref<128xf32, #tpu.memory_space<vmem>>, vector<16xf32>,
    %swap3A_29 = vector.shape_cast %swap3A_28 : vector<16xf32> to vector<16xf32>
    %swap3A_30 = vector.shape_cast %broadcast_in_dim3A_26 : vector<16xf32> to vector<16xf32>
    tpu.vector_store %arg6[%swap3A_27], %swap3A_30 {strides = array<i32>} : memref<128xf32, #tpu.memory_space<vmem>>, vector<16xf32>,
    %broadcast_in_dim3A_31 = arith.constant 1.000000e+00 : f32
    %broadcast_in_dim3A_32 = vector.broadcast %broadcast_in_dim3A_31 : f32 to vector<16xf32>
    %swap3A_33 = arith.constant 80 : index
    %swap3A_34 = tpu.vector_load %arg6[%swap3A_33] {strides = array<i32>} : memref<128xf32, #tpu.memory_space<vmem>>, vector<16xf32>,
    %swap3A_35 = vector.shape_cast %swap3A_34 : vector<16xf32> to vector<16xf32>
    %swap3A_36 = vector.shape_cast %broadcast_in_dim3A_32 : vector<16xf32> to vector<16xf32>
    tpu.vector_store %arg6[%swap3A_33], %swap3A_36 {strides = array<i32>} : memref<128xf32, #tpu.memory_space<vmem>>, vector<16xf32>,
    %broadcast_in_dim3A_37 = arith.constant 1.000000e+00 : f32
    %broadcast_in_dim3A_38 = vector.broadcast %broadcast_in_dim3A_37 : f32 to vector<16xf32>
    %swap3A_39 = arith.constant 96 : index
    %swap3A_40 = tpu.vector_load %arg6[%swap3A_39] {strides = array<i32>} : memref<128xf32, #tpu.memory_space<vmem>>, vector<16xf32>,
    %swap3A_41 = vector.shape_cast %swap3A_40 : vector<16xf32> to vector<16xf32>
    %swap3A_42 = vector.shape_cast %broadcast_in_dim3A_38 : vector<16xf32> to vector<16xf32>
    tpu.vector_store %arg6[%swap3A_39], %swap3A_42 {strides = array<i32>} : memref<128xf32, #tpu.memory_space<vmem>>, vector<16xf32>,
    %broadcast_in_dim3A_43 = arith.constant 1.000000e+00 : f32
    %broadcast_in_dim3A_44 = vector.broadcast %broadcast_in_dim3A_43 : f32 to vector<16xf32>
    %swap3A_45 = arith.constant 112 : index
    %swap3A_46 = tpu.vector_load %arg6[%swap3A_45] {strides = array<i32>} : memref<128xf32, #tpu.memory_space<vmem>>, vector<16xf32>,
    %swap3A_47 = vector.shape_cast %swap3A_46 : vector<16xf32> to vector<16xf32>
    %swap3A_48 = vector.shape_cast %broadcast_in_dim3A_44 : vector<16xf32> to vector<16xf32>
    tpu.vector_store %arg6[%swap3A_45], %swap3A_48 {strides = array<i32>} : memref<128xf32, #tpu.memory_space<vmem>>, vector<16xf32>,
    "tpu.region"() ({
      %run_scoped3A = tpu.sem_alloc : memref<!tpu.dma_semaphore, #tpu.memory_space<semaphore_mem>>
      %dma_start3A = arith.constant 0 : i32
      %dma_start3A_62 = arith.constant 0 : i32
      %dma_start3A_63 = tpu.memref_slice %arg2[%add3A, %dma_start3A, %dma_start3A_62] : memref<32x79x128xi32, #tpu.memory_space<hbm>> -> memref<1x79x128xi32, #tpu.memory_space<hbm>>
      %dma_start3A_64 = tpu.memref_squeeze %dma_start3A_63 : memref<1x79x128xi32, #tpu.memory_space<hbm>> -> memref<79x128xi32, #tpu.memory_space<hbm>>
      %dma_start3A_65 = arith.constant 0 : i32
      %dma_start3A_66 = arith.constant 0 : i32
      %dma_start3A_67 = tpu.memref_slice %arg2[%add3A, %dma_start3A_65, %dma_start3A_66] : memref<32x79x128xi32, #tpu.memory_space<hbm>> -> memref<1x79x128xi32, #tpu.memory_space<hbm>>
      %dma_start3A_68 = tpu.memref_squeeze %dma_start3A_67 : memref<1x79x128xi32, #tpu.memory_space<hbm>> -> memref<79x128xi32, #tpu.memory_space<hbm>>
      tpu.enqueue_dma source(%dma_start3A_68 : memref<79x128xi32, #tpu.memory_space<hbm>>) target(%arg5 : memref<79x128xi32, #tpu.memory_space<vmem>>) target_semaphore(%run_scoped3A : memref<!tpu.dma_semaphore, #tpu.memory_space<semaphore_mem>>)
      %dma_wait3A = arith.constant 0 : i32
      %dma_wait3A_69 = arith.constant 0 : i32
      %dma_wait3A_70 = tpu.memref_slice %arg2[%add3A, %dma_wait3A, %dma_wait3A_69] : memref<32x79x128xi32, #tpu.memory_space<hbm>> -> memref<1x79x128xi32, #tpu.memory_space<hbm>>
      %dma_wait3A_71 = tpu.memref_squeeze %dma_wait3A_70 : memref<1x79x128xi32, #tpu.memory_space<hbm>> -> memref<79x128xi32, #tpu.memory_space<hbm>>
      %dma_wait3A_72 = arith.constant 0 : i32
      %dma_wait3A_73 = arith.constant 0 : i32
      %dma_wait3A_74 = tpu.memref_slice %arg2[%add3A, %dma_wait3A_72, %dma_wait3A_73] : memref<32x79x128xi32, #tpu.memory_space<hbm>> -> memref<1x79x128xi32, #tpu.memory_space<hbm>>
      %dma_wait3A_75 = tpu.memref_squeeze %dma_wait3A_74 : memref<1x79x128xi32, #tpu.memory_space<hbm>> -> memref<79x128xi32, #tpu.memory_space<hbm>>
      tpu.wait_dma2 semaphore(%run_scoped3A : memref<!tpu.dma_semaphore, #tpu.memory_space<semaphore_mem>>) src(%dma_wait3A_75 : memref<79x128xi32, #tpu.memory_space<hbm>>) dst(%arg5 : memref<79x128xi32, #tpu.memory_space<vmem>>)
      tpu.yield
    }) : () -> ()
    %barrier3A = arith.constant 0 : index
    tpu.barrier barrier_id(%barrier3A)
    %scan3A = arith.constant 0 : i32
    %scan3A_49 = arith.constant 0 : i32
    %scan3A_50 = arith.constant 79 : i32
    %scan3A_51 = arith.addi %scan3A_49, %scan3A_50 : i32
    %scan3A_52 = arith.constant 1 : i32
    scf.for %scan3A_62 = %scan3A_49 to %scan3A_51 step %scan3A_52  : i32 {
      "tpu.region"() ({
        %run_scoped3A = tpu.sem_alloc : memref<!tpu.dma_semaphore, #tpu.memory_space<semaphore_mem>>
        %dma_start3A = arith.constant 0 : i32
        %dma_start3A_63 = tpu.memref_slice %arg5[%scan3A_62, %dma_start3A] : memref<79x128xi32, #tpu.memory_space<vmem>> -> memref<1x128xi32, #tpu.memory_space<vmem>>
        %dma_start3A_64 = tpu.memref_squeeze %dma_start3A_63 : memref<1x128xi32, #tpu.memory_space<vmem>> -> memref<128xi32, #tpu.memory_space<vmem>>
        %dma_start3A_65 = arith.constant 0 : i32
        %dma_start3A_66 = tpu.memref_slice %arg8[%dma_start3A_65] : memref<10240xf32, #tpu.memory_space<vmem_shared>> -> memref<10240xf32, #tpu.memory_space<vmem_shared>>
        tpu.enqueue_indirect_dma source(%arg6 : memref<128xf32, #tpu.memory_space<vmem>>) target(%dma_start3A_66 : memref<10240xf32, #tpu.memory_space<vmem_shared>>) offsets(%dma_start3A_64 : memref<128xi32, #tpu.memory_space<vmem>>) semaphore(%run_scoped3A : memref<!tpu.dma_semaphore, #tpu.memory_space<semaphore_mem>>) {add = true}
        %dma_wait3A = arith.constant 0 : i32
        %dma_wait3A_67 = tpu.memref_slice %arg5[%scan3A_62, %dma_wait3A] : memref<79x128xi32, #tpu.memory_space<vmem>> -> memref<1x128xi32, #tpu.memory_space<vmem>>
        %dma_wait3A_68 = tpu.memref_squeeze %dma_wait3A_67 : memref<1x128xi32, #tpu.memory_space<vmem>> -> memref<128xi32, #tpu.memory_space<vmem>>
        %dma_wait3A_69 = arith.constant 0 : i32
        %dma_wait3A_70 = tpu.memref_slice %arg8[%dma_wait3A_69] : memref<10240xf32, #tpu.memory_space<vmem_shared>> -> memref<10240xf32, #tpu.memory_space<vmem_shared>>
        tpu.wait_indirect_dma semaphore(%run_scoped3A : memref<!tpu.dma_semaphore, #tpu.memory_space<semaphore_mem>>) src(%arg6 : memref<128xf32, #tpu.memory_space<vmem>>) dst(%dma_wait3A_70 : memref<10240xf32, #tpu.memory_space<vmem_shared>>)
        tpu.yield
      }) : () -> ()
    }
    %scan3A_53 = arith.constant 79 : i32
    %barrier3A_54 = arith.constant 0 : index
    tpu.barrier barrier_id(%barrier3A_54)
    %mul3A_55 = arith.constant 640 : i32
    %mul3A_56 = arith.muli %arg1, %mul3A_55 : i32
    "tpu.region"() ({
      %run_scoped3A = tpu.sem_alloc : memref<!tpu.dma_semaphore, #tpu.memory_space<semaphore_mem>>
      %dma_start3A = tpu.memref_slice %arg8[%mul3A_56] : memref<10240xf32, #tpu.memory_space<vmem_shared>> -> memref<640xf32, #tpu.memory_space<vmem_shared>>
      %dma_start3A_62 = tpu.memref_slice %arg8[%mul3A_56] : memref<10240xf32, #tpu.memory_space<vmem_shared>> -> memref<640xf32, #tpu.memory_space<vmem_shared>>
      tpu.enqueue_dma source(%dma_start3A_62 : memref<640xf32, #tpu.memory_space<vmem_shared>>) target(%arg7 : memref<640xf32, #tpu.memory_space<vmem>>) target_semaphore(%run_scoped3A : memref<!tpu.dma_semaphore, #tpu.memory_space<semaphore_mem>>)
      %dma_wait3A = tpu.memref_slice %arg8[%mul3A_56] : memref<10240xf32, #tpu.memory_space<vmem_shared>> -> memref<640xf32, #tpu.memory_space<vmem_shared>>
      %dma_wait3A_63 = tpu.memref_slice %arg8[%mul3A_56] : memref<10240xf32, #tpu.memory_space<vmem_shared>> -> memref<640xf32, #tpu.memory_space<vmem_shared>>
      tpu.wait_dma2 semaphore(%run_scoped3A : memref<!tpu.dma_semaphore, #tpu.memory_space<semaphore_mem>>) src(%dma_wait3A_63 : memref<640xf32, #tpu.memory_space<vmem_shared>>) dst(%arg7 : memref<640xf32, #tpu.memory_space<vmem>>)
      tpu.yield
    }) : () -> ()
    %mul3A_57 = arith.constant 10240 : i32
    %mul3A_58 = arith.muli %arg0, %mul3A_57 : i32
    %mul3A_59 = arith.constant 640 : i32
    %mul3A_60 = arith.muli %arg1, %mul3A_59 : i32
    %add3A_61 = arith.addi %mul3A_58, %mul3A_60 : i32
    "tpu.region"() ({
      %run_scoped3A = tpu.sem_alloc : memref<!tpu.dma_semaphore, #tpu.memory_space<semaphore_mem>>
      %dma_start3A = tpu.memref_slice %arg4[%add3A_61] : memref<20480xf32, #tpu.memory_space<hbm>> -> memref<640xf32, #tpu.memory_space<hbm>>
      %dma_start3A_62 = tpu.memref_slice %arg4[%add3A_61] : memref<20480xf32, #tpu.memory_space<hbm>> -> memref<640xf32, #tpu.memory_space<hbm>>
      tpu.enqueue_dma source(%arg7 : memref<640xf32, #tpu.memory_space<vmem>>) target(%dma_start3A_62 : memref<640xf32, #tpu.memory_space<hbm>>) target_semaphore(%run_scoped3A : memref<!tpu.dma_semaphore, #tpu.memory_space<semaphore_mem>>)
      %dma_wait3A = tpu.memref_slice %arg4[%add3A_61] : memref<20480xf32, #tpu.memory_space<hbm>> -> memref<640xf32, #tpu.memory_space<hbm>>
      %dma_wait3A_63 = tpu.memref_slice %arg4[%add3A_61] : memref<20480xf32, #tpu.memory_space<hbm>> -> memref<640xf32, #tpu.memory_space<hbm>>
      tpu.wait_dma2 semaphore(%run_scoped3A : memref<!tpu.dma_semaphore, #tpu.memory_space<semaphore_mem>>) src(%arg7 : memref<640xf32, #tpu.memory_space<vmem>>) dst(%dma_wait3A_63 : memref<640xf32, #tpu.memory_space<hbm>>)
      tpu.yield
    }) : () -> ()
    return
  }
}

#map = affine_map<(d0, d1) -> (0, 0)>
#map1 = affine_map<(d0, d1) -> (0, 0, 0)>
module attributes {stable_mosaic.version = 14 : i64} {
  func.func @run(%arg0: i32, %arg1: i32, %arg2: memref<10000x128xf32, #tpu.memory_space<hbm>>, %arg3: memref<32x79x128xi32, #tpu.memory_space<hbm>>, %arg4: memref<32x79x128xi32, #tpu.memory_space<hbm>>, %arg5: memref<128x128xf32, #tpu.memory_space<hbm>>, %arg6: memref<20480x128xf32, #tpu.memory_space<hbm>>, %arg7: memref<79x128xi32, #tpu.memory_space<vmem>>, %arg8: memref<79x128xi32, #tpu.memory_space<vmem>>, %arg9: memref<128x128xf32, #tpu.memory_space<vmem>>, %arg10: memref<10240x128xf32, #tpu.memory_space<vmem_shared>>) attributes {dimension_semantics = [#tpu.dimension_semantics<core_parallel>, #tpu.dimension_semantics<subcore_parallel>], iteration_bounds = array<i64: 2, 16>, scalar_prefetch = 0 : i64, scratch_operands = 4 : i64, tpu.core_type = #tpu.core_type<sc_vector_subcore>, window_params = [{transform_indices = #map}, {transform_indices = #map1}, {transform_indices = #map1}, {transform_indices = #map}, {transform_indices = #map}]} {
    %mul3A = arith.constant 16 : i32
    %mul3A_0 = arith.muli %arg0, %mul3A : i32
    %add3A = arith.addi %mul3A_0, %arg1 : i32
    "tpu.region"() ({
      %run_scoped3A = tpu.sem_alloc : memref<!tpu.dma_semaphore, #tpu.memory_space<semaphore_mem>>
      tpu.enqueue_dma source(%arg5 : memref<128x128xf32, #tpu.memory_space<hbm>>) target(%arg9 : memref<128x128xf32, #tpu.memory_space<vmem>>) target_semaphore(%run_scoped3A : memref<!tpu.dma_semaphore, #tpu.memory_space<semaphore_mem>>)
      tpu.wait_dma2 semaphore(%run_scoped3A : memref<!tpu.dma_semaphore, #tpu.memory_space<semaphore_mem>>) src(%arg5 : memref<128x128xf32, #tpu.memory_space<hbm>>) dst(%arg9 : memref<128x128xf32, #tpu.memory_space<vmem>>)
      tpu.yield
    }) : () -> ()
    %mul3A_1 = arith.constant 640 : i32
    %mul3A_2 = arith.muli %arg1, %mul3A_1 : i32
    %add3A_3 = arith.constant 0 : i32
    %add3A_4 = arith.addi %mul3A_2, %add3A_3 : i32
    "tpu.region"() ({
      %run_scoped3A = tpu.sem_alloc : memref<!tpu.dma_semaphore, #tpu.memory_space<semaphore_mem>>
      %dma_start3A = arith.constant 0 : i32
      %dma_start3A_82 = tpu.memref_slice %arg10[%add3A_4, %dma_start3A] : memref<10240x128xf32, #tpu.memory_space<vmem_shared>> -> memref<128x128xf32, #tpu.memory_space<vmem_shared>>
      %dma_start3A_83 = arith.constant 0 : i32
      %dma_start3A_84 = tpu.memref_slice %arg10[%add3A_4, %dma_start3A_83] : memref<10240x128xf32, #tpu.memory_space<vmem_shared>> -> memref<128x128xf32, #tpu.memory_space<vmem_shared>>
      tpu.enqueue_dma source(%arg9 : memref<128x128xf32, #tpu.memory_space<vmem>>) target(%dma_start3A_84 : memref<128x128xf32, #tpu.memory_space<vmem_shared>>) target_semaphore(%run_scoped3A : memref<!tpu.dma_semaphore, #tpu.memory_space<semaphore_mem>>)
      %dma_wait3A = arith.constant 0 : i32
      %dma_wait3A_85 = tpu.memref_slice %arg10[%add3A_4, %dma_wait3A] : memref<10240x128xf32, #tpu.memory_space<vmem_shared>> -> memref<128x128xf32, #tpu.memory_space<vmem_shared>>
      %dma_wait3A_86 = arith.constant 0 : i32
      %dma_wait3A_87 = tpu.memref_slice %arg10[%add3A_4, %dma_wait3A_86] : memref<10240x128xf32, #tpu.memory_space<vmem_shared>> -> memref<128x128xf32, #tpu.memory_space<vmem_shared>>
      tpu.wait_dma2 semaphore(%run_scoped3A : memref<!tpu.dma_semaphore, #tpu.memory_space<semaphore_mem>>) src(%arg9 : memref<128x128xf32, #tpu.memory_space<vmem>>) dst(%dma_wait3A_87 : memref<128x128xf32, #tpu.memory_space<vmem_shared>>)
      tpu.yield
    }) : () -> ()
    %mul3A_5 = arith.constant 640 : i32
    %mul3A_6 = arith.muli %arg1, %mul3A_5 : i32
    %add3A_7 = arith.constant 128 : i32
    %add3A_8 = arith.addi %mul3A_6, %add3A_7 : i32
    "tpu.region"() ({
      %run_scoped3A = tpu.sem_alloc : memref<!tpu.dma_semaphore, #tpu.memory_space<semaphore_mem>>
      %dma_start3A = arith.constant 0 : i32
      %dma_start3A_82 = tpu.memref_slice %arg10[%add3A_8, %dma_start3A] : memref<10240x128xf32, #tpu.memory_space<vmem_shared>> -> memref<128x128xf32, #tpu.memory_space<vmem_shared>>
      %dma_start3A_83 = arith.constant 0 : i32
      %dma_start3A_84 = tpu.memref_slice %arg10[%add3A_8, %dma_start3A_83] : memref<10240x128xf32, #tpu.memory_space<vmem_shared>> -> memref<128x128xf32, #tpu.memory_space<vmem_shared>>
      tpu.enqueue_dma source(%arg9 : memref<128x128xf32, #tpu.memory_space<vmem>>) target(%dma_start3A_84 : memref<128x128xf32, #tpu.memory_space<vmem_shared>>) target_semaphore(%run_scoped3A : memref<!tpu.dma_semaphore, #tpu.memory_space<semaphore_mem>>)
      %dma_wait3A = arith.constant 0 : i32
      %dma_wait3A_85 = tpu.memref_slice %arg10[%add3A_8, %dma_wait3A] : memref<10240x128xf32, #tpu.memory_space<vmem_shared>> -> memref<128x128xf32, #tpu.memory_space<vmem_shared>>
      %dma_wait3A_86 = arith.constant 0 : i32
      %dma_wait3A_87 = tpu.memref_slice %arg10[%add3A_8, %dma_wait3A_86] : memref<10240x128xf32, #tpu.memory_space<vmem_shared>> -> memref<128x128xf32, #tpu.memory_space<vmem_shared>>
      tpu.wait_dma2 semaphore(%run_scoped3A : memref<!tpu.dma_semaphore, #tpu.memory_space<semaphore_mem>>) src(%arg9 : memref<128x128xf32, #tpu.memory_space<vmem>>) dst(%dma_wait3A_87 : memref<128x128xf32, #tpu.memory_space<vmem_shared>>)
      tpu.yield
    }) : () -> ()
    %mul3A_9 = arith.constant 640 : i32
    %mul3A_10 = arith.muli %arg1, %mul3A_9 : i32
    %add3A_11 = arith.constant 256 : i32
    %add3A_12 = arith.addi %mul3A_10, %add3A_11 : i32
    "tpu.region"() ({
      %run_scoped3A = tpu.sem_alloc : memref<!tpu.dma_semaphore, #tpu.memory_space<semaphore_mem>>
      %dma_start3A = arith.constant 0 : i32
      %dma_start3A_82 = tpu.memref_slice %arg10[%add3A_12, %dma_start3A] : memref<10240x128xf32, #tpu.memory_space<vmem_shared>> -> memref<128x128xf32, #tpu.memory_space<vmem_shared>>
      %dma_start3A_83 = arith.constant 0 : i32
      %dma_start3A_84 = tpu.memref_slice %arg10[%add3A_12, %dma_start3A_83] : memref<10240x128xf32, #tpu.memory_space<vmem_shared>> -> memref<128x128xf32, #tpu.memory_space<vmem_shared>>
      tpu.enqueue_dma source(%arg9 : memref<128x128xf32, #tpu.memory_space<vmem>>) target(%dma_start3A_84 : memref<128x128xf32, #tpu.memory_space<vmem_shared>>) target_semaphore(%run_scoped3A : memref<!tpu.dma_semaphore, #tpu.memory_space<semaphore_mem>>)
      %dma_wait3A = arith.constant 0 : i32
      %dma_wait3A_85 = tpu.memref_slice %arg10[%add3A_12, %dma_wait3A] : memref<10240x128xf32, #tpu.memory_space<vmem_shared>> -> memref<128x128xf32, #tpu.memory_space<vmem_shared>>
      %dma_wait3A_86 = arith.constant 0 : i32
      %dma_wait3A_87 = tpu.memref_slice %arg10[%add3A_12, %dma_wait3A_86] : memref<10240x128xf32, #tpu.memory_space<vmem_shared>> -> memref<128x128xf32, #tpu.memory_space<vmem_shared>>
      tpu.wait_dma2 semaphore(%run_scoped3A : memref<!tpu.dma_semaphore, #tpu.memory_space<semaphore_mem>>) src(%arg9 : memref<128x128xf32, #tpu.memory_space<vmem>>) dst(%dma_wait3A_87 : memref<128x128xf32, #tpu.memory_space<vmem_shared>>)
      tpu.yield
    }) : () -> ()
    %mul3A_13 = arith.constant 640 : i32
    %mul3A_14 = arith.muli %arg1, %mul3A_13 : i32
    %add3A_15 = arith.constant 384 : i32
    %add3A_16 = arith.addi %mul3A_14, %add3A_15 : i32
    "tpu.region"() ({
      %run_scoped3A = tpu.sem_alloc : memref<!tpu.dma_semaphore, #tpu.memory_space<semaphore_mem>>
      %dma_start3A = arith.constant 0 : i32
      %dma_start3A_82 = tpu.memref_slice %arg10[%add3A_16, %dma_start3A] : memref<10240x128xf32, #tpu.memory_space<vmem_shared>> -> memref<128x128xf32, #tpu.memory_space<vmem_shared>>
      %dma_start3A_83 = arith.constant 0 : i32
      %dma_start3A_84 = tpu.memref_slice %arg10[%add3A_16, %dma_start3A_83] : memref<10240x128xf32, #tpu.memory_space<vmem_shared>> -> memref<128x128xf32, #tpu.memory_space<vmem_shared>>
      tpu.enqueue_dma source(%arg9 : memref<128x128xf32, #tpu.memory_space<vmem>>) target(%dma_start3A_84 : memref<128x128xf32, #tpu.memory_space<vmem_shared>>) target_semaphore(%run_scoped3A : memref<!tpu.dma_semaphore, #tpu.memory_space<semaphore_mem>>)
      %dma_wait3A = arith.constant 0 : i32
      %dma_wait3A_85 = tpu.memref_slice %arg10[%add3A_16, %dma_wait3A] : memref<10240x128xf32, #tpu.memory_space<vmem_shared>> -> memref<128x128xf32, #tpu.memory_space<vmem_shared>>
      %dma_wait3A_86 = arith.constant 0 : i32
      %dma_wait3A_87 = tpu.memref_slice %arg10[%add3A_16, %dma_wait3A_86] : memref<10240x128xf32, #tpu.memory_space<vmem_shared>> -> memref<128x128xf32, #tpu.memory_space<vmem_shared>>
      tpu.wait_dma2 semaphore(%run_scoped3A : memref<!tpu.dma_semaphore, #tpu.memory_space<semaphore_mem>>) src(%arg9 : memref<128x128xf32, #tpu.memory_space<vmem>>) dst(%dma_wait3A_87 : memref<128x128xf32, #tpu.memory_space<vmem_shared>>)
      tpu.yield
    }) : () -> ()
    %mul3A_17 = arith.constant 640 : i32
    %mul3A_18 = arith.muli %arg1, %mul3A_17 : i32
    %add3A_19 = arith.constant 512 : i32
    %add3A_20 = arith.addi %mul3A_18, %add3A_19 : i32
    "tpu.region"() ({
      %run_scoped3A = tpu.sem_alloc : memref<!tpu.dma_semaphore, #tpu.memory_space<semaphore_mem>>
      %dma_start3A = arith.constant 0 : i32
      %dma_start3A_82 = tpu.memref_slice %arg10[%add3A_20, %dma_start3A] : memref<10240x128xf32, #tpu.memory_space<vmem_shared>> -> memref<128x128xf32, #tpu.memory_space<vmem_shared>>
      %dma_start3A_83 = arith.constant 0 : i32
      %dma_start3A_84 = tpu.memref_slice %arg10[%add3A_20, %dma_start3A_83] : memref<10240x128xf32, #tpu.memory_space<vmem_shared>> -> memref<128x128xf32, #tpu.memory_space<vmem_shared>>
      tpu.enqueue_dma source(%arg9 : memref<128x128xf32, #tpu.memory_space<vmem>>) target(%dma_start3A_84 : memref<128x128xf32, #tpu.memory_space<vmem_shared>>) target_semaphore(%run_scoped3A : memref<!tpu.dma_semaphore, #tpu.memory_space<semaphore_mem>>)
      %dma_wait3A = arith.constant 0 : i32
      %dma_wait3A_85 = tpu.memref_slice %arg10[%add3A_20, %dma_wait3A] : memref<10240x128xf32, #tpu.memory_space<vmem_shared>> -> memref<128x128xf32, #tpu.memory_space<vmem_shared>>
      %dma_wait3A_86 = arith.constant 0 : i32
      %dma_wait3A_87 = tpu.memref_slice %arg10[%add3A_20, %dma_wait3A_86] : memref<10240x128xf32, #tpu.memory_space<vmem_shared>> -> memref<128x128xf32, #tpu.memory_space<vmem_shared>>
      tpu.wait_dma2 semaphore(%run_scoped3A : memref<!tpu.dma_semaphore, #tpu.memory_space<semaphore_mem>>) src(%arg9 : memref<128x128xf32, #tpu.memory_space<vmem>>) dst(%dma_wait3A_87 : memref<128x128xf32, #tpu.memory_space<vmem_shared>>)
      tpu.yield
    }) : () -> ()
    "tpu.region"() ({
      %run_scoped3A = tpu.sem_alloc : memref<!tpu.dma_semaphore, #tpu.memory_space<semaphore_mem>>
      %dma_start3A = arith.constant 0 : i32
      %dma_start3A_82 = arith.constant 0 : i32
      %dma_start3A_83 = tpu.memref_slice %arg3[%add3A, %dma_start3A, %dma_start3A_82] : memref<32x79x128xi32, #tpu.memory_space<hbm>> -> memref<1x79x128xi32, #tpu.memory_space<hbm>>
      %dma_start3A_84 = tpu.memref_squeeze %dma_start3A_83 : memref<1x79x128xi32, #tpu.memory_space<hbm>> -> memref<79x128xi32, #tpu.memory_space<hbm>>
      %dma_start3A_85 = arith.constant 0 : i32
      %dma_start3A_86 = arith.constant 0 : i32
      %dma_start3A_87 = tpu.memref_slice %arg3[%add3A, %dma_start3A_85, %dma_start3A_86] : memref<32x79x128xi32, #tpu.memory_space<hbm>> -> memref<1x79x128xi32, #tpu.memory_space<hbm>>
      %dma_start3A_88 = tpu.memref_squeeze %dma_start3A_87 : memref<1x79x128xi32, #tpu.memory_space<hbm>> -> memref<79x128xi32, #tpu.memory_space<hbm>>
      tpu.enqueue_dma source(%dma_start3A_88 : memref<79x128xi32, #tpu.memory_space<hbm>>) target(%arg7 : memref<79x128xi32, #tpu.memory_space<vmem>>) target_semaphore(%run_scoped3A : memref<!tpu.dma_semaphore, #tpu.memory_space<semaphore_mem>>)
      %dma_wait3A = arith.constant 0 : i32
      %dma_wait3A_89 = arith.constant 0 : i32
      %dma_wait3A_90 = tpu.memref_slice %arg3[%add3A, %dma_wait3A, %dma_wait3A_89] : memref<32x79x128xi32, #tpu.memory_space<hbm>> -> memref<1x79x128xi32, #tpu.memory_space<hbm>>
      %dma_wait3A_91 = tpu.memref_squeeze %dma_wait3A_90 : memref<1x79x128xi32, #tpu.memory_space<hbm>> -> memref<79x128xi32, #tpu.memory_space<hbm>>
      %dma_wait3A_92 = arith.constant 0 : i32
      %dma_wait3A_93 = arith.constant 0 : i32
      %dma_wait3A_94 = tpu.memref_slice %arg3[%add3A, %dma_wait3A_92, %dma_wait3A_93] : memref<32x79x128xi32, #tpu.memory_space<hbm>> -> memref<1x79x128xi32, #tpu.memory_space<hbm>>
      %dma_wait3A_95 = tpu.memref_squeeze %dma_wait3A_94 : memref<1x79x128xi32, #tpu.memory_space<hbm>> -> memref<79x128xi32, #tpu.memory_space<hbm>>
      tpu.wait_dma2 semaphore(%run_scoped3A : memref<!tpu.dma_semaphore, #tpu.memory_space<semaphore_mem>>) src(%dma_wait3A_95 : memref<79x128xi32, #tpu.memory_space<hbm>>) dst(%arg7 : memref<79x128xi32, #tpu.memory_space<vmem>>)
      tpu.yield
    }) : () -> ()
    "tpu.region"() ({
      %run_scoped3A = tpu.sem_alloc : memref<!tpu.dma_semaphore, #tpu.memory_space<semaphore_mem>>
      %dma_start3A = arith.constant 0 : i32
      %dma_start3A_82 = arith.constant 0 : i32
      %dma_start3A_83 = tpu.memref_slice %arg4[%add3A, %dma_start3A, %dma_start3A_82] : memref<32x79x128xi32, #tpu.memory_space<hbm>> -> memref<1x79x128xi32, #tpu.memory_space<hbm>>
      %dma_start3A_84 = tpu.memref_squeeze %dma_start3A_83 : memref<1x79x128xi32, #tpu.memory_space<hbm>> -> memref<79x128xi32, #tpu.memory_space<hbm>>
      %dma_start3A_85 = arith.constant 0 : i32
      %dma_start3A_86 = arith.constant 0 : i32
      %dma_start3A_87 = tpu.memref_slice %arg4[%add3A, %dma_start3A_85, %dma_start3A_86] : memref<32x79x128xi32, #tpu.memory_space<hbm>> -> memref<1x79x128xi32, #tpu.memory_space<hbm>>
      %dma_start3A_88 = tpu.memref_squeeze %dma_start3A_87 : memref<1x79x128xi32, #tpu.memory_space<hbm>> -> memref<79x128xi32, #tpu.memory_space<hbm>>
      tpu.enqueue_dma source(%dma_start3A_88 : memref<79x128xi32, #tpu.memory_space<hbm>>) target(%arg8 : memref<79x128xi32, #tpu.memory_space<vmem>>) target_semaphore(%run_scoped3A : memref<!tpu.dma_semaphore, #tpu.memory_space<semaphore_mem>>)
      %dma_wait3A = arith.constant 0 : i32
      %dma_wait3A_89 = arith.constant 0 : i32
      %dma_wait3A_90 = tpu.memref_slice %arg4[%add3A, %dma_wait3A, %dma_wait3A_89] : memref<32x79x128xi32, #tpu.memory_space<hbm>> -> memref<1x79x128xi32, #tpu.memory_space<hbm>>
      %dma_wait3A_91 = tpu.memref_squeeze %dma_wait3A_90 : memref<1x79x128xi32, #tpu.memory_space<hbm>> -> memref<79x128xi32, #tpu.memory_space<hbm>>
      %dma_wait3A_92 = arith.constant 0 : i32
      %dma_wait3A_93 = arith.constant 0 : i32
      %dma_wait3A_94 = tpu.memref_slice %arg4[%add3A, %dma_wait3A_92, %dma_wait3A_93] : memref<32x79x128xi32, #tpu.memory_space<hbm>> -> memref<1x79x128xi32, #tpu.memory_space<hbm>>
      %dma_wait3A_95 = tpu.memref_squeeze %dma_wait3A_94 : memref<1x79x128xi32, #tpu.memory_space<hbm>> -> memref<79x128xi32, #tpu.memory_space<hbm>>
      tpu.wait_dma2 semaphore(%run_scoped3A : memref<!tpu.dma_semaphore, #tpu.memory_space<semaphore_mem>>) src(%dma_wait3A_95 : memref<79x128xi32, #tpu.memory_space<hbm>>) dst(%arg8 : memref<79x128xi32, #tpu.memory_space<vmem>>)
      tpu.yield
    }) : () -> ()
    %barrier3A = arith.constant 0 : index
    tpu.barrier barrier_id(%barrier3A)
    %scan3A = arith.constant 0 : i32
    %scan3A_21 = arith.constant 0 : i32
    %scan3A_22 = arith.constant 79 : i32
    %scan3A_23 = arith.addi %scan3A_21, %scan3A_22 : i32
    %scan3A_24 = arith.constant 1 : i32
    scf.for %scan3A_82 = %scan3A_21 to %scan3A_23 step %scan3A_24  : i32 {
      "tpu.region"() ({
        %run_scoped3A = tpu.sem_alloc : memref<!tpu.dma_semaphore, #tpu.memory_space<semaphore_mem>>
        %dma_start3A = arith.constant 0 : i32
        %dma_start3A_83 = tpu.memref_slice %arg7[%scan3A_82, %dma_start3A] : memref<79x128xi32, #tpu.memory_space<vmem>> -> memref<1x128xi32, #tpu.memory_space<vmem>>
        %dma_start3A_84 = tpu.memref_squeeze %dma_start3A_83 : memref<1x128xi32, #tpu.memory_space<vmem>> -> memref<128xi32, #tpu.memory_space<vmem>>
        %dma_start3A_85 = arith.constant 0 : i32
        %dma_start3A_86 = arith.constant 0 : i32
        %dma_start3A_87 = tpu.memref_slice %arg2[%dma_start3A_85, %dma_start3A_86] : memref<10000x128xf32, #tpu.memory_space<hbm>> -> memref<10000x128xf32, #tpu.memory_space<hbm>>
        tpu.enqueue_indirect_dma source(%dma_start3A_87 : memref<10000x128xf32, #tpu.memory_space<hbm>>) target(%arg9 : memref<128x128xf32, #tpu.memory_space<vmem>>) offsets(%dma_start3A_84 : memref<128xi32, #tpu.memory_space<vmem>>) semaphore(%run_scoped3A : memref<!tpu.dma_semaphore, #tpu.memory_space<semaphore_mem>>)
        %dma_wait3A = arith.constant 0 : i32
        %dma_wait3A_88 = tpu.memref_slice %arg7[%scan3A_82, %dma_wait3A] : memref<79x128xi32, #tpu.memory_space<vmem>> -> memref<1x128xi32, #tpu.memory_space<vmem>>
        %dma_wait3A_89 = tpu.memref_squeeze %dma_wait3A_88 : memref<1x128xi32, #tpu.memory_space<vmem>> -> memref<128xi32, #tpu.memory_space<vmem>>
        %dma_wait3A_90 = arith.constant 0 : i32
        %dma_wait3A_91 = arith.constant 0 : i32
        %dma_wait3A_92 = tpu.memref_slice %arg2[%dma_wait3A_90, %dma_wait3A_91] : memref<10000x128xf32, #tpu.memory_space<hbm>> -> memref<10000x128xf32, #tpu.memory_space<hbm>>
        tpu.wait_indirect_dma semaphore(%run_scoped3A : memref<!tpu.dma_semaphore, #tpu.memory_space<semaphore_mem>>) src(%dma_wait3A_92 : memref<10000x128xf32, #tpu.memory_space<hbm>>) dst(%arg9 : memref<128x128xf32, #tpu.memory_space<vmem>>)
        tpu.yield
      }) : () -> ()
      "tpu.region"() ({
        %run_scoped3A = tpu.sem_alloc : memref<!tpu.dma_semaphore, #tpu.memory_space<semaphore_mem>>
        %dma_start3A = arith.constant 0 : i32
        %dma_start3A_83 = tpu.memref_slice %arg8[%scan3A_82, %dma_start3A] : memref<79x128xi32, #tpu.memory_space<vmem>> -> memref<1x128xi32, #tpu.memory_space<vmem>>
        %dma_start3A_84 = tpu.memref_squeeze %dma_start3A_83 : memref<1x128xi32, #tpu.memory_space<vmem>> -> memref<128xi32, #tpu.memory_space<vmem>>
        %dma_start3A_85 = arith.constant 0 : i32
        %dma_start3A_86 = arith.constant 0 : i32
        %dma_start3A_87 = tpu.memref_slice %arg10[%dma_start3A_85, %dma_start3A_86] : memref<10240x128xf32, #tpu.memory_space<vmem_shared>> -> memref<10240x128xf32, #tpu.memory_space<vmem_shared>>
        tpu.enqueue_indirect_dma source(%arg9 : memref<128x128xf32, #tpu.memory_space<vmem>>) target(%dma_start3A_87 : memref<10240x128xf32, #tpu.memory_space<vmem_shared>>) offsets(%dma_start3A_84 : memref<128xi32, #tpu.memory_space<vmem>>) semaphore(%run_scoped3A : memref<!tpu.dma_semaphore, #tpu.memory_space<semaphore_mem>>) {add = true}
        %dma_wait3A = arith.constant 0 : i32
        %dma_wait3A_88 = tpu.memref_slice %arg8[%scan3A_82, %dma_wait3A] : memref<79x128xi32, #tpu.memory_space<vmem>> -> memref<1x128xi32, #tpu.memory_space<vmem>>
        %dma_wait3A_89 = tpu.memref_squeeze %dma_wait3A_88 : memref<1x128xi32, #tpu.memory_space<vmem>> -> memref<128xi32, #tpu.memory_space<vmem>>
        %dma_wait3A_90 = arith.constant 0 : i32
        %dma_wait3A_91 = arith.constant 0 : i32
        %dma_wait3A_92 = tpu.memref_slice %arg10[%dma_wait3A_90, %dma_wait3A_91] : memref<10240x128xf32, #tpu.memory_space<vmem_shared>> -> memref<10240x128xf32, #tpu.memory_space<vmem_shared>>
        tpu.wait_indirect_dma semaphore(%run_scoped3A : memref<!tpu.dma_semaphore, #tpu.memory_space<semaphore_mem>>) src(%arg9 : memref<128x128xf32, #tpu.memory_space<vmem>>) dst(%dma_wait3A_92 : memref<10240x128xf32, #tpu.memory_space<vmem_shared>>)
        tpu.yield
      }) : () -> ()
    }
    %scan3A_25 = arith.constant 79 : i32
    %barrier3A_26 = arith.constant 0 : index
    tpu.barrier barrier_id(%barrier3A_26)
    %mul3A_27 = arith.constant 640 : i32
    %mul3A_28 = arith.muli %arg1, %mul3A_27 : i32
    %add3A_29 = arith.constant 0 : i32
    %add3A_30 = arith.addi %mul3A_28, %add3A_29 : i32
    "tpu.region"() ({
      %run_scoped3A = tpu.sem_alloc : memref<!tpu.dma_semaphore, #tpu.memory_space<semaphore_mem>>
      %dma_start3A = arith.constant 0 : i32
      %dma_start3A_82 = tpu.memref_slice %arg10[%add3A_30, %dma_start3A] : memref<10240x128xf32, #tpu.memory_space<vmem_shared>> -> memref<128x128xf32, #tpu.memory_space<vmem_shared>>
      %dma_start3A_83 = arith.constant 0 : i32
      %dma_start3A_84 = tpu.memref_slice %arg10[%add3A_30, %dma_start3A_83] : memref<10240x128xf32, #tpu.memory_space<vmem_shared>> -> memref<128x128xf32, #tpu.memory_space<vmem_shared>>
      tpu.enqueue_dma source(%dma_start3A_84 : memref<128x128xf32, #tpu.memory_space<vmem_shared>>) target(%arg9 : memref<128x128xf32, #tpu.memory_space<vmem>>) target_semaphore(%run_scoped3A : memref<!tpu.dma_semaphore, #tpu.memory_space<semaphore_mem>>)
      %dma_wait3A = arith.constant 0 : i32
      %dma_wait3A_85 = tpu.memref_slice %arg10[%add3A_30, %dma_wait3A] : memref<10240x128xf32, #tpu.memory_space<vmem_shared>> -> memref<128x128xf32, #tpu.memory_space<vmem_shared>>
      %dma_wait3A_86 = arith.constant 0 : i32
      %dma_wait3A_87 = tpu.memref_slice %arg10[%add3A_30, %dma_wait3A_86] : memref<10240x128xf32, #tpu.memory_space<vmem_shared>> -> memref<128x128xf32, #tpu.memory_space<vmem_shared>>
      tpu.wait_dma2 semaphore(%run_scoped3A : memref<!tpu.dma_semaphore, #tpu.memory_space<semaphore_mem>>) src(%dma_wait3A_87 : memref<128x128xf32, #tpu.memory_space<vmem_shared>>) dst(%arg9 : memref<128x128xf32, #tpu.memory_space<vmem>>)
      tpu.yield
    }) : () -> ()
    %mul3A_31 = arith.constant 10240 : i32
    %mul3A_32 = arith.muli %arg0, %mul3A_31 : i32
    %mul3A_33 = arith.constant 640 : i32
    %mul3A_34 = arith.muli %arg1, %mul3A_33 : i32
    %add3A_35 = arith.addi %mul3A_32, %mul3A_34 : i32
    %add3A_36 = arith.constant 0 : i32
    %add3A_37 = arith.addi %add3A_35, %add3A_36 : i32
    "tpu.region"() ({
      %run_scoped3A = tpu.sem_alloc : memref<!tpu.dma_semaphore, #tpu.memory_space<semaphore_mem>>
      %dma_start3A = arith.constant 0 : i32
      %dma_start3A_82 = tpu.memref_slice %arg6[%add3A_37, %dma_start3A] : memref<20480x128xf32, #tpu.memory_space<hbm>> -> memref<128x128xf32, #tpu.memory_space<hbm>>
      %dma_start3A_83 = arith.constant 0 : i32
      %dma_start3A_84 = tpu.memref_slice %arg6[%add3A_37, %dma_start3A_83] : memref<20480x128xf32, #tpu.memory_space<hbm>> -> memref<128x128xf32, #tpu.memory_space<hbm>>
      tpu.enqueue_dma source(%arg9 : memref<128x128xf32, #tpu.memory_space<vmem>>) target(%dma_start3A_84 : memref<128x128xf32, #tpu.memory_space<hbm>>) target_semaphore(%run_scoped3A : memref<!tpu.dma_semaphore, #tpu.memory_space<semaphore_mem>>)
      %dma_wait3A = arith.constant 0 : i32
      %dma_wait3A_85 = tpu.memref_slice %arg6[%add3A_37, %dma_wait3A] : memref<20480x128xf32, #tpu.memory_space<hbm>> -> memref<128x128xf32, #tpu.memory_space<hbm>>
      %dma_wait3A_86 = arith.constant 0 : i32
      %dma_wait3A_87 = tpu.memref_slice %arg6[%add3A_37, %dma_wait3A_86] : memref<20480x128xf32, #tpu.memory_space<hbm>> -> memref<128x128xf32, #tpu.memory_space<hbm>>
      tpu.wait_dma2 semaphore(%run_scoped3A : memref<!tpu.dma_semaphore, #tpu.memory_space<semaphore_mem>>) src(%arg9 : memref<128x128xf32, #tpu.memory_space<vmem>>) dst(%dma_wait3A_87 : memref<128x128xf32, #tpu.memory_space<hbm>>)
      tpu.yield
    }) : () -> ()
    %mul3A_38 = arith.constant 640 : i32
    %mul3A_39 = arith.muli %arg1, %mul3A_38 : i32
    %add3A_40 = arith.constant 128 : i32
    %add3A_41 = arith.addi %mul3A_39, %add3A_40 : i32
    "tpu.region"() ({
      %run_scoped3A = tpu.sem_alloc : memref<!tpu.dma_semaphore, #tpu.memory_space<semaphore_mem>>
      %dma_start3A = arith.constant 0 : i32
      %dma_start3A_82 = tpu.memref_slice %arg10[%add3A_41, %dma_start3A] : memref<10240x128xf32, #tpu.memory_space<vmem_shared>> -> memref<128x128xf32, #tpu.memory_space<vmem_shared>>
      %dma_start3A_83 = arith.constant 0 : i32
      %dma_start3A_84 = tpu.memref_slice %arg10[%add3A_41, %dma_start3A_83] : memref<10240x128xf32, #tpu.memory_space<vmem_shared>> -> memref<128x128xf32, #tpu.memory_space<vmem_shared>>
      tpu.enqueue_dma source(%dma_start3A_84 : memref<128x128xf32, #tpu.memory_space<vmem_shared>>) target(%arg9 : memref<128x128xf32, #tpu.memory_space<vmem>>) target_semaphore(%run_scoped3A : memref<!tpu.dma_semaphore, #tpu.memory_space<semaphore_mem>>)
      %dma_wait3A = arith.constant 0 : i32
      %dma_wait3A_85 = tpu.memref_slice %arg10[%add3A_41, %dma_wait3A] : memref<10240x128xf32, #tpu.memory_space<vmem_shared>> -> memref<128x128xf32, #tpu.memory_space<vmem_shared>>
      %dma_wait3A_86 = arith.constant 0 : i32
      %dma_wait3A_87 = tpu.memref_slice %arg10[%add3A_41, %dma_wait3A_86] : memref<10240x128xf32, #tpu.memory_space<vmem_shared>> -> memref<128x128xf32, #tpu.memory_space<vmem_shared>>
      tpu.wait_dma2 semaphore(%run_scoped3A : memref<!tpu.dma_semaphore, #tpu.memory_space<semaphore_mem>>) src(%dma_wait3A_87 : memref<128x128xf32, #tpu.memory_space<vmem_shared>>) dst(%arg9 : memref<128x128xf32, #tpu.memory_space<vmem>>)
      tpu.yield
    }) : () -> ()
    %mul3A_42 = arith.constant 10240 : i32
    %mul3A_43 = arith.muli %arg0, %mul3A_42 : i32
    %mul3A_44 = arith.constant 640 : i32
    %mul3A_45 = arith.muli %arg1, %mul3A_44 : i32
    %add3A_46 = arith.addi %mul3A_43, %mul3A_45 : i32
    %add3A_47 = arith.constant 128 : i32
    %add3A_48 = arith.addi %add3A_46, %add3A_47 : i32
    "tpu.region"() ({
      %run_scoped3A = tpu.sem_alloc : memref<!tpu.dma_semaphore, #tpu.memory_space<semaphore_mem>>
      %dma_start3A = arith.constant 0 : i32
      %dma_start3A_82 = tpu.memref_slice %arg6[%add3A_48, %dma_start3A] : memref<20480x128xf32, #tpu.memory_space<hbm>> -> memref<128x128xf32, #tpu.memory_space<hbm>>
      %dma_start3A_83 = arith.constant 0 : i32
      %dma_start3A_84 = tpu.memref_slice %arg6[%add3A_48, %dma_start3A_83] : memref<20480x128xf32, #tpu.memory_space<hbm>> -> memref<128x128xf32, #tpu.memory_space<hbm>>
      tpu.enqueue_dma source(%arg9 : memref<128x128xf32, #tpu.memory_space<vmem>>) target(%dma_start3A_84 : memref<128x128xf32, #tpu.memory_space<hbm>>) target_semaphore(%run_scoped3A : memref<!tpu.dma_semaphore, #tpu.memory_space<semaphore_mem>>)
      %dma_wait3A = arith.constant 0 : i32
      %dma_wait3A_85 = tpu.memref_slice %arg6[%add3A_48, %dma_wait3A] : memref<20480x128xf32, #tpu.memory_space<hbm>> -> memref<128x128xf32, #tpu.memory_space<hbm>>
      %dma_wait3A_86 = arith.constant 0 : i32
      %dma_wait3A_87 = tpu.memref_slice %arg6[%add3A_48, %dma_wait3A_86] : memref<20480x128xf32, #tpu.memory_space<hbm>> -> memref<128x128xf32, #tpu.memory_space<hbm>>
      tpu.wait_dma2 semaphore(%run_scoped3A : memref<!tpu.dma_semaphore, #tpu.memory_space<semaphore_mem>>) src(%arg9 : memref<128x128xf32, #tpu.memory_space<vmem>>) dst(%dma_wait3A_87 : memref<128x128xf32, #tpu.memory_space<hbm>>)
      tpu.yield
    }) : () -> ()
    %mul3A_49 = arith.constant 640 : i32
    %mul3A_50 = arith.muli %arg1, %mul3A_49 : i32
    %add3A_51 = arith.constant 256 : i32
    %add3A_52 = arith.addi %mul3A_50, %add3A_51 : i32
    "tpu.region"() ({
      %run_scoped3A = tpu.sem_alloc : memref<!tpu.dma_semaphore, #tpu.memory_space<semaphore_mem>>
      %dma_start3A = arith.constant 0 : i32
      %dma_start3A_82 = tpu.memref_slice %arg10[%add3A_52, %dma_start3A] : memref<10240x128xf32, #tpu.memory_space<vmem_shared>> -> memref<128x128xf32, #tpu.memory_space<vmem_shared>>
      %dma_start3A_83 = arith.constant 0 : i32
      %dma_start3A_84 = tpu.memref_slice %arg10[%add3A_52, %dma_start3A_83] : memref<10240x128xf32, #tpu.memory_space<vmem_shared>> -> memref<128x128xf32, #tpu.memory_space<vmem_shared>>
      tpu.enqueue_dma source(%dma_start3A_84 : memref<128x128xf32, #tpu.memory_space<vmem_shared>>) target(%arg9 : memref<128x128xf32, #tpu.memory_space<vmem>>) target_semaphore(%run_scoped3A : memref<!tpu.dma_semaphore, #tpu.memory_space<semaphore_mem>>)
      %dma_wait3A = arith.constant 0 : i32
      %dma_wait3A_85 = tpu.memref_slice %arg10[%add3A_52, %dma_wait3A] : memref<10240x128xf32, #tpu.memory_space<vmem_shared>> -> memref<128x128xf32, #tpu.memory_space<vmem_shared>>
      %dma_wait3A_86 = arith.constant 0 : i32
      %dma_wait3A_87 = tpu.memref_slice %arg10[%add3A_52, %dma_wait3A_86] : memref<10240x128xf32, #tpu.memory_space<vmem_shared>> -> memref<128x128xf32, #tpu.memory_space<vmem_shared>>
      tpu.wait_dma2 semaphore(%run_scoped3A : memref<!tpu.dma_semaphore, #tpu.memory_space<semaphore_mem>>) src(%dma_wait3A_87 : memref<128x128xf32, #tpu.memory_space<vmem_shared>>) dst(%arg9 : memref<128x128xf32, #tpu.memory_space<vmem>>)
      tpu.yield
    }) : () -> ()
    %mul3A_53 = arith.constant 10240 : i32
    %mul3A_54 = arith.muli %arg0, %mul3A_53 : i32
    %mul3A_55 = arith.constant 640 : i32
    %mul3A_56 = arith.muli %arg1, %mul3A_55 : i32
    %add3A_57 = arith.addi %mul3A_54, %mul3A_56 : i32
    %add3A_58 = arith.constant 256 : i32
    %add3A_59 = arith.addi %add3A_57, %add3A_58 : i32
    "tpu.region"() ({
      %run_scoped3A = tpu.sem_alloc : memref<!tpu.dma_semaphore, #tpu.memory_space<semaphore_mem>>
      %dma_start3A = arith.constant 0 : i32
      %dma_start3A_82 = tpu.memref_slice %arg6[%add3A_59, %dma_start3A] : memref<20480x128xf32, #tpu.memory_space<hbm>> -> memref<128x128xf32, #tpu.memory_space<hbm>>
      %dma_start3A_83 = arith.constant 0 : i32
      %dma_start3A_84 = tpu.memref_slice %arg6[%add3A_59, %dma_start3A_83] : memref<20480x128xf32, #tpu.memory_space<hbm>> -> memref<128x128xf32, #tpu.memory_space<hbm>>
      tpu.enqueue_dma source(%arg9 : memref<128x128xf32, #tpu.memory_space<vmem>>) target(%dma_start3A_84 : memref<128x128xf32, #tpu.memory_space<hbm>>) target_semaphore(%run_scoped3A : memref<!tpu.dma_semaphore, #tpu.memory_space<semaphore_mem>>)
      %dma_wait3A = arith.constant 0 : i32
      %dma_wait3A_85 = tpu.memref_slice %arg6[%add3A_59, %dma_wait3A] : memref<20480x128xf32, #tpu.memory_space<hbm>> -> memref<128x128xf32, #tpu.memory_space<hbm>>
      %dma_wait3A_86 = arith.constant 0 : i32
      %dma_wait3A_87 = tpu.memref_slice %arg6[%add3A_59, %dma_wait3A_86] : memref<20480x128xf32, #tpu.memory_space<hbm>> -> memref<128x128xf32, #tpu.memory_space<hbm>>
      tpu.wait_dma2 semaphore(%run_scoped3A : memref<!tpu.dma_semaphore, #tpu.memory_space<semaphore_mem>>) src(%arg9 : memref<128x128xf32, #tpu.memory_space<vmem>>) dst(%dma_wait3A_87 : memref<128x128xf32, #tpu.memory_space<hbm>>)
      tpu.yield
    }) : () -> ()
    %mul3A_60 = arith.constant 640 : i32
    %mul3A_61 = arith.muli %arg1, %mul3A_60 : i32
    %add3A_62 = arith.constant 384 : i32
    %add3A_63 = arith.addi %mul3A_61, %add3A_62 : i32
    "tpu.region"() ({
      %run_scoped3A = tpu.sem_alloc : memref<!tpu.dma_semaphore, #tpu.memory_space<semaphore_mem>>
      %dma_start3A = arith.constant 0 : i32
      %dma_start3A_82 = tpu.memref_slice %arg10[%add3A_63, %dma_start3A] : memref<10240x128xf32, #tpu.memory_space<vmem_shared>> -> memref<128x128xf32, #tpu.memory_space<vmem_shared>>
      %dma_start3A_83 = arith.constant 0 : i32
      %dma_start3A_84 = tpu.memref_slice %arg10[%add3A_63, %dma_start3A_83] : memref<10240x128xf32, #tpu.memory_space<vmem_shared>> -> memref<128x128xf32, #tpu.memory_space<vmem_shared>>
      tpu.enqueue_dma source(%dma_start3A_84 : memref<128x128xf32, #tpu.memory_space<vmem_shared>>) target(%arg9 : memref<128x128xf32, #tpu.memory_space<vmem>>) target_semaphore(%run_scoped3A : memref<!tpu.dma_semaphore, #tpu.memory_space<semaphore_mem>>)
      %dma_wait3A = arith.constant 0 : i32
      %dma_wait3A_85 = tpu.memref_slice %arg10[%add3A_63, %dma_wait3A] : memref<10240x128xf32, #tpu.memory_space<vmem_shared>> -> memref<128x128xf32, #tpu.memory_space<vmem_shared>>
      %dma_wait3A_86 = arith.constant 0 : i32
      %dma_wait3A_87 = tpu.memref_slice %arg10[%add3A_63, %dma_wait3A_86] : memref<10240x128xf32, #tpu.memory_space<vmem_shared>> -> memref<128x128xf32, #tpu.memory_space<vmem_shared>>
      tpu.wait_dma2 semaphore(%run_scoped3A : memref<!tpu.dma_semaphore, #tpu.memory_space<semaphore_mem>>) src(%dma_wait3A_87 : memref<128x128xf32, #tpu.memory_space<vmem_shared>>) dst(%arg9 : memref<128x128xf32, #tpu.memory_space<vmem>>)
      tpu.yield
    }) : () -> ()
    %mul3A_64 = arith.constant 10240 : i32
    %mul3A_65 = arith.muli %arg0, %mul3A_64 : i32
    %mul3A_66 = arith.constant 640 : i32
    %mul3A_67 = arith.muli %arg1, %mul3A_66 : i32
    %add3A_68 = arith.addi %mul3A_65, %mul3A_67 : i32
    %add3A_69 = arith.constant 384 : i32
    %add3A_70 = arith.addi %add3A_68, %add3A_69 : i32
    "tpu.region"() ({
      %run_scoped3A = tpu.sem_alloc : memref<!tpu.dma_semaphore, #tpu.memory_space<semaphore_mem>>
      %dma_start3A = arith.constant 0 : i32
      %dma_start3A_82 = tpu.memref_slice %arg6[%add3A_70, %dma_start3A] : memref<20480x128xf32, #tpu.memory_space<hbm>> -> memref<128x128xf32, #tpu.memory_space<hbm>>
      %dma_start3A_83 = arith.constant 0 : i32
      %dma_start3A_84 = tpu.memref_slice %arg6[%add3A_70, %dma_start3A_83] : memref<20480x128xf32, #tpu.memory_space<hbm>> -> memref<128x128xf32, #tpu.memory_space<hbm>>
      tpu.enqueue_dma source(%arg9 : memref<128x128xf32, #tpu.memory_space<vmem>>) target(%dma_start3A_84 : memref<128x128xf32, #tpu.memory_space<hbm>>) target_semaphore(%run_scoped3A : memref<!tpu.dma_semaphore, #tpu.memory_space<semaphore_mem>>)
      %dma_wait3A = arith.constant 0 : i32
      %dma_wait3A_85 = tpu.memref_slice %arg6[%add3A_70, %dma_wait3A] : memref<20480x128xf32, #tpu.memory_space<hbm>> -> memref<128x128xf32, #tpu.memory_space<hbm>>
      %dma_wait3A_86 = arith.constant 0 : i32
      %dma_wait3A_87 = tpu.memref_slice %arg6[%add3A_70, %dma_wait3A_86] : memref<20480x128xf32, #tpu.memory_space<hbm>> -> memref<128x128xf32, #tpu.memory_space<hbm>>
      tpu.wait_dma2 semaphore(%run_scoped3A : memref<!tpu.dma_semaphore, #tpu.memory_space<semaphore_mem>>) src(%arg9 : memref<128x128xf32, #tpu.memory_space<vmem>>) dst(%dma_wait3A_87 : memref<128x128xf32, #tpu.memory_space<hbm>>)
      tpu.yield
    }) : () -> ()
    %mul3A_71 = arith.constant 640 : i32
    %mul3A_72 = arith.muli %arg1, %mul3A_71 : i32
    %add3A_73 = arith.constant 512 : i32
    %add3A_74 = arith.addi %mul3A_72, %add3A_73 : i32
    "tpu.region"() ({
      %run_scoped3A = tpu.sem_alloc : memref<!tpu.dma_semaphore, #tpu.memory_space<semaphore_mem>>
      %dma_start3A = arith.constant 0 : i32
      %dma_start3A_82 = tpu.memref_slice %arg10[%add3A_74, %dma_start3A] : memref<10240x128xf32, #tpu.memory_space<vmem_shared>> -> memref<128x128xf32, #tpu.memory_space<vmem_shared>>
      %dma_start3A_83 = arith.constant 0 : i32
      %dma_start3A_84 = tpu.memref_slice %arg10[%add3A_74, %dma_start3A_83] : memref<10240x128xf32, #tpu.memory_space<vmem_shared>> -> memref<128x128xf32, #tpu.memory_space<vmem_shared>>
      tpu.enqueue_dma source(%dma_start3A_84 : memref<128x128xf32, #tpu.memory_space<vmem_shared>>) target(%arg9 : memref<128x128xf32, #tpu.memory_space<vmem>>) target_semaphore(%run_scoped3A : memref<!tpu.dma_semaphore, #tpu.memory_space<semaphore_mem>>)
      %dma_wait3A = arith.constant 0 : i32
      %dma_wait3A_85 = tpu.memref_slice %arg10[%add3A_74, %dma_wait3A] : memref<10240x128xf32, #tpu.memory_space<vmem_shared>> -> memref<128x128xf32, #tpu.memory_space<vmem_shared>>
      %dma_wait3A_86 = arith.constant 0 : i32
      %dma_wait3A_87 = tpu.memref_slice %arg10[%add3A_74, %dma_wait3A_86] : memref<10240x128xf32, #tpu.memory_space<vmem_shared>> -> memref<128x128xf32, #tpu.memory_space<vmem_shared>>
      tpu.wait_dma2 semaphore(%run_scoped3A : memref<!tpu.dma_semaphore, #tpu.memory_space<semaphore_mem>>) src(%dma_wait3A_87 : memref<128x128xf32, #tpu.memory_space<vmem_shared>>) dst(%arg9 : memref<128x128xf32, #tpu.memory_space<vmem>>)
      tpu.yield
    }) : () -> ()
    %mul3A_75 = arith.constant 10240 : i32
    %mul3A_76 = arith.muli %arg0, %mul3A_75 : i32
    %mul3A_77 = arith.constant 640 : i32
    %mul3A_78 = arith.muli %arg1, %mul3A_77 : i32
    %add3A_79 = arith.addi %mul3A_76, %mul3A_78 : i32
    %add3A_80 = arith.constant 512 : i32
    %add3A_81 = arith.addi %add3A_79, %add3A_80 : i32
    "tpu.region"() ({
      %run_scoped3A = tpu.sem_alloc : memref<!tpu.dma_semaphore, #tpu.memory_space<semaphore_mem>>
      %dma_start3A = arith.constant 0 : i32
      %dma_start3A_82 = tpu.memref_slice %arg6[%add3A_81, %dma_start3A] : memref<20480x128xf32, #tpu.memory_space<hbm>> -> memref<128x128xf32, #tpu.memory_space<hbm>>
      %dma_start3A_83 = arith.constant 0 : i32
      %dma_start3A_84 = tpu.memref_slice %arg6[%add3A_81, %dma_start3A_83] : memref<20480x128xf32, #tpu.memory_space<hbm>> -> memref<128x128xf32, #tpu.memory_space<hbm>>
      tpu.enqueue_dma source(%arg9 : memref<128x128xf32, #tpu.memory_space<vmem>>) target(%dma_start3A_84 : memref<128x128xf32, #tpu.memory_space<hbm>>) target_semaphore(%run_scoped3A : memref<!tpu.dma_semaphore, #tpu.memory_space<semaphore_mem>>)
      %dma_wait3A = arith.constant 0 : i32
      %dma_wait3A_85 = tpu.memref_slice %arg6[%add3A_81, %dma_wait3A] : memref<20480x128xf32, #tpu.memory_space<hbm>> -> memref<128x128xf32, #tpu.memory_space<hbm>>
      %dma_wait3A_86 = arith.constant 0 : i32
      %dma_wait3A_87 = tpu.memref_slice %arg6[%add3A_81, %dma_wait3A_86] : memref<20480x128xf32, #tpu.memory_space<hbm>> -> memref<128x128xf32, #tpu.memory_space<hbm>>
      tpu.wait_dma2 semaphore(%run_scoped3A : memref<!tpu.dma_semaphore, #tpu.memory_space<semaphore_mem>>) src(%arg9 : memref<128x128xf32, #tpu.memory_space<vmem>>) dst(%dma_wait3A_87 : memref<128x128xf32, #tpu.memory_space<hbm>>)
      tpu.yield
    }) : () -> ()
    return
  }
}

#map = affine_map<(d0, d1) -> (0, 0)>
#map1 = affine_map<(d0, d1) -> (0, 0, 0)>
module attributes {stable_mosaic.version = 14 : i64} {
  func.func @run(%arg0: i32, %arg1: i32, %arg2: memref<10000x128xf32, #tpu.memory_space<hbm>>, %arg3: memref<32x79x128xi32, #tpu.memory_space<hbm>>, %arg4: memref<32x79x128xi32, #tpu.memory_space<hbm>>, %arg5: memref<128x128xf32, #tpu.memory_space<hbm>>, %arg6: memref<20480x128xf32, #tpu.memory_space<hbm>>, %arg7: memref<79x128xi32, #tpu.memory_space<vmem>>, %arg8: memref<79x128xi32, #tpu.memory_space<vmem>>, %arg9: memref<128x128xf32, #tpu.memory_space<vmem>>, %arg10: memref<10240x128xf32, #tpu.memory_space<vmem_shared>>) attributes {dimension_semantics = [#tpu.dimension_semantics<core_parallel>, #tpu.dimension_semantics<subcore_parallel>], iteration_bounds = array<i64: 2, 16>, scalar_prefetch = 0 : i64, scratch_operands = 4 : i64, tpu.core_type = #tpu.core_type<sc_vector_subcore>, window_params = [{transform_indices = #map}, {transform_indices = #map1}, {transform_indices = #map1}, {transform_indices = #map}, {transform_indices = #map}]} {
    %mul3A = arith.constant 16 : i32
    %mul3A_0 = arith.muli %arg0, %mul3A : i32
    %add3A = arith.addi %mul3A_0, %arg1 : i32
    "tpu.region"() ({
      %run_scoped3A = tpu.sem_alloc : memref<!tpu.dma_semaphore, #tpu.memory_space<semaphore_mem>>
      tpu.enqueue_dma source(%arg5 : memref<128x128xf32, #tpu.memory_space<hbm>>) target(%arg9 : memref<128x128xf32, #tpu.memory_space<vmem>>) target_semaphore(%run_scoped3A : memref<!tpu.dma_semaphore, #tpu.memory_space<semaphore_mem>>)
      tpu.wait_dma2 semaphore(%run_scoped3A : memref<!tpu.dma_semaphore, #tpu.memory_space<semaphore_mem>>) src(%arg5 : memref<128x128xf32, #tpu.memory_space<hbm>>) dst(%arg9 : memref<128x128xf32, #tpu.memory_space<vmem>>)
      tpu.yield
    }) : () -> ()
    %mul3A_1 = arith.constant 640 : i32
    %mul3A_2 = arith.muli %arg1, %mul3A_1 : i32
    %add3A_3 = arith.constant 0 : i32
    %add3A_4 = arith.addi %mul3A_2, %add3A_3 : i32
    "tpu.region"() ({
      %run_scoped3A = tpu.sem_alloc : memref<!tpu.dma_semaphore, #tpu.memory_space<semaphore_mem>>
      %dma_start3A = arith.constant 0 : i32
      %dma_start3A_82 = tpu.memref_slice %arg10[%add3A_4, %dma_start3A] : memref<10240x128xf32, #tpu.memory_space<vmem_shared>> -> memref<128x128xf32, #tpu.memory_space<vmem_shared>>
      %dma_start3A_83 = arith.constant 0 : i32
      %dma_start3A_84 = tpu.memref_slice %arg10[%add3A_4, %dma_start3A_83] : memref<10240x128xf32, #tpu.memory_space<vmem_shared>> -> memref<128x128xf32, #tpu.memory_space<vmem_shared>>
      tpu.enqueue_dma source(%arg9 : memref<128x128xf32, #tpu.memory_space<vmem>>) target(%dma_start3A_84 : memref<128x128xf32, #tpu.memory_space<vmem_shared>>) target_semaphore(%run_scoped3A : memref<!tpu.dma_semaphore, #tpu.memory_space<semaphore_mem>>)
      %dma_wait3A = arith.constant 0 : i32
      %dma_wait3A_85 = tpu.memref_slice %arg10[%add3A_4, %dma_wait3A] : memref<10240x128xf32, #tpu.memory_space<vmem_shared>> -> memref<128x128xf32, #tpu.memory_space<vmem_shared>>
      %dma_wait3A_86 = arith.constant 0 : i32
      %dma_wait3A_87 = tpu.memref_slice %arg10[%add3A_4, %dma_wait3A_86] : memref<10240x128xf32, #tpu.memory_space<vmem_shared>> -> memref<128x128xf32, #tpu.memory_space<vmem_shared>>
      tpu.wait_dma2 semaphore(%run_scoped3A : memref<!tpu.dma_semaphore, #tpu.memory_space<semaphore_mem>>) src(%arg9 : memref<128x128xf32, #tpu.memory_space<vmem>>) dst(%dma_wait3A_87 : memref<128x128xf32, #tpu.memory_space<vmem_shared>>)
      tpu.yield
    }) : () -> ()
    %mul3A_5 = arith.constant 640 : i32
    %mul3A_6 = arith.muli %arg1, %mul3A_5 : i32
    %add3A_7 = arith.constant 128 : i32
    %add3A_8 = arith.addi %mul3A_6, %add3A_7 : i32
    "tpu.region"() ({
      %run_scoped3A = tpu.sem_alloc : memref<!tpu.dma_semaphore, #tpu.memory_space<semaphore_mem>>
      %dma_start3A = arith.constant 0 : i32
      %dma_start3A_82 = tpu.memref_slice %arg10[%add3A_8, %dma_start3A] : memref<10240x128xf32, #tpu.memory_space<vmem_shared>> -> memref<128x128xf32, #tpu.memory_space<vmem_shared>>
      %dma_start3A_83 = arith.constant 0 : i32
      %dma_start3A_84 = tpu.memref_slice %arg10[%add3A_8, %dma_start3A_83] : memref<10240x128xf32, #tpu.memory_space<vmem_shared>> -> memref<128x128xf32, #tpu.memory_space<vmem_shared>>
      tpu.enqueue_dma source(%arg9 : memref<128x128xf32, #tpu.memory_space<vmem>>) target(%dma_start3A_84 : memref<128x128xf32, #tpu.memory_space<vmem_shared>>) target_semaphore(%run_scoped3A : memref<!tpu.dma_semaphore, #tpu.memory_space<semaphore_mem>>)
      %dma_wait3A = arith.constant 0 : i32
      %dma_wait3A_85 = tpu.memref_slice %arg10[%add3A_8, %dma_wait3A] : memref<10240x128xf32, #tpu.memory_space<vmem_shared>> -> memref<128x128xf32, #tpu.memory_space<vmem_shared>>
      %dma_wait3A_86 = arith.constant 0 : i32
      %dma_wait3A_87 = tpu.memref_slice %arg10[%add3A_8, %dma_wait3A_86] : memref<10240x128xf32, #tpu.memory_space<vmem_shared>> -> memref<128x128xf32, #tpu.memory_space<vmem_shared>>
      tpu.wait_dma2 semaphore(%run_scoped3A : memref<!tpu.dma_semaphore, #tpu.memory_space<semaphore_mem>>) src(%arg9 : memref<128x128xf32, #tpu.memory_space<vmem>>) dst(%dma_wait3A_87 : memref<128x128xf32, #tpu.memory_space<vmem_shared>>)
      tpu.yield
    }) : () -> ()
    %mul3A_9 = arith.constant 640 : i32
    %mul3A_10 = arith.muli %arg1, %mul3A_9 : i32
    %add3A_11 = arith.constant 256 : i32
    %add3A_12 = arith.addi %mul3A_10, %add3A_11 : i32
    "tpu.region"() ({
      %run_scoped3A = tpu.sem_alloc : memref<!tpu.dma_semaphore, #tpu.memory_space<semaphore_mem>>
      %dma_start3A = arith.constant 0 : i32
      %dma_start3A_82 = tpu.memref_slice %arg10[%add3A_12, %dma_start3A] : memref<10240x128xf32, #tpu.memory_space<vmem_shared>> -> memref<128x128xf32, #tpu.memory_space<vmem_shared>>
      %dma_start3A_83 = arith.constant 0 : i32
      %dma_start3A_84 = tpu.memref_slice %arg10[%add3A_12, %dma_start3A_83] : memref<10240x128xf32, #tpu.memory_space<vmem_shared>> -> memref<128x128xf32, #tpu.memory_space<vmem_shared>>
      tpu.enqueue_dma source(%arg9 : memref<128x128xf32, #tpu.memory_space<vmem>>) target(%dma_start3A_84 : memref<128x128xf32, #tpu.memory_space<vmem_shared>>) target_semaphore(%run_scoped3A : memref<!tpu.dma_semaphore, #tpu.memory_space<semaphore_mem>>)
      %dma_wait3A = arith.constant 0 : i32
      %dma_wait3A_85 = tpu.memref_slice %arg10[%add3A_12, %dma_wait3A] : memref<10240x128xf32, #tpu.memory_space<vmem_shared>> -> memref<128x128xf32, #tpu.memory_space<vmem_shared>>
      %dma_wait3A_86 = arith.constant 0 : i32
      %dma_wait3A_87 = tpu.memref_slice %arg10[%add3A_12, %dma_wait3A_86] : memref<10240x128xf32, #tpu.memory_space<vmem_shared>> -> memref<128x128xf32, #tpu.memory_space<vmem_shared>>
      tpu.wait_dma2 semaphore(%run_scoped3A : memref<!tpu.dma_semaphore, #tpu.memory_space<semaphore_mem>>) src(%arg9 : memref<128x128xf32, #tpu.memory_space<vmem>>) dst(%dma_wait3A_87 : memref<128x128xf32, #tpu.memory_space<vmem_shared>>)
      tpu.yield
    }) : () -> ()
    %mul3A_13 = arith.constant 640 : i32
    %mul3A_14 = arith.muli %arg1, %mul3A_13 : i32
    %add3A_15 = arith.constant 384 : i32
    %add3A_16 = arith.addi %mul3A_14, %add3A_15 : i32
    "tpu.region"() ({
      %run_scoped3A = tpu.sem_alloc : memref<!tpu.dma_semaphore, #tpu.memory_space<semaphore_mem>>
      %dma_start3A = arith.constant 0 : i32
      %dma_start3A_82 = tpu.memref_slice %arg10[%add3A_16, %dma_start3A] : memref<10240x128xf32, #tpu.memory_space<vmem_shared>> -> memref<128x128xf32, #tpu.memory_space<vmem_shared>>
      %dma_start3A_83 = arith.constant 0 : i32
      %dma_start3A_84 = tpu.memref_slice %arg10[%add3A_16, %dma_start3A_83] : memref<10240x128xf32, #tpu.memory_space<vmem_shared>> -> memref<128x128xf32, #tpu.memory_space<vmem_shared>>
      tpu.enqueue_dma source(%arg9 : memref<128x128xf32, #tpu.memory_space<vmem>>) target(%dma_start3A_84 : memref<128x128xf32, #tpu.memory_space<vmem_shared>>) target_semaphore(%run_scoped3A : memref<!tpu.dma_semaphore, #tpu.memory_space<semaphore_mem>>)
      %dma_wait3A = arith.constant 0 : i32
      %dma_wait3A_85 = tpu.memref_slice %arg10[%add3A_16, %dma_wait3A] : memref<10240x128xf32, #tpu.memory_space<vmem_shared>> -> memref<128x128xf32, #tpu.memory_space<vmem_shared>>
      %dma_wait3A_86 = arith.constant 0 : i32
      %dma_wait3A_87 = tpu.memref_slice %arg10[%add3A_16, %dma_wait3A_86] : memref<10240x128xf32, #tpu.memory_space<vmem_shared>> -> memref<128x128xf32, #tpu.memory_space<vmem_shared>>
      tpu.wait_dma2 semaphore(%run_scoped3A : memref<!tpu.dma_semaphore, #tpu.memory_space<semaphore_mem>>) src(%arg9 : memref<128x128xf32, #tpu.memory_space<vmem>>) dst(%dma_wait3A_87 : memref<128x128xf32, #tpu.memory_space<vmem_shared>>)
      tpu.yield
    }) : () -> ()
    %mul3A_17 = arith.constant 640 : i32
    %mul3A_18 = arith.muli %arg1, %mul3A_17 : i32
    %add3A_19 = arith.constant 512 : i32
    %add3A_20 = arith.addi %mul3A_18, %add3A_19 : i32
    "tpu.region"() ({
      %run_scoped3A = tpu.sem_alloc : memref<!tpu.dma_semaphore, #tpu.memory_space<semaphore_mem>>
      %dma_start3A = arith.constant 0 : i32
      %dma_start3A_82 = tpu.memref_slice %arg10[%add3A_20, %dma_start3A] : memref<10240x128xf32, #tpu.memory_space<vmem_shared>> -> memref<128x128xf32, #tpu.memory_space<vmem_shared>>
      %dma_start3A_83 = arith.constant 0 : i32
      %dma_start3A_84 = tpu.memref_slice %arg10[%add3A_20, %dma_start3A_83] : memref<10240x128xf32, #tpu.memory_space<vmem_shared>> -> memref<128x128xf32, #tpu.memory_space<vmem_shared>>
      tpu.enqueue_dma source(%arg9 : memref<128x128xf32, #tpu.memory_space<vmem>>) target(%dma_start3A_84 : memref<128x128xf32, #tpu.memory_space<vmem_shared>>) target_semaphore(%run_scoped3A : memref<!tpu.dma_semaphore, #tpu.memory_space<semaphore_mem>>)
      %dma_wait3A = arith.constant 0 : i32
      %dma_wait3A_85 = tpu.memref_slice %arg10[%add3A_20, %dma_wait3A] : memref<10240x128xf32, #tpu.memory_space<vmem_shared>> -> memref<128x128xf32, #tpu.memory_space<vmem_shared>>
      %dma_wait3A_86 = arith.constant 0 : i32
      %dma_wait3A_87 = tpu.memref_slice %arg10[%add3A_20, %dma_wait3A_86] : memref<10240x128xf32, #tpu.memory_space<vmem_shared>> -> memref<128x128xf32, #tpu.memory_space<vmem_shared>>
      tpu.wait_dma2 semaphore(%run_scoped3A : memref<!tpu.dma_semaphore, #tpu.memory_space<semaphore_mem>>) src(%arg9 : memref<128x128xf32, #tpu.memory_space<vmem>>) dst(%dma_wait3A_87 : memref<128x128xf32, #tpu.memory_space<vmem_shared>>)
      tpu.yield
    }) : () -> ()
    "tpu.region"() ({
      %run_scoped3A = tpu.sem_alloc : memref<!tpu.dma_semaphore, #tpu.memory_space<semaphore_mem>>
      %dma_start3A = arith.constant 0 : i32
      %dma_start3A_82 = arith.constant 0 : i32
      %dma_start3A_83 = tpu.memref_slice %arg3[%add3A, %dma_start3A, %dma_start3A_82] : memref<32x79x128xi32, #tpu.memory_space<hbm>> -> memref<1x79x128xi32, #tpu.memory_space<hbm>>
      %dma_start3A_84 = tpu.memref_squeeze %dma_start3A_83 : memref<1x79x128xi32, #tpu.memory_space<hbm>> -> memref<79x128xi32, #tpu.memory_space<hbm>>
      %dma_start3A_85 = arith.constant 0 : i32
      %dma_start3A_86 = arith.constant 0 : i32
      %dma_start3A_87 = tpu.memref_slice %arg3[%add3A, %dma_start3A_85, %dma_start3A_86] : memref<32x79x128xi32, #tpu.memory_space<hbm>> -> memref<1x79x128xi32, #tpu.memory_space<hbm>>
      %dma_start3A_88 = tpu.memref_squeeze %dma_start3A_87 : memref<1x79x128xi32, #tpu.memory_space<hbm>> -> memref<79x128xi32, #tpu.memory_space<hbm>>
      tpu.enqueue_dma source(%dma_start3A_88 : memref<79x128xi32, #tpu.memory_space<hbm>>) target(%arg7 : memref<79x128xi32, #tpu.memory_space<vmem>>) target_semaphore(%run_scoped3A : memref<!tpu.dma_semaphore, #tpu.memory_space<semaphore_mem>>)
      %dma_wait3A = arith.constant 0 : i32
      %dma_wait3A_89 = arith.constant 0 : i32
      %dma_wait3A_90 = tpu.memref_slice %arg3[%add3A, %dma_wait3A, %dma_wait3A_89] : memref<32x79x128xi32, #tpu.memory_space<hbm>> -> memref<1x79x128xi32, #tpu.memory_space<hbm>>
      %dma_wait3A_91 = tpu.memref_squeeze %dma_wait3A_90 : memref<1x79x128xi32, #tpu.memory_space<hbm>> -> memref<79x128xi32, #tpu.memory_space<hbm>>
      %dma_wait3A_92 = arith.constant 0 : i32
      %dma_wait3A_93 = arith.constant 0 : i32
      %dma_wait3A_94 = tpu.memref_slice %arg3[%add3A, %dma_wait3A_92, %dma_wait3A_93] : memref<32x79x128xi32, #tpu.memory_space<hbm>> -> memref<1x79x128xi32, #tpu.memory_space<hbm>>
      %dma_wait3A_95 = tpu.memref_squeeze %dma_wait3A_94 : memref<1x79x128xi32, #tpu.memory_space<hbm>> -> memref<79x128xi32, #tpu.memory_space<hbm>>
      tpu.wait_dma2 semaphore(%run_scoped3A : memref<!tpu.dma_semaphore, #tpu.memory_space<semaphore_mem>>) src(%dma_wait3A_95 : memref<79x128xi32, #tpu.memory_space<hbm>>) dst(%arg7 : memref<79x128xi32, #tpu.memory_space<vmem>>)
      tpu.yield
    }) : () -> ()
    "tpu.region"() ({
      %run_scoped3A = tpu.sem_alloc : memref<!tpu.dma_semaphore, #tpu.memory_space<semaphore_mem>>
      %dma_start3A = arith.constant 0 : i32
      %dma_start3A_82 = arith.constant 0 : i32
      %dma_start3A_83 = tpu.memref_slice %arg4[%add3A, %dma_start3A, %dma_start3A_82] : memref<32x79x128xi32, #tpu.memory_space<hbm>> -> memref<1x79x128xi32, #tpu.memory_space<hbm>>
      %dma_start3A_84 = tpu.memref_squeeze %dma_start3A_83 : memref<1x79x128xi32, #tpu.memory_space<hbm>> -> memref<79x128xi32, #tpu.memory_space<hbm>>
      %dma_start3A_85 = arith.constant 0 : i32
      %dma_start3A_86 = arith.constant 0 : i32
      %dma_start3A_87 = tpu.memref_slice %arg4[%add3A, %dma_start3A_85, %dma_start3A_86] : memref<32x79x128xi32, #tpu.memory_space<hbm>> -> memref<1x79x128xi32, #tpu.memory_space<hbm>>
      %dma_start3A_88 = tpu.memref_squeeze %dma_start3A_87 : memref<1x79x128xi32, #tpu.memory_space<hbm>> -> memref<79x128xi32, #tpu.memory_space<hbm>>
      tpu.enqueue_dma source(%dma_start3A_88 : memref<79x128xi32, #tpu.memory_space<hbm>>) target(%arg8 : memref<79x128xi32, #tpu.memory_space<vmem>>) target_semaphore(%run_scoped3A : memref<!tpu.dma_semaphore, #tpu.memory_space<semaphore_mem>>)
      %dma_wait3A = arith.constant 0 : i32
      %dma_wait3A_89 = arith.constant 0 : i32
      %dma_wait3A_90 = tpu.memref_slice %arg4[%add3A, %dma_wait3A, %dma_wait3A_89] : memref<32x79x128xi32, #tpu.memory_space<hbm>> -> memref<1x79x128xi32, #tpu.memory_space<hbm>>
      %dma_wait3A_91 = tpu.memref_squeeze %dma_wait3A_90 : memref<1x79x128xi32, #tpu.memory_space<hbm>> -> memref<79x128xi32, #tpu.memory_space<hbm>>
      %dma_wait3A_92 = arith.constant 0 : i32
      %dma_wait3A_93 = arith.constant 0 : i32
      %dma_wait3A_94 = tpu.memref_slice %arg4[%add3A, %dma_wait3A_92, %dma_wait3A_93] : memref<32x79x128xi32, #tpu.memory_space<hbm>> -> memref<1x79x128xi32, #tpu.memory_space<hbm>>
      %dma_wait3A_95 = tpu.memref_squeeze %dma_wait3A_94 : memref<1x79x128xi32, #tpu.memory_space<hbm>> -> memref<79x128xi32, #tpu.memory_space<hbm>>
      tpu.wait_dma2 semaphore(%run_scoped3A : memref<!tpu.dma_semaphore, #tpu.memory_space<semaphore_mem>>) src(%dma_wait3A_95 : memref<79x128xi32, #tpu.memory_space<hbm>>) dst(%arg8 : memref<79x128xi32, #tpu.memory_space<vmem>>)
      tpu.yield
    }) : () -> ()
    %barrier3A = arith.constant 0 : index
    tpu.barrier barrier_id(%barrier3A)
    %scan3A = arith.constant 0 : i32
    %scan3A_21 = arith.constant 0 : i32
    %scan3A_22 = arith.constant 79 : i32
    %scan3A_23 = arith.addi %scan3A_21, %scan3A_22 : i32
    %scan3A_24 = arith.constant 1 : i32
    scf.for %scan3A_82 = %scan3A_21 to %scan3A_23 step %scan3A_24  : i32 {
      "tpu.region"() ({
        %run_scoped3A = tpu.sem_alloc : memref<!tpu.dma_semaphore, #tpu.memory_space<semaphore_mem>>
        %dma_start3A = arith.constant 0 : i32
        %dma_start3A_83 = tpu.memref_slice %arg7[%scan3A_82, %dma_start3A] : memref<79x128xi32, #tpu.memory_space<vmem>> -> memref<1x128xi32, #tpu.memory_space<vmem>>
        %dma_start3A_84 = tpu.memref_squeeze %dma_start3A_83 : memref<1x128xi32, #tpu.memory_space<vmem>> -> memref<128xi32, #tpu.memory_space<vmem>>
        %dma_start3A_85 = arith.constant 0 : i32
        %dma_start3A_86 = arith.constant 0 : i32
        %dma_start3A_87 = tpu.memref_slice %arg2[%dma_start3A_85, %dma_start3A_86] : memref<10000x128xf32, #tpu.memory_space<hbm>> -> memref<10000x128xf32, #tpu.memory_space<hbm>>
        tpu.enqueue_indirect_dma source(%dma_start3A_87 : memref<10000x128xf32, #tpu.memory_space<hbm>>) target(%arg9 : memref<128x128xf32, #tpu.memory_space<vmem>>) offsets(%dma_start3A_84 : memref<128xi32, #tpu.memory_space<vmem>>) semaphore(%run_scoped3A : memref<!tpu.dma_semaphore, #tpu.memory_space<semaphore_mem>>)
        %dma_wait3A = arith.constant 0 : i32
        %dma_wait3A_88 = tpu.memref_slice %arg7[%scan3A_82, %dma_wait3A] : memref<79x128xi32, #tpu.memory_space<vmem>> -> memref<1x128xi32, #tpu.memory_space<vmem>>
        %dma_wait3A_89 = tpu.memref_squeeze %dma_wait3A_88 : memref<1x128xi32, #tpu.memory_space<vmem>> -> memref<128xi32, #tpu.memory_space<vmem>>
        %dma_wait3A_90 = arith.constant 0 : i32
        %dma_wait3A_91 = arith.constant 0 : i32
        %dma_wait3A_92 = tpu.memref_slice %arg2[%dma_wait3A_90, %dma_wait3A_91] : memref<10000x128xf32, #tpu.memory_space<hbm>> -> memref<10000x128xf32, #tpu.memory_space<hbm>>
        tpu.wait_indirect_dma semaphore(%run_scoped3A : memref<!tpu.dma_semaphore, #tpu.memory_space<semaphore_mem>>) src(%dma_wait3A_92 : memref<10000x128xf32, #tpu.memory_space<hbm>>) dst(%arg9 : memref<128x128xf32, #tpu.memory_space<vmem>>)
        tpu.yield
      }) : () -> ()
      "tpu.region"() ({
        %run_scoped3A = tpu.sem_alloc : memref<!tpu.dma_semaphore, #tpu.memory_space<semaphore_mem>>
        %dma_start3A = arith.constant 0 : i32
        %dma_start3A_83 = tpu.memref_slice %arg8[%scan3A_82, %dma_start3A] : memref<79x128xi32, #tpu.memory_space<vmem>> -> memref<1x128xi32, #tpu.memory_space<vmem>>
        %dma_start3A_84 = tpu.memref_squeeze %dma_start3A_83 : memref<1x128xi32, #tpu.memory_space<vmem>> -> memref<128xi32, #tpu.memory_space<vmem>>
        %dma_start3A_85 = arith.constant 0 : i32
        %dma_start3A_86 = arith.constant 0 : i32
        %dma_start3A_87 = tpu.memref_slice %arg10[%dma_start3A_85, %dma_start3A_86] : memref<10240x128xf32, #tpu.memory_space<vmem_shared>> -> memref<10240x128xf32, #tpu.memory_space<vmem_shared>>
        tpu.enqueue_indirect_dma source(%arg9 : memref<128x128xf32, #tpu.memory_space<vmem>>) target(%dma_start3A_87 : memref<10240x128xf32, #tpu.memory_space<vmem_shared>>) offsets(%dma_start3A_84 : memref<128xi32, #tpu.memory_space<vmem>>) semaphore(%run_scoped3A : memref<!tpu.dma_semaphore, #tpu.memory_space<semaphore_mem>>) {add = true}
        %dma_wait3A = arith.constant 0 : i32
        %dma_wait3A_88 = tpu.memref_slice %arg8[%scan3A_82, %dma_wait3A] : memref<79x128xi32, #tpu.memory_space<vmem>> -> memref<1x128xi32, #tpu.memory_space<vmem>>
        %dma_wait3A_89 = tpu.memref_squeeze %dma_wait3A_88 : memref<1x128xi32, #tpu.memory_space<vmem>> -> memref<128xi32, #tpu.memory_space<vmem>>
        %dma_wait3A_90 = arith.constant 0 : i32
        %dma_wait3A_91 = arith.constant 0 : i32
        %dma_wait3A_92 = tpu.memref_slice %arg10[%dma_wait3A_90, %dma_wait3A_91] : memref<10240x128xf32, #tpu.memory_space<vmem_shared>> -> memref<10240x128xf32, #tpu.memory_space<vmem_shared>>
        tpu.wait_indirect_dma semaphore(%run_scoped3A : memref<!tpu.dma_semaphore, #tpu.memory_space<semaphore_mem>>) src(%arg9 : memref<128x128xf32, #tpu.memory_space<vmem>>) dst(%dma_wait3A_92 : memref<10240x128xf32, #tpu.memory_space<vmem_shared>>)
        tpu.yield
      }) : () -> ()
    }
    %scan3A_25 = arith.constant 79 : i32
    %barrier3A_26 = arith.constant 0 : index
    tpu.barrier barrier_id(%barrier3A_26)
    %mul3A_27 = arith.constant 640 : i32
    %mul3A_28 = arith.muli %arg1, %mul3A_27 : i32
    %add3A_29 = arith.constant 0 : i32
    %add3A_30 = arith.addi %mul3A_28, %add3A_29 : i32
    "tpu.region"() ({
      %run_scoped3A = tpu.sem_alloc : memref<!tpu.dma_semaphore, #tpu.memory_space<semaphore_mem>>
      %dma_start3A = arith.constant 0 : i32
      %dma_start3A_82 = tpu.memref_slice %arg10[%add3A_30, %dma_start3A] : memref<10240x128xf32, #tpu.memory_space<vmem_shared>> -> memref<128x128xf32, #tpu.memory_space<vmem_shared>>
      %dma_start3A_83 = arith.constant 0 : i32
      %dma_start3A_84 = tpu.memref_slice %arg10[%add3A_30, %dma_start3A_83] : memref<10240x128xf32, #tpu.memory_space<vmem_shared>> -> memref<128x128xf32, #tpu.memory_space<vmem_shared>>
      tpu.enqueue_dma source(%dma_start3A_84 : memref<128x128xf32, #tpu.memory_space<vmem_shared>>) target(%arg9 : memref<128x128xf32, #tpu.memory_space<vmem>>) target_semaphore(%run_scoped3A : memref<!tpu.dma_semaphore, #tpu.memory_space<semaphore_mem>>)
      %dma_wait3A = arith.constant 0 : i32
      %dma_wait3A_85 = tpu.memref_slice %arg10[%add3A_30, %dma_wait3A] : memref<10240x128xf32, #tpu.memory_space<vmem_shared>> -> memref<128x128xf32, #tpu.memory_space<vmem_shared>>
      %dma_wait3A_86 = arith.constant 0 : i32
      %dma_wait3A_87 = tpu.memref_slice %arg10[%add3A_30, %dma_wait3A_86] : memref<10240x128xf32, #tpu.memory_space<vmem_shared>> -> memref<128x128xf32, #tpu.memory_space<vmem_shared>>
      tpu.wait_dma2 semaphore(%run_scoped3A : memref<!tpu.dma_semaphore, #tpu.memory_space<semaphore_mem>>) src(%dma_wait3A_87 : memref<128x128xf32, #tpu.memory_space<vmem_shared>>) dst(%arg9 : memref<128x128xf32, #tpu.memory_space<vmem>>)
      tpu.yield
    }) : () -> ()
    %mul3A_31 = arith.constant 10240 : i32
    %mul3A_32 = arith.muli %arg0, %mul3A_31 : i32
    %mul3A_33 = arith.constant 640 : i32
    %mul3A_34 = arith.muli %arg1, %mul3A_33 : i32
    %add3A_35 = arith.addi %mul3A_32, %mul3A_34 : i32
    %add3A_36 = arith.constant 0 : i32
    %add3A_37 = arith.addi %add3A_35, %add3A_36 : i32
    "tpu.region"() ({
      %run_scoped3A = tpu.sem_alloc : memref<!tpu.dma_semaphore, #tpu.memory_space<semaphore_mem>>
      %dma_start3A = arith.constant 0 : i32
      %dma_start3A_82 = tpu.memref_slice %arg6[%add3A_37, %dma_start3A] : memref<20480x128xf32, #tpu.memory_space<hbm>> -> memref<128x128xf32, #tpu.memory_space<hbm>>
      %dma_start3A_83 = arith.constant 0 : i32
      %dma_start3A_84 = tpu.memref_slice %arg6[%add3A_37, %dma_start3A_83] : memref<20480x128xf32, #tpu.memory_space<hbm>> -> memref<128x128xf32, #tpu.memory_space<hbm>>
      tpu.enqueue_dma source(%arg9 : memref<128x128xf32, #tpu.memory_space<vmem>>) target(%dma_start3A_84 : memref<128x128xf32, #tpu.memory_space<hbm>>) target_semaphore(%run_scoped3A : memref<!tpu.dma_semaphore, #tpu.memory_space<semaphore_mem>>)
      %dma_wait3A = arith.constant 0 : i32
      %dma_wait3A_85 = tpu.memref_slice %arg6[%add3A_37, %dma_wait3A] : memref<20480x128xf32, #tpu.memory_space<hbm>> -> memref<128x128xf32, #tpu.memory_space<hbm>>
      %dma_wait3A_86 = arith.constant 0 : i32
      %dma_wait3A_87 = tpu.memref_slice %arg6[%add3A_37, %dma_wait3A_86] : memref<20480x128xf32, #tpu.memory_space<hbm>> -> memref<128x128xf32, #tpu.memory_space<hbm>>
      tpu.wait_dma2 semaphore(%run_scoped3A : memref<!tpu.dma_semaphore, #tpu.memory_space<semaphore_mem>>) src(%arg9 : memref<128x128xf32, #tpu.memory_space<vmem>>) dst(%dma_wait3A_87 : memref<128x128xf32, #tpu.memory_space<hbm>>)
      tpu.yield
    }) : () -> ()
    %mul3A_38 = arith.constant 640 : i32
    %mul3A_39 = arith.muli %arg1, %mul3A_38 : i32
    %add3A_40 = arith.constant 128 : i32
    %add3A_41 = arith.addi %mul3A_39, %add3A_40 : i32
    "tpu.region"() ({
      %run_scoped3A = tpu.sem_alloc : memref<!tpu.dma_semaphore, #tpu.memory_space<semaphore_mem>>
      %dma_start3A = arith.constant 0 : i32
      %dma_start3A_82 = tpu.memref_slice %arg10[%add3A_41, %dma_start3A] : memref<10240x128xf32, #tpu.memory_space<vmem_shared>> -> memref<128x128xf32, #tpu.memory_space<vmem_shared>>
      %dma_start3A_83 = arith.constant 0 : i32
      %dma_start3A_84 = tpu.memref_slice %arg10[%add3A_41, %dma_start3A_83] : memref<10240x128xf32, #tpu.memory_space<vmem_shared>> -> memref<128x128xf32, #tpu.memory_space<vmem_shared>>
      tpu.enqueue_dma source(%dma_start3A_84 : memref<128x128xf32, #tpu.memory_space<vmem_shared>>) target(%arg9 : memref<128x128xf32, #tpu.memory_space<vmem>>) target_semaphore(%run_scoped3A : memref<!tpu.dma_semaphore, #tpu.memory_space<semaphore_mem>>)
      %dma_wait3A = arith.constant 0 : i32
      %dma_wait3A_85 = tpu.memref_slice %arg10[%add3A_41, %dma_wait3A] : memref<10240x128xf32, #tpu.memory_space<vmem_shared>> -> memref<128x128xf32, #tpu.memory_space<vmem_shared>>
      %dma_wait3A_86 = arith.constant 0 : i32
      %dma_wait3A_87 = tpu.memref_slice %arg10[%add3A_41, %dma_wait3A_86] : memref<10240x128xf32, #tpu.memory_space<vmem_shared>> -> memref<128x128xf32, #tpu.memory_space<vmem_shared>>
      tpu.wait_dma2 semaphore(%run_scoped3A : memref<!tpu.dma_semaphore, #tpu.memory_space<semaphore_mem>>) src(%dma_wait3A_87 : memref<128x128xf32, #tpu.memory_space<vmem_shared>>) dst(%arg9 : memref<128x128xf32, #tpu.memory_space<vmem>>)
      tpu.yield
    }) : () -> ()
    %mul3A_42 = arith.constant 10240 : i32
    %mul3A_43 = arith.muli %arg0, %mul3A_42 : i32
    %mul3A_44 = arith.constant 640 : i32
    %mul3A_45 = arith.muli %arg1, %mul3A_44 : i32
    %add3A_46 = arith.addi %mul3A_43, %mul3A_45 : i32
    %add3A_47 = arith.constant 128 : i32
    %add3A_48 = arith.addi %add3A_46, %add3A_47 : i32
    "tpu.region"() ({
      %run_scoped3A = tpu.sem_alloc : memref<!tpu.dma_semaphore, #tpu.memory_space<semaphore_mem>>
      %dma_start3A = arith.constant 0 : i32
      %dma_start3A_82 = tpu.memref_slice %arg6[%add3A_48, %dma_start3A] : memref<20480x128xf32, #tpu.memory_space<hbm>> -> memref<128x128xf32, #tpu.memory_space<hbm>>
      %dma_start3A_83 = arith.constant 0 : i32
      %dma_start3A_84 = tpu.memref_slice %arg6[%add3A_48, %dma_start3A_83] : memref<20480x128xf32, #tpu.memory_space<hbm>> -> memref<128x128xf32, #tpu.memory_space<hbm>>
      tpu.enqueue_dma source(%arg9 : memref<128x128xf32, #tpu.memory_space<vmem>>) target(%dma_start3A_84 : memref<128x128xf32, #tpu.memory_space<hbm>>) target_semaphore(%run_scoped3A : memref<!tpu.dma_semaphore, #tpu.memory_space<semaphore_mem>>)
      %dma_wait3A = arith.constant 0 : i32
      %dma_wait3A_85 = tpu.memref_slice %arg6[%add3A_48, %dma_wait3A] : memref<20480x128xf32, #tpu.memory_space<hbm>> -> memref<128x128xf32, #tpu.memory_space<hbm>>
      %dma_wait3A_86 = arith.constant 0 : i32
      %dma_wait3A_87 = tpu.memref_slice %arg6[%add3A_48, %dma_wait3A_86] : memref<20480x128xf32, #tpu.memory_space<hbm>> -> memref<128x128xf32, #tpu.memory_space<hbm>>
      tpu.wait_dma2 semaphore(%run_scoped3A : memref<!tpu.dma_semaphore, #tpu.memory_space<semaphore_mem>>) src(%arg9 : memref<128x128xf32, #tpu.memory_space<vmem>>) dst(%dma_wait3A_87 : memref<128x128xf32, #tpu.memory_space<hbm>>)
      tpu.yield
    }) : () -> ()
    %mul3A_49 = arith.constant 640 : i32
    %mul3A_50 = arith.muli %arg1, %mul3A_49 : i32
    %add3A_51 = arith.constant 256 : i32
    %add3A_52 = arith.addi %mul3A_50, %add3A_51 : i32
    "tpu.region"() ({
      %run_scoped3A = tpu.sem_alloc : memref<!tpu.dma_semaphore, #tpu.memory_space<semaphore_mem>>
      %dma_start3A = arith.constant 0 : i32
      %dma_start3A_82 = tpu.memref_slice %arg10[%add3A_52, %dma_start3A] : memref<10240x128xf32, #tpu.memory_space<vmem_shared>> -> memref<128x128xf32, #tpu.memory_space<vmem_shared>>
      %dma_start3A_83 = arith.constant 0 : i32
      %dma_start3A_84 = tpu.memref_slice %arg10[%add3A_52, %dma_start3A_83] : memref<10240x128xf32, #tpu.memory_space<vmem_shared>> -> memref<128x128xf32, #tpu.memory_space<vmem_shared>>
      tpu.enqueue_dma source(%dma_start3A_84 : memref<128x128xf32, #tpu.memory_space<vmem_shared>>) target(%arg9 : memref<128x128xf32, #tpu.memory_space<vmem>>) target_semaphore(%run_scoped3A : memref<!tpu.dma_semaphore, #tpu.memory_space<semaphore_mem>>)
      %dma_wait3A = arith.constant 0 : i32
      %dma_wait3A_85 = tpu.memref_slice %arg10[%add3A_52, %dma_wait3A] : memref<10240x128xf32, #tpu.memory_space<vmem_shared>> -> memref<128x128xf32, #tpu.memory_space<vmem_shared>>
      %dma_wait3A_86 = arith.constant 0 : i32
      %dma_wait3A_87 = tpu.memref_slice %arg10[%add3A_52, %dma_wait3A_86] : memref<10240x128xf32, #tpu.memory_space<vmem_shared>> -> memref<128x128xf32, #tpu.memory_space<vmem_shared>>
      tpu.wait_dma2 semaphore(%run_scoped3A : memref<!tpu.dma_semaphore, #tpu.memory_space<semaphore_mem>>) src(%dma_wait3A_87 : memref<128x128xf32, #tpu.memory_space<vmem_shared>>) dst(%arg9 : memref<128x128xf32, #tpu.memory_space<vmem>>)
      tpu.yield
    }) : () -> ()
    %mul3A_53 = arith.constant 10240 : i32
    %mul3A_54 = arith.muli %arg0, %mul3A_53 : i32
    %mul3A_55 = arith.constant 640 : i32
    %mul3A_56 = arith.muli %arg1, %mul3A_55 : i32
    %add3A_57 = arith.addi %mul3A_54, %mul3A_56 : i32
    %add3A_58 = arith.constant 256 : i32
    %add3A_59 = arith.addi %add3A_57, %add3A_58 : i32
    "tpu.region"() ({
      %run_scoped3A = tpu.sem_alloc : memref<!tpu.dma_semaphore, #tpu.memory_space<semaphore_mem>>
      %dma_start3A = arith.constant 0 : i32
      %dma_start3A_82 = tpu.memref_slice %arg6[%add3A_59, %dma_start3A] : memref<20480x128xf32, #tpu.memory_space<hbm>> -> memref<128x128xf32, #tpu.memory_space<hbm>>
      %dma_start3A_83 = arith.constant 0 : i32
      %dma_start3A_84 = tpu.memref_slice %arg6[%add3A_59, %dma_start3A_83] : memref<20480x128xf32, #tpu.memory_space<hbm>> -> memref<128x128xf32, #tpu.memory_space<hbm>>
      tpu.enqueue_dma source(%arg9 : memref<128x128xf32, #tpu.memory_space<vmem>>) target(%dma_start3A_84 : memref<128x128xf32, #tpu.memory_space<hbm>>) target_semaphore(%run_scoped3A : memref<!tpu.dma_semaphore, #tpu.memory_space<semaphore_mem>>)
      %dma_wait3A = arith.constant 0 : i32
      %dma_wait3A_85 = tpu.memref_slice %arg6[%add3A_59, %dma_wait3A] : memref<20480x128xf32, #tpu.memory_space<hbm>> -> memref<128x128xf32, #tpu.memory_space<hbm>>
      %dma_wait3A_86 = arith.constant 0 : i32
      %dma_wait3A_87 = tpu.memref_slice %arg6[%add3A_59, %dma_wait3A_86] : memref<20480x128xf32, #tpu.memory_space<hbm>> -> memref<128x128xf32, #tpu.memory_space<hbm>>
      tpu.wait_dma2 semaphore(%run_scoped3A : memref<!tpu.dma_semaphore, #tpu.memory_space<semaphore_mem>>) src(%arg9 : memref<128x128xf32, #tpu.memory_space<vmem>>) dst(%dma_wait3A_87 : memref<128x128xf32, #tpu.memory_space<hbm>>)
      tpu.yield
    }) : () -> ()
    %mul3A_60 = arith.constant 640 : i32
    %mul3A_61 = arith.muli %arg1, %mul3A_60 : i32
    %add3A_62 = arith.constant 384 : i32
    %add3A_63 = arith.addi %mul3A_61, %add3A_62 : i32
    "tpu.region"() ({
      %run_scoped3A = tpu.sem_alloc : memref<!tpu.dma_semaphore, #tpu.memory_space<semaphore_mem>>
      %dma_start3A = arith.constant 0 : i32
      %dma_start3A_82 = tpu.memref_slice %arg10[%add3A_63, %dma_start3A] : memref<10240x128xf32, #tpu.memory_space<vmem_shared>> -> memref<128x128xf32, #tpu.memory_space<vmem_shared>>
      %dma_start3A_83 = arith.constant 0 : i32
      %dma_start3A_84 = tpu.memref_slice %arg10[%add3A_63, %dma_start3A_83] : memref<10240x128xf32, #tpu.memory_space<vmem_shared>> -> memref<128x128xf32, #tpu.memory_space<vmem_shared>>
      tpu.enqueue_dma source(%dma_start3A_84 : memref<128x128xf32, #tpu.memory_space<vmem_shared>>) target(%arg9 : memref<128x128xf32, #tpu.memory_space<vmem>>) target_semaphore(%run_scoped3A : memref<!tpu.dma_semaphore, #tpu.memory_space<semaphore_mem>>)
      %dma_wait3A = arith.constant 0 : i32
      %dma_wait3A_85 = tpu.memref_slice %arg10[%add3A_63, %dma_wait3A] : memref<10240x128xf32, #tpu.memory_space<vmem_shared>> -> memref<128x128xf32, #tpu.memory_space<vmem_shared>>
      %dma_wait3A_86 = arith.constant 0 : i32
      %dma_wait3A_87 = tpu.memref_slice %arg10[%add3A_63, %dma_wait3A_86] : memref<10240x128xf32, #tpu.memory_space<vmem_shared>> -> memref<128x128xf32, #tpu.memory_space<vmem_shared>>
      tpu.wait_dma2 semaphore(%run_scoped3A : memref<!tpu.dma_semaphore, #tpu.memory_space<semaphore_mem>>) src(%dma_wait3A_87 : memref<128x128xf32, #tpu.memory_space<vmem_shared>>) dst(%arg9 : memref<128x128xf32, #tpu.memory_space<vmem>>)
      tpu.yield
    }) : () -> ()
    %mul3A_64 = arith.constant 10240 : i32
    %mul3A_65 = arith.muli %arg0, %mul3A_64 : i32
    %mul3A_66 = arith.constant 640 : i32
    %mul3A_67 = arith.muli %arg1, %mul3A_66 : i32
    %add3A_68 = arith.addi %mul3A_65, %mul3A_67 : i32
    %add3A_69 = arith.constant 384 : i32
    %add3A_70 = arith.addi %add3A_68, %add3A_69 : i32
    "tpu.region"() ({
      %run_scoped3A = tpu.sem_alloc : memref<!tpu.dma_semaphore, #tpu.memory_space<semaphore_mem>>
      %dma_start3A = arith.constant 0 : i32
      %dma_start3A_82 = tpu.memref_slice %arg6[%add3A_70, %dma_start3A] : memref<20480x128xf32, #tpu.memory_space<hbm>> -> memref<128x128xf32, #tpu.memory_space<hbm>>
      %dma_start3A_83 = arith.constant 0 : i32
      %dma_start3A_84 = tpu.memref_slice %arg6[%add3A_70, %dma_start3A_83] : memref<20480x128xf32, #tpu.memory_space<hbm>> -> memref<128x128xf32, #tpu.memory_space<hbm>>
      tpu.enqueue_dma source(%arg9 : memref<128x128xf32, #tpu.memory_space<vmem>>) target(%dma_start3A_84 : memref<128x128xf32, #tpu.memory_space<hbm>>) target_semaphore(%run_scoped3A : memref<!tpu.dma_semaphore, #tpu.memory_space<semaphore_mem>>)
      %dma_wait3A = arith.constant 0 : i32
      %dma_wait3A_85 = tpu.memref_slice %arg6[%add3A_70, %dma_wait3A] : memref<20480x128xf32, #tpu.memory_space<hbm>> -> memref<128x128xf32, #tpu.memory_space<hbm>>
      %dma_wait3A_86 = arith.constant 0 : i32
      %dma_wait3A_87 = tpu.memref_slice %arg6[%add3A_70, %dma_wait3A_86] : memref<20480x128xf32, #tpu.memory_space<hbm>> -> memref<128x128xf32, #tpu.memory_space<hbm>>
      tpu.wait_dma2 semaphore(%run_scoped3A : memref<!tpu.dma_semaphore, #tpu.memory_space<semaphore_mem>>) src(%arg9 : memref<128x128xf32, #tpu.memory_space<vmem>>) dst(%dma_wait3A_87 : memref<128x128xf32, #tpu.memory_space<hbm>>)
      tpu.yield
    }) : () -> ()
    %mul3A_71 = arith.constant 640 : i32
    %mul3A_72 = arith.muli %arg1, %mul3A_71 : i32
    %add3A_73 = arith.constant 512 : i32
    %add3A_74 = arith.addi %mul3A_72, %add3A_73 : i32
    "tpu.region"() ({
      %run_scoped3A = tpu.sem_alloc : memref<!tpu.dma_semaphore, #tpu.memory_space<semaphore_mem>>
      %dma_start3A = arith.constant 0 : i32
      %dma_start3A_82 = tpu.memref_slice %arg10[%add3A_74, %dma_start3A] : memref<10240x128xf32, #tpu.memory_space<vmem_shared>> -> memref<128x128xf32, #tpu.memory_space<vmem_shared>>
      %dma_start3A_83 = arith.constant 0 : i32
      %dma_start3A_84 = tpu.memref_slice %arg10[%add3A_74, %dma_start3A_83] : memref<10240x128xf32, #tpu.memory_space<vmem_shared>> -> memref<128x128xf32, #tpu.memory_space<vmem_shared>>
      tpu.enqueue_dma source(%dma_start3A_84 : memref<128x128xf32, #tpu.memory_space<vmem_shared>>) target(%arg9 : memref<128x128xf32, #tpu.memory_space<vmem>>) target_semaphore(%run_scoped3A : memref<!tpu.dma_semaphore, #tpu.memory_space<semaphore_mem>>)
      %dma_wait3A = arith.constant 0 : i32
      %dma_wait3A_85 = tpu.memref_slice %arg10[%add3A_74, %dma_wait3A] : memref<10240x128xf32, #tpu.memory_space<vmem_shared>> -> memref<128x128xf32, #tpu.memory_space<vmem_shared>>
      %dma_wait3A_86 = arith.constant 0 : i32
      %dma_wait3A_87 = tpu.memref_slice %arg10[%add3A_74, %dma_wait3A_86] : memref<10240x128xf32, #tpu.memory_space<vmem_shared>> -> memref<128x128xf32, #tpu.memory_space<vmem_shared>>
      tpu.wait_dma2 semaphore(%run_scoped3A : memref<!tpu.dma_semaphore, #tpu.memory_space<semaphore_mem>>) src(%dma_wait3A_87 : memref<128x128xf32, #tpu.memory_space<vmem_shared>>) dst(%arg9 : memref<128x128xf32, #tpu.memory_space<vmem>>)
      tpu.yield
    }) : () -> ()
    %mul3A_75 = arith.constant 10240 : i32
    %mul3A_76 = arith.muli %arg0, %mul3A_75 : i32
    %mul3A_77 = arith.constant 640 : i32
    %mul3A_78 = arith.muli %arg1, %mul3A_77 : i32
    %add3A_79 = arith.addi %mul3A_76, %mul3A_78 : i32
    %add3A_80 = arith.constant 512 : i32
    %add3A_81 = arith.addi %add3A_79, %add3A_80 : i32
    "tpu.region"() ({
      %run_scoped3A = tpu.sem_alloc : memref<!tpu.dma_semaphore, #tpu.memory_space<semaphore_mem>>
      %dma_start3A = arith.constant 0 : i32
      %dma_start3A_82 = tpu.memref_slice %arg6[%add3A_81, %dma_start3A] : memref<20480x128xf32, #tpu.memory_space<hbm>> -> memref<128x128xf32, #tpu.memory_space<hbm>>
      %dma_start3A_83 = arith.constant 0 : i32
      %dma_start3A_84 = tpu.memref_slice %arg6[%add3A_81, %dma_start3A_83] : memref<20480x128xf32, #tpu.memory_space<hbm>> -> memref<128x128xf32, #tpu.memory_space<hbm>>
      tpu.enqueue_dma source(%arg9 : memref<128x128xf32, #tpu.memory_space<vmem>>) target(%dma_start3A_84 : memref<128x128xf32, #tpu.memory_space<hbm>>) target_semaphore(%run_scoped3A : memref<!tpu.dma_semaphore, #tpu.memory_space<semaphore_mem>>)
      %dma_wait3A = arith.constant 0 : i32
      %dma_wait3A_85 = tpu.memref_slice %arg6[%add3A_81, %dma_wait3A] : memref<20480x128xf32, #tpu.memory_space<hbm>> -> memref<128x128xf32, #tpu.memory_space<hbm>>
      %dma_wait3A_86 = arith.constant 0 : i32
      %dma_wait3A_87 = tpu.memref_slice %arg6[%add3A_81, %dma_wait3A_86] : memref<20480x128xf32, #tpu.memory_space<hbm>> -> memref<128x128xf32, #tpu.memory_space<hbm>>
      tpu.wait_dma2 semaphore(%run_scoped3A : memref<!tpu.dma_semaphore, #tpu.memory_space<semaphore_mem>>) src(%arg9 : memref<128x128xf32, #tpu.memory_space<vmem>>) dst(%dma_wait3A_87 : memref<128x128xf32, #tpu.memory_space<hbm>>)
      tpu.yield
    }) : () -> ()
    return
  }
}

module attributes {stable_mosaic.version = 14 : i64} {
  func.func @body(%arg0: memref<80x128xf32, #tpu.memory_space<vmem>>, %arg1: memref<80x128xf32, #tpu.memory_space<vmem>>, %arg2: memref<80x128xf32, #tpu.memory_space<vmem>>) attributes {dimension_semantics = [], scalar_prefetch = 0 : i64, scratch_operands = 0 : i64, tpu.core_type = #tpu.core_type<tc>} {
    %get3A = arith.constant 0 : index
    %get3A_0 = arith.constant 0 : index
    %get3A_1 = vector.load %arg0[%get3A, %get3A_0] : memref<80x128xf32, #tpu.memory_space<vmem>>, vector<80x128xf32>
    %get3A_2 = arith.constant 0 : index
    %get3A_3 = arith.constant 0 : index
    %get3A_4 = vector.load %arg1[%get3A_2, %get3A_3] : memref<80x128xf32, #tpu.memory_space<vmem>>, vector<80x128xf32>
    %add3A = arith.addf %get3A_1, %get3A_4 : vector<80x128xf32>
    %add3A_5 = arith.constant 1.000000e+00 : f32
    %add3A_6 = vector.broadcast %add3A_5 : f32 to vector<80x128xf32>
    %add3A_7 = arith.addf %add3A, %add3A_6 : vector<80x128xf32>
    %rsqrt3A = math.rsqrt %add3A_7 : vector<80x128xf32>
    %swap3A = arith.constant 0 : index
    %swap3A_8 = arith.constant 0 : index
    %swap3A_9 = vector.load %arg2[%swap3A, %swap3A_8] : memref<80x128xf32, #tpu.memory_space<vmem>>, vector<80x128xf32>
    tpu.vector_store %arg2[%swap3A, %swap3A_8], %rsqrt3A {strides = array<i32>} : memref<80x128xf32, #tpu.memory_space<vmem>>, vector<80x128xf32>,
    return
  }
}

module attributes {stable_mosaic.version = 14 : i64} {
  func.func @body(%arg0: i32, %arg1: memref<2000x128xf32, #tpu.memory_space<vmem>>, %arg2: memref<128x128xf32, #tpu.memory_space<vmem>>, %arg3: memref<2000x1xf32, #tpu.memory_space<vmem>>, %arg4: memref<2000x128xf32, #tpu.memory_space<vmem>>) attributes {dimension_semantics = [#tpu.dimension_semantics<arbitrary>], iteration_bounds = array<i64: 5>, scalar_prefetch = 0 : i64, scratch_operands = 0 : i64, tpu.core_type = #tpu.core_type<tc>, window_params = [{transform_indices = @transform_0, window_bounds = array<i64: 2000, 128>}, {pipeline_mode = #tpu.pipeline_mode<synchronous>, transform_indices = @transform_1, window_bounds = array<i64: 128, 128>}, {transform_indices = @transform_2, window_bounds = array<i64: 2000, 1>}, {transform_indices = @transform_3, window_bounds = array<i64: 2000, 128>}]} {
    %get3A = arith.constant 0 : index
    %get3A_0 = arith.constant 0 : index
    %get3A_1 = vector.load %arg3[%get3A, %get3A_0] : memref<2000x1xf32, #tpu.memory_space<vmem>>, vector<2000x1xf32>
    %get3A_2 = arith.constant 0 : index
    %get3A_3 = arith.constant 0 : index
    %get3A_4 = vector.load %arg1[%get3A_2, %get3A_3] : memref<2000x128xf32, #tpu.memory_space<vmem>>, vector<2000x128xf32>
    %get3A_5 = arith.constant 0 : index
    %get3A_6 = arith.constant 0 : index
    %get3A_7 = vector.load %arg2[%get3A_5, %get3A_6] : memref<128x128xf32, #tpu.memory_space<vmem>>, vector<128x128xf32>
    %dot_general3A = arith.constant dense<0.000000e+00> : vector<2000x128xf32>
    %dot_general3A_8 = tpu.matmul %get3A_4, %get3A_7, %dot_general3A {dimension_numbers = #tpu.dot_dimension_numbers<[1], [0], [0], [1], [0, 0, 1, 1], [], []>, transpose_lhs_hint = false} : vector<2000x128xf32>, vector<128x128xf32>, vector<2000x128xf32> -> vector<2000x128xf32>
    %mul3A = vector.broadcast %get3A_1 : vector<2000x1xf32> to vector<2000x128xf32>
    %mul3A_9 = arith.mulf %mul3A, %dot_general3A_8 : vector<2000x128xf32>
    %swap3A = arith.constant 0 : index
    %swap3A_10 = arith.constant 0 : index
    %swap3A_11 = vector.load %arg4[%swap3A, %swap3A_10] : memref<2000x128xf32, #tpu.memory_space<vmem>>, vector<2000x128xf32>
    tpu.vector_store %arg4[%swap3A, %swap3A_10], %mul3A_9 {strides = array<i32>} : memref<2000x128xf32, #tpu.memory_space<vmem>>, vector<2000x128xf32>,
    return
  }
  func.func @transform_0(%arg0: i32) -> (i32, i32) {
    %c0_i32 = arith.constant 0 : i32
    %c0_i32_0 = arith.constant 0 : i32
    return %arg0, %c0_i32 : i32, i32
  }
  func.func @transform_1(%arg0: i32) -> (i32, i32) {
    %c0_i32 = arith.constant 0 : i32
    %c0_i32_0 = arith.constant 0 : i32
    %c0_i32_1 = arith.constant 0 : i32
    return %c0_i32, %c0_i32_0 : i32, i32
  }
  func.func @transform_2(%arg0: i32) -> (i32, i32) {
    %c0_i32 = arith.constant 0 : i32
    %c0_i32_0 = arith.constant 0 : i32
    return %arg0, %c0_i32 : i32, i32
  }
  func.func @transform_3(%arg0: i32) -> (i32, i32) {
    %c0_i32 = arith.constant 0 : i32
    %c0_i32_0 = arith.constant 0 : i32
    return %arg0, %c0_i32 : i32, i32
  }
}

module attributes {stable_mosaic.version = 14 : i64} {
  func.func @body(%arg0: i32, %arg1: memref<2x2000x128xf32, #tpu.memory_space<vmem>>, %arg2: memref<2000x128xf32, #tpu.memory_space<vmem>>, %arg3: memref<2000x1xf32, #tpu.memory_space<vmem>>, %arg4: memref<1x128xf32, #tpu.memory_space<vmem>>, %arg5: memref<128x128xf32, #tpu.memory_space<vmem>>, %arg6: memref<2000x128xf32, #tpu.memory_space<vmem>>) attributes {dimension_semantics = [#tpu.dimension_semantics<arbitrary>], iteration_bounds = array<i64: 5>, scalar_prefetch = 0 : i64, scratch_operands = 0 : i64, tpu.core_type = #tpu.core_type<tc>, window_params = [{transform_indices = @transform_0, window_bounds = array<i64: 2, 2000, 128>}, {transform_indices = @transform_1, window_bounds = array<i64: 2000, 128>}, {transform_indices = @transform_2, window_bounds = array<i64: 2000, 1>}, {pipeline_mode = #tpu.pipeline_mode<synchronous>, transform_indices = @transform_3, window_bounds = array<i64: 1, 128>}, {pipeline_mode = #tpu.pipeline_mode<synchronous>, transform_indices = @transform_4, window_bounds = array<i64: 128, 128>}, {transform_indices = @transform_5, window_bounds = array<i64: 2000, 128>}]} {
    %get3A = arith.constant 0 : index
    %get3A_0 = arith.constant 0 : index
    %get3A_1 = vector.load %arg3[%get3A, %get3A_0] : memref<2000x1xf32, #tpu.memory_space<vmem>>, vector<2000x1xf32>
    %get3A_2 = arith.constant 0 : index
    %get3A_3 = arith.constant 0 : index
    %get3A_4 = arith.constant 0 : index
    %get3A_5 = vector.load %arg1[%get3A_2, %get3A_3, %get3A_4] : memref<2x2000x128xf32, #tpu.memory_space<vmem>>, vector<1x2000x128xf32>
    %get3A_6 = vector.shape_cast %get3A_5 : vector<1x2000x128xf32> to vector<2000x128xf32>
    %get3A_7 = arith.constant 1 : index
    %get3A_8 = arith.constant 0 : index
    %get3A_9 = arith.constant 0 : index
    %get3A_10 = vector.load %arg1[%get3A_7, %get3A_8, %get3A_9] : memref<2x2000x128xf32, #tpu.memory_space<vmem>>, vector<1x2000x128xf32>
    %get3A_11 = vector.shape_cast %get3A_10 : vector<1x2000x128xf32> to vector<2000x128xf32>
    %add3A = arith.addf %get3A_6, %get3A_11 : vector<2000x128xf32>
    %get3A_12 = arith.constant 0 : index
    %get3A_13 = arith.constant 0 : index
    %get3A_14 = vector.load %arg2[%get3A_12, %get3A_13] : memref<2000x128xf32, #tpu.memory_space<vmem>>, vector<2000x128xf32>
    %add3A_15 = arith.addf %add3A, %get3A_14 : vector<2000x128xf32>
    %mul3A = vector.broadcast %get3A_1 : vector<2000x1xf32> to vector<2000x128xf32>
    %mul3A_16 = arith.mulf %mul3A, %add3A_15 : vector<2000x128xf32>
    %get3A_17 = arith.constant 0 : index
    %get3A_18 = arith.constant 0 : index
    %get3A_19 = vector.load %arg4[%get3A_17, %get3A_18] : memref<1x128xf32, #tpu.memory_space<vmem>>, vector<1x128xf32>
    %add3A_20 = vector.broadcast %get3A_19 : vector<1x128xf32> to vector<2000x128xf32>
    %add3A_21 = arith.addf %mul3A_16, %add3A_20 : vector<2000x128xf32>
    %max3A = arith.constant 0.000000e+00 : f32
    %max3A_22 = vector.broadcast %max3A : f32 to vector<2000x128xf32>
    %max3A_23 = arith.maximumf %add3A_21, %max3A_22 : vector<2000x128xf32>
    %get3A_24 = arith.constant 0 : index
    %get3A_25 = arith.constant 0 : index
    %get3A_26 = vector.load %arg3[%get3A_24, %get3A_25] : memref<2000x1xf32, #tpu.memory_space<vmem>>, vector<2000x1xf32>
    %get3A_27 = arith.constant 0 : index
    %get3A_28 = arith.constant 0 : index
    %get3A_29 = vector.load %arg5[%get3A_27, %get3A_28] : memref<128x128xf32, #tpu.memory_space<vmem>>, vector<128x128xf32>
    %dot_general3A = arith.constant dense<0.000000e+00> : vector<2000x128xf32>
    %dot_general3A_30 = tpu.matmul %max3A_23, %get3A_29, %dot_general3A {dimension_numbers = #tpu.dot_dimension_numbers<[1], [0], [0], [1], [0, 0, 1, 1], [], []>, transpose_lhs_hint = false} : vector<2000x128xf32>, vector<128x128xf32>, vector<2000x128xf32> -> vector<2000x128xf32>
    %mul3A_31 = vector.broadcast %get3A_26 : vector<2000x1xf32> to vector<2000x128xf32>
    %mul3A_32 = arith.mulf %mul3A_31, %dot_general3A_30 : vector<2000x128xf32>
    %swap3A = arith.constant 0 : index
    %swap3A_33 = arith.constant 0 : index
    %swap3A_34 = vector.load %arg6[%swap3A, %swap3A_33] : memref<2000x128xf32, #tpu.memory_space<vmem>>, vector<2000x128xf32>
    tpu.vector_store %arg6[%swap3A, %swap3A_33], %mul3A_32 {strides = array<i32>} : memref<2000x128xf32, #tpu.memory_space<vmem>>, vector<2000x128xf32>,
    return
  }
  func.func @transform_0(%arg0: i32) -> (i32, i32, i32) {
    %c0_i32 = arith.constant 0 : i32
    %c0_i32_0 = arith.constant 0 : i32
    %c0_i32_1 = arith.constant 0 : i32
    return %c0_i32, %arg0, %c0_i32_0 : i32, i32, i32
  }
  func.func @transform_1(%arg0: i32) -> (i32, i32) {
    %c0_i32 = arith.constant 0 : i32
    %c0_i32_0 = arith.constant 0 : i32
    return %arg0, %c0_i32 : i32, i32
  }
  func.func @transform_2(%arg0: i32) -> (i32, i32) {
    %c0_i32 = arith.constant 0 : i32
    %c0_i32_0 = arith.constant 0 : i32
    return %arg0, %c0_i32 : i32, i32
  }
  func.func @transform_3(%arg0: i32) -> (i32, i32) {
    %c0_i32 = arith.constant 0 : i32
    %c0_i32_0 = arith.constant 0 : i32
    %c0_i32_1 = arith.constant 0 : i32
    return %c0_i32, %c0_i32_0 : i32, i32
  }
  func.func @transform_4(%arg0: i32) -> (i32, i32) {
    %c0_i32 = arith.constant 0 : i32
    %c0_i32_0 = arith.constant 0 : i32
    %c0_i32_1 = arith.constant 0 : i32
    return %c0_i32, %c0_i32_0 : i32, i32
  }
  func.func @transform_5(%arg0: i32) -> (i32, i32) {
    %c0_i32 = arith.constant 0 : i32
    %c0_i32_0 = arith.constant 0 : i32
    return %arg0, %c0_i32 : i32, i32
  }
}

module attributes {stable_mosaic.version = 14 : i64} {
  func.func @body(%arg0: i32, %arg1: memref<2x2000x128xf32, #tpu.memory_space<vmem>>, %arg2: memref<2000x128xf32, #tpu.memory_space<vmem>>, %arg3: memref<2000x1xf32, #tpu.memory_space<vmem>>, %arg4: memref<1x128xf32, #tpu.memory_space<vmem>>, %arg5: memref<2000x1xi32, #tpu.memory_space<vmem>>, %arg6: memref<128x2xf32, #tpu.memory_space<vmem>>, %arg7: memref<1x2xf32, #tpu.memory_space<vmem>>, %arg8: memref<64x2xf32, #tpu.memory_space<vmem>>, %arg9: memref<64x128xf32, #tpu.memory_space<vmem>>) attributes {dimension_semantics = [#tpu.dimension_semantics<arbitrary>], iteration_bounds = array<i64: 5>, scalar_prefetch = 0 : i64, scratch_operands = 1 : i64, tpu.core_type = #tpu.core_type<tc>, window_params = [{transform_indices = @transform_0, window_bounds = array<i64: 2, 2000, 128>}, {transform_indices = @transform_1, window_bounds = array<i64: 2000, 128>}, {transform_indices = @transform_2, window_bounds = array<i64: 2000, 1>}, {pipeline_mode = #tpu.pipeline_mode<synchronous>, transform_indices = @transform_3, window_bounds = array<i64: 1, 128>}, {transform_indices = @transform_4, window_bounds = array<i64: 2000, 1>}, {pipeline_mode = #tpu.pipeline_mode<synchronous>, transform_indices = @transform_5, window_bounds = array<i64: 128, 2>}, {pipeline_mode = #tpu.pipeline_mode<synchronous>, transform_indices = @transform_6, window_bounds = array<i64: 1, 2>}, {pipeline_mode = #tpu.pipeline_mode<synchronous>, transform_indices = @transform_7, window_bounds = array<i64: 64, 2>}]} {
    %eq3A = arith.constant 0 : i32
    %eq3A_0 = arith.cmpi eq, %arg0, %eq3A : i32
    %convert_element_type3A = arith.extui %eq3A_0 : i1 to i32
    %cond3A = arith.constant 0 : i32
    %cond3A_1 = arith.cmpi ne, %convert_element_type3A, %cond3A : i32
    scf.if %cond3A_1 {
      %broadcast_in_dim3A = arith.constant 0xFF800000 : f32
      %broadcast_in_dim3A_201 = vector.broadcast %broadcast_in_dim3A : f32 to vector<64x128xf32>
      %swap3A = arith.constant 0 : index
      %swap3A_202 = arith.constant 0 : index
      %swap3A_203 = vector.load %arg9[%swap3A, %swap3A_202] : memref<64x128xf32, #tpu.memory_space<vmem>>, vector<64x128xf32>
      tpu.vector_store %arg9[%swap3A, %swap3A_202], %broadcast_in_dim3A_201 {strides = array<i32>} : memref<64x128xf32, #tpu.memory_space<vmem>>, vector<64x128xf32>,
    } else {
    }
    %get3A = arith.constant 0 : index
    %get3A_2 = arith.constant 0 : index
    %get3A_3 = vector.load %arg3[%get3A, %get3A_2] : memref<2000x1xf32, #tpu.memory_space<vmem>>, vector<2000x1xf32>
    %get3A_4 = arith.constant 0 : index
    %get3A_5 = arith.constant 0 : index
    %get3A_6 = arith.constant 0 : index
    %get3A_7 = vector.load %arg1[%get3A_4, %get3A_5, %get3A_6] : memref<2x2000x128xf32, #tpu.memory_space<vmem>>, vector<1x2000x128xf32>
    %get3A_8 = vector.shape_cast %get3A_7 : vector<1x2000x128xf32> to vector<2000x128xf32>
    %get3A_9 = arith.constant 1 : index
    %get3A_10 = arith.constant 0 : index
    %get3A_11 = arith.constant 0 : index
    %get3A_12 = vector.load %arg1[%get3A_9, %get3A_10, %get3A_11] : memref<2x2000x128xf32, #tpu.memory_space<vmem>>, vector<1x2000x128xf32>
    %get3A_13 = vector.shape_cast %get3A_12 : vector<1x2000x128xf32> to vector<2000x128xf32>
    %add3A = arith.addf %get3A_8, %get3A_13 : vector<2000x128xf32>
    %get3A_14 = arith.constant 0 : index
    %get3A_15 = arith.constant 0 : index
    %get3A_16 = vector.load %arg2[%get3A_14, %get3A_15] : memref<2000x128xf32, #tpu.memory_space<vmem>>, vector<2000x128xf32>
    %add3A_17 = arith.addf %add3A, %get3A_16 : vector<2000x128xf32>
    %mul3A = vector.broadcast %get3A_3 : vector<2000x1xf32> to vector<2000x128xf32>
    %mul3A_18 = arith.mulf %mul3A, %add3A_17 : vector<2000x128xf32>
    %get3A_19 = arith.constant 0 : index
    %get3A_20 = arith.constant 0 : index
    %get3A_21 = vector.load %arg4[%get3A_19, %get3A_20] : memref<1x128xf32, #tpu.memory_space<vmem>>, vector<1x128xf32>
    %add3A_22 = vector.broadcast %get3A_21 : vector<1x128xf32> to vector<2000x128xf32>
    %add3A_23 = arith.addf %mul3A_18, %add3A_22 : vector<2000x128xf32>
    %max3A = arith.constant 0.000000e+00 : f32
    %max3A_24 = vector.broadcast %max3A : f32 to vector<2000x128xf32>
    %max3A_25 = arith.maximumf %add3A_23, %max3A_24 : vector<2000x128xf32>
    %get3A_26 = arith.constant 0 : index
    %get3A_27 = arith.constant 0 : index
    %get3A_28 = vector.load %arg5[%get3A_26, %get3A_27] : memref<2000x1xi32, #tpu.memory_space<vmem>>, vector<2000x1xi32>
    %slice3A = vector.extract_strided_slice %get3A_28 {offsets = [0, 0], sizes = [200, 1], strides = [1, 1]} : vector<2000x1xi32> to vector<200x1xi32>
    %slice3A_29 = vector.extract_strided_slice %max3A_25 {offsets = [0, 0], sizes = [200, 128], strides = [1, 1]} : vector<2000x128xf32> to vector<200x128xf32>
    %slice3A_30 = vector.extract_strided_slice %slice3A {offsets = [0, 0], sizes = [1, 1], strides = [1, 1]} : vector<200x1xi32> to vector<1x1xi32>
    %squeeze3A = vector.extract %slice3A_30[0, 0] : i32 from vector<1x1xi32>
    %slice3A_31 = vector.extract_strided_slice %slice3A {offsets = [199, 0], sizes = [1, 1], strides = [1, 1]} : vector<200x1xi32> to vector<1x1xi32>
    %squeeze3A_32 = vector.extract %slice3A_31[0, 0] : i32 from vector<1x1xi32>
    %add3A_33 = arith.constant 1 : i32
    %add3A_34 = arith.addi %squeeze3A_32, %add3A_33 : i32
    %while3A = arith.constant 0 : i32
    %while3A_35 = arith.subi %add3A_34, %squeeze3A : i32
    %while3A_36 = arith.addi %squeeze3A, %while3A_35 : i32
    %while3A_37 = arith.constant 1 : i32
    %while3A_38 = arith.divsi %while3A_35, %while3A_37 : i32
    %while3A_39 = arith.muli %while3A_38, %while3A_37 : i32
    %while3A_40 = arith.addi %squeeze3A, %while3A_39 : i32
    %while3A_41 = arith.constant 1 : i32
    scf.for %while3A_201 = %squeeze3A to %while3A_40 step %while3A_41  : i32 {
      %eq3A_202 = vector.broadcast %while3A_201 : i32 to vector<200x1xi32>
      %eq3A_203 = arith.cmpi eq, %slice3A, %eq3A_202 : vector<200x1xi32>
      %jit3A = arith.constant 0xFF800000 : f32
      %broadcast_in_dim3A = vector.shape_cast %eq3A_203 : vector<200x1xi1> to vector<200x1xi1>
      %broadcast_in_dim3A_204 = vector.broadcast %broadcast_in_dim3A : vector<200x1xi1> to vector<200x128xi1>
      %broadcast_in_dim3A_205 = vector.broadcast %jit3A : f32 to vector<200x128xf32>
      %select_n3A = arith.select %broadcast_in_dim3A_204, %slice3A_29, %broadcast_in_dim3A_205 : vector<200x128xi1>, vector<200x128xf32>
      %reduce_max3A = arith.constant dense<0xFF800000> : vector<128xf32>
      %reduce_max3A_206 = vector.multi_reduction <maximumf>, %select_n3A, %reduce_max3A [0] : vector<200x128xf32> to vector<128xf32>
      %broadcast_in_dim3A_207 = vector.shape_cast %reduce_max3A_206 : vector<128xf32> to vector<1x128xf32>
      %get3A_208 = arith.index_cast %while3A_201 : i32 to index
      %get3A_209 = arith.constant 0 : index
      %get3A_210 = vector.load %arg9[%get3A_208, %get3A_209] : memref<64x128xf32, #tpu.memory_space<vmem>>, vector<1x128xf32>
      %max3A_211 = arith.maximumf %get3A_210, %broadcast_in_dim3A_207 : vector<1x128xf32>
      %swap3A = arith.index_cast %while3A_201 : i32 to index
      %swap3A_212 = arith.constant 0 : index
      %swap3A_213 = vector.load %arg9[%swap3A, %swap3A_212] : memref<64x128xf32, #tpu.memory_space<vmem>>, vector<1x128xf32>
      tpu.vector_store %arg9[%swap3A, %swap3A_212], %max3A_211 {strides = array<i32>} : memref<64x128xf32, #tpu.memory_space<vmem>>, vector<1x128xf32>,
    }
    %while3A_42 = arith.constant 1 : i32
    scf.for %while3A_201 = %while3A_40 to %while3A_36 step %while3A_42  : i32 {
      %eq3A_202 = vector.broadcast %while3A_201 : i32 to vector<200x1xi32>
      %eq3A_203 = arith.cmpi eq, %slice3A, %eq3A_202 : vector<200x1xi32>
      %jit3A = arith.constant 0xFF800000 : f32
      %broadcast_in_dim3A = vector.shape_cast %eq3A_203 : vector<200x1xi1> to vector<200x1xi1>
      %broadcast_in_dim3A_204 = vector.broadcast %broadcast_in_dim3A : vector<200x1xi1> to vector<200x128xi1>
      %broadcast_in_dim3A_205 = vector.broadcast %jit3A : f32 to vector<200x128xf32>
      %select_n3A = arith.select %broadcast_in_dim3A_204, %slice3A_29, %broadcast_in_dim3A_205 : vector<200x128xi1>, vector<200x128xf32>
      %reduce_max3A = arith.constant dense<0xFF800000> : vector<128xf32>
      %reduce_max3A_206 = vector.multi_reduction <maximumf>, %select_n3A, %reduce_max3A [0] : vector<200x128xf32> to vector<128xf32>
      %broadcast_in_dim3A_207 = vector.shape_cast %reduce_max3A_206 : vector<128xf32> to vector<1x128xf32>
      %get3A_208 = arith.index_cast %while3A_201 : i32 to index
      %get3A_209 = arith.constant 0 : index
      %get3A_210 = vector.load %arg9[%get3A_208, %get3A_209] : memref<64x128xf32, #tpu.memory_space<vmem>>, vector<1x128xf32>
      %max3A_211 = arith.maximumf %get3A_210, %broadcast_in_dim3A_207 : vector<1x128xf32>
      %swap3A = arith.index_cast %while3A_201 : i32 to index
      %swap3A_212 = arith.constant 0 : index
      %swap3A_213 = vector.load %arg9[%swap3A, %swap3A_212] : memref<64x128xf32, #tpu.memory_space<vmem>>, vector<1x128xf32>
      tpu.vector_store %arg9[%swap3A, %swap3A_212], %max3A_211 {strides = array<i32>} : memref<64x128xf32, #tpu.memory_space<vmem>>, vector<1x128xf32>,
    }
    %slice3A_43 = vector.extract_strided_slice %get3A_28 {offsets = [200, 0], sizes = [200, 1], strides = [1, 1]} : vector<2000x1xi32> to vector<200x1xi32>
    %slice3A_44 = vector.extract_strided_slice %max3A_25 {offsets = [200, 0], sizes = [200, 128], strides = [1, 1]} : vector<2000x128xf32> to vector<200x128xf32>
    %slice3A_45 = vector.extract_strided_slice %slice3A_43 {offsets = [0, 0], sizes = [1, 1], strides = [1, 1]} : vector<200x1xi32> to vector<1x1xi32>
    %squeeze3A_46 = vector.extract %slice3A_45[0, 0] : i32 from vector<1x1xi32>
    %slice3A_47 = vector.extract_strided_slice %slice3A_43 {offsets = [199, 0], sizes = [1, 1], strides = [1, 1]} : vector<200x1xi32> to vector<1x1xi32>
    %squeeze3A_48 = vector.extract %slice3A_47[0, 0] : i32 from vector<1x1xi32>
    %add3A_49 = arith.constant 1 : i32
    %add3A_50 = arith.addi %squeeze3A_48, %add3A_49 : i32
    %while3A_51 = arith.constant 0 : i32
    %while3A_52 = arith.subi %add3A_50, %squeeze3A_46 : i32
    %while3A_53 = arith.addi %squeeze3A_46, %while3A_52 : i32
    %while3A_54 = arith.constant 1 : i32
    %while3A_55 = arith.divsi %while3A_52, %while3A_54 : i32
    %while3A_56 = arith.muli %while3A_55, %while3A_54 : i32
    %while3A_57 = arith.addi %squeeze3A_46, %while3A_56 : i32
    %while3A_58 = arith.constant 1 : i32
    scf.for %while3A_201 = %squeeze3A_46 to %while3A_57 step %while3A_58  : i32 {
      %eq3A_202 = vector.broadcast %while3A_201 : i32 to vector<200x1xi32>
      %eq3A_203 = arith.cmpi eq, %slice3A_43, %eq3A_202 : vector<200x1xi32>
      %jit3A = arith.constant 0xFF800000 : f32
      %broadcast_in_dim3A = vector.shape_cast %eq3A_203 : vector<200x1xi1> to vector<200x1xi1>
      %broadcast_in_dim3A_204 = vector.broadcast %broadcast_in_dim3A : vector<200x1xi1> to vector<200x128xi1>
      %broadcast_in_dim3A_205 = vector.broadcast %jit3A : f32 to vector<200x128xf32>
      %select_n3A = arith.select %broadcast_in_dim3A_204, %slice3A_44, %broadcast_in_dim3A_205 : vector<200x128xi1>, vector<200x128xf32>
      %reduce_max3A = arith.constant dense<0xFF800000> : vector<128xf32>
      %reduce_max3A_206 = vector.multi_reduction <maximumf>, %select_n3A, %reduce_max3A [0] : vector<200x128xf32> to vector<128xf32>
      %broadcast_in_dim3A_207 = vector.shape_cast %reduce_max3A_206 : vector<128xf32> to vector<1x128xf32>
      %get3A_208 = arith.index_cast %while3A_201 : i32 to index
      %get3A_209 = arith.constant 0 : index
      %get3A_210 = vector.load %arg9[%get3A_208, %get3A_209] : memref<64x128xf32, #tpu.memory_space<vmem>>, vector<1x128xf32>
      %max3A_211 = arith.maximumf %get3A_210, %broadcast_in_dim3A_207 : vector<1x128xf32>
      %swap3A = arith.index_cast %while3A_201 : i32 to index
      %swap3A_212 = arith.constant 0 : index
      %swap3A_213 = vector.load %arg9[%swap3A, %swap3A_212] : memref<64x128xf32, #tpu.memory_space<vmem>>, vector<1x128xf32>
      tpu.vector_store %arg9[%swap3A, %swap3A_212], %max3A_211 {strides = array<i32>} : memref<64x128xf32, #tpu.memory_space<vmem>>, vector<1x128xf32>,
    }
    %while3A_59 = arith.constant 1 : i32
    scf.for %while3A_201 = %while3A_57 to %while3A_53 step %while3A_59  : i32 {
      %eq3A_202 = vector.broadcast %while3A_201 : i32 to vector<200x1xi32>
      %eq3A_203 = arith.cmpi eq, %slice3A_43, %eq3A_202 : vector<200x1xi32>
      %jit3A = arith.constant 0xFF800000 : f32
      %broadcast_in_dim3A = vector.shape_cast %eq3A_203 : vector<200x1xi1> to vector<200x1xi1>
      %broadcast_in_dim3A_204 = vector.broadcast %broadcast_in_dim3A : vector<200x1xi1> to vector<200x128xi1>
      %broadcast_in_dim3A_205 = vector.broadcast %jit3A : f32 to vector<200x128xf32>
      %select_n3A = arith.select %broadcast_in_dim3A_204, %slice3A_44, %broadcast_in_dim3A_205 : vector<200x128xi1>, vector<200x128xf32>
      %reduce_max3A = arith.constant dense<0xFF800000> : vector<128xf32>
      %reduce_max3A_206 = vector.multi_reduction <maximumf>, %select_n3A, %reduce_max3A [0] : vector<200x128xf32> to vector<128xf32>
      %broadcast_in_dim3A_207 = vector.shape_cast %reduce_max3A_206 : vector<128xf32> to vector<1x128xf32>
      %get3A_208 = arith.index_cast %while3A_201 : i32 to index
      %get3A_209 = arith.constant 0 : index
      %get3A_210 = vector.load %arg9[%get3A_208, %get3A_209] : memref<64x128xf32, #tpu.memory_space<vmem>>, vector<1x128xf32>
      %max3A_211 = arith.maximumf %get3A_210, %broadcast_in_dim3A_207 : vector<1x128xf32>
      %swap3A = arith.index_cast %while3A_201 : i32 to index
      %swap3A_212 = arith.constant 0 : index
      %swap3A_213 = vector.load %arg9[%swap3A, %swap3A_212] : memref<64x128xf32, #tpu.memory_space<vmem>>, vector<1x128xf32>
      tpu.vector_store %arg9[%swap3A, %swap3A_212], %max3A_211 {strides = array<i32>} : memref<64x128xf32, #tpu.memory_space<vmem>>, vector<1x128xf32>,
    }
    %slice3A_60 = vector.extract_strided_slice %get3A_28 {offsets = [400, 0], sizes = [200, 1], strides = [1, 1]} : vector<2000x1xi32> to vector<200x1xi32>
    %slice3A_61 = vector.extract_strided_slice %max3A_25 {offsets = [400, 0], sizes = [200, 128], strides = [1, 1]} : vector<2000x128xf32> to vector<200x128xf32>
    %slice3A_62 = vector.extract_strided_slice %slice3A_60 {offsets = [0, 0], sizes = [1, 1], strides = [1, 1]} : vector<200x1xi32> to vector<1x1xi32>
    %squeeze3A_63 = vector.extract %slice3A_62[0, 0] : i32 from vector<1x1xi32>
    %slice3A_64 = vector.extract_strided_slice %slice3A_60 {offsets = [199, 0], sizes = [1, 1], strides = [1, 1]} : vector<200x1xi32> to vector<1x1xi32>
    %squeeze3A_65 = vector.extract %slice3A_64[0, 0] : i32 from vector<1x1xi32>
    %add3A_66 = arith.constant 1 : i32
    %add3A_67 = arith.addi %squeeze3A_65, %add3A_66 : i32
    %while3A_68 = arith.constant 0 : i32
    %while3A_69 = arith.subi %add3A_67, %squeeze3A_63 : i32
    %while3A_70 = arith.addi %squeeze3A_63, %while3A_69 : i32
    %while3A_71 = arith.constant 1 : i32
    %while3A_72 = arith.divsi %while3A_69, %while3A_71 : i32
    %while3A_73 = arith.muli %while3A_72, %while3A_71 : i32
    %while3A_74 = arith.addi %squeeze3A_63, %while3A_73 : i32
    %while3A_75 = arith.constant 1 : i32
    scf.for %while3A_201 = %squeeze3A_63 to %while3A_74 step %while3A_75  : i32 {
      %eq3A_202 = vector.broadcast %while3A_201 : i32 to vector<200x1xi32>
      %eq3A_203 = arith.cmpi eq, %slice3A_60, %eq3A_202 : vector<200x1xi32>
      %jit3A = arith.constant 0xFF800000 : f32
      %broadcast_in_dim3A = vector.shape_cast %eq3A_203 : vector<200x1xi1> to vector<200x1xi1>
      %broadcast_in_dim3A_204 = vector.broadcast %broadcast_in_dim3A : vector<200x1xi1> to vector<200x128xi1>
      %broadcast_in_dim3A_205 = vector.broadcast %jit3A : f32 to vector<200x128xf32>
      %select_n3A = arith.select %broadcast_in_dim3A_204, %slice3A_61, %broadcast_in_dim3A_205 : vector<200x128xi1>, vector<200x128xf32>
      %reduce_max3A = arith.constant dense<0xFF800000> : vector<128xf32>
      %reduce_max3A_206 = vector.multi_reduction <maximumf>, %select_n3A, %reduce_max3A [0] : vector<200x128xf32> to vector<128xf32>
      %broadcast_in_dim3A_207 = vector.shape_cast %reduce_max3A_206 : vector<128xf32> to vector<1x128xf32>
      %get3A_208 = arith.index_cast %while3A_201 : i32 to index
      %get3A_209 = arith.constant 0 : index
      %get3A_210 = vector.load %arg9[%get3A_208, %get3A_209] : memref<64x128xf32, #tpu.memory_space<vmem>>, vector<1x128xf32>
      %max3A_211 = arith.maximumf %get3A_210, %broadcast_in_dim3A_207 : vector<1x128xf32>
      %swap3A = arith.index_cast %while3A_201 : i32 to index
      %swap3A_212 = arith.constant 0 : index
      %swap3A_213 = vector.load %arg9[%swap3A, %swap3A_212] : memref<64x128xf32, #tpu.memory_space<vmem>>, vector<1x128xf32>
      tpu.vector_store %arg9[%swap3A, %swap3A_212], %max3A_211 {strides = array<i32>} : memref<64x128xf32, #tpu.memory_space<vmem>>, vector<1x128xf32>,
    }
    %while3A_76 = arith.constant 1 : i32
    scf.for %while3A_201 = %while3A_74 to %while3A_70 step %while3A_76  : i32 {
      %eq3A_202 = vector.broadcast %while3A_201 : i32 to vector<200x1xi32>
      %eq3A_203 = arith.cmpi eq, %slice3A_60, %eq3A_202 : vector<200x1xi32>
      %jit3A = arith.constant 0xFF800000 : f32
      %broadcast_in_dim3A = vector.shape_cast %eq3A_203 : vector<200x1xi1> to vector<200x1xi1>
      %broadcast_in_dim3A_204 = vector.broadcast %broadcast_in_dim3A : vector<200x1xi1> to vector<200x128xi1>
      %broadcast_in_dim3A_205 = vector.broadcast %jit3A : f32 to vector<200x128xf32>
      %select_n3A = arith.select %broadcast_in_dim3A_204, %slice3A_61, %broadcast_in_dim3A_205 : vector<200x128xi1>, vector<200x128xf32>
      %reduce_max3A = arith.constant dense<0xFF800000> : vector<128xf32>
      %reduce_max3A_206 = vector.multi_reduction <maximumf>, %select_n3A, %reduce_max3A [0] : vector<200x128xf32> to vector<128xf32>
      %broadcast_in_dim3A_207 = vector.shape_cast %reduce_max3A_206 : vector<128xf32> to vector<1x128xf32>
      %get3A_208 = arith.index_cast %while3A_201 : i32 to index
      %get3A_209 = arith.constant 0 : index
      %get3A_210 = vector.load %arg9[%get3A_208, %get3A_209] : memref<64x128xf32, #tpu.memory_space<vmem>>, vector<1x128xf32>
      %max3A_211 = arith.maximumf %get3A_210, %broadcast_in_dim3A_207 : vector<1x128xf32>
      %swap3A = arith.index_cast %while3A_201 : i32 to index
      %swap3A_212 = arith.constant 0 : index
      %swap3A_213 = vector.load %arg9[%swap3A, %swap3A_212] : memref<64x128xf32, #tpu.memory_space<vmem>>, vector<1x128xf32>
      tpu.vector_store %arg9[%swap3A, %swap3A_212], %max3A_211 {strides = array<i32>} : memref<64x128xf32, #tpu.memory_space<vmem>>, vector<1x128xf32>,
    }
    %slice3A_77 = vector.extract_strided_slice %get3A_28 {offsets = [600, 0], sizes = [200, 1], strides = [1, 1]} : vector<2000x1xi32> to vector<200x1xi32>
    %slice3A_78 = vector.extract_strided_slice %max3A_25 {offsets = [600, 0], sizes = [200, 128], strides = [1, 1]} : vector<2000x128xf32> to vector<200x128xf32>
    %slice3A_79 = vector.extract_strided_slice %slice3A_77 {offsets = [0, 0], sizes = [1, 1], strides = [1, 1]} : vector<200x1xi32> to vector<1x1xi32>
    %squeeze3A_80 = vector.extract %slice3A_79[0, 0] : i32 from vector<1x1xi32>
    %slice3A_81 = vector.extract_strided_slice %slice3A_77 {offsets = [199, 0], sizes = [1, 1], strides = [1, 1]} : vector<200x1xi32> to vector<1x1xi32>
    %squeeze3A_82 = vector.extract %slice3A_81[0, 0] : i32 from vector<1x1xi32>
    %add3A_83 = arith.constant 1 : i32
    %add3A_84 = arith.addi %squeeze3A_82, %add3A_83 : i32
    %while3A_85 = arith.constant 0 : i32
    %while3A_86 = arith.subi %add3A_84, %squeeze3A_80 : i32
    %while3A_87 = arith.addi %squeeze3A_80, %while3A_86 : i32
    %while3A_88 = arith.constant 1 : i32
    %while3A_89 = arith.divsi %while3A_86, %while3A_88 : i32
    %while3A_90 = arith.muli %while3A_89, %while3A_88 : i32
    %while3A_91 = arith.addi %squeeze3A_80, %while3A_90 : i32
    %while3A_92 = arith.constant 1 : i32
    scf.for %while3A_201 = %squeeze3A_80 to %while3A_91 step %while3A_92  : i32 {
      %eq3A_202 = vector.broadcast %while3A_201 : i32 to vector<200x1xi32>
      %eq3A_203 = arith.cmpi eq, %slice3A_77, %eq3A_202 : vector<200x1xi32>
      %jit3A = arith.constant 0xFF800000 : f32
      %broadcast_in_dim3A = vector.shape_cast %eq3A_203 : vector<200x1xi1> to vector<200x1xi1>
      %broadcast_in_dim3A_204 = vector.broadcast %broadcast_in_dim3A : vector<200x1xi1> to vector<200x128xi1>
      %broadcast_in_dim3A_205 = vector.broadcast %jit3A : f32 to vector<200x128xf32>
      %select_n3A = arith.select %broadcast_in_dim3A_204, %slice3A_78, %broadcast_in_dim3A_205 : vector<200x128xi1>, vector<200x128xf32>
      %reduce_max3A = arith.constant dense<0xFF800000> : vector<128xf32>
      %reduce_max3A_206 = vector.multi_reduction <maximumf>, %select_n3A, %reduce_max3A [0] : vector<200x128xf32> to vector<128xf32>
      %broadcast_in_dim3A_207 = vector.shape_cast %reduce_max3A_206 : vector<128xf32> to vector<1x128xf32>
      %get3A_208 = arith.index_cast %while3A_201 : i32 to index
      %get3A_209 = arith.constant 0 : index
      %get3A_210 = vector.load %arg9[%get3A_208, %get3A_209] : memref<64x128xf32, #tpu.memory_space<vmem>>, vector<1x128xf32>
      %max3A_211 = arith.maximumf %get3A_210, %broadcast_in_dim3A_207 : vector<1x128xf32>
      %swap3A = arith.index_cast %while3A_201 : i32 to index
      %swap3A_212 = arith.constant 0 : index
      %swap3A_213 = vector.load %arg9[%swap3A, %swap3A_212] : memref<64x128xf32, #tpu.memory_space<vmem>>, vector<1x128xf32>
      tpu.vector_store %arg9[%swap3A, %swap3A_212], %max3A_211 {strides = array<i32>} : memref<64x128xf32, #tpu.memory_space<vmem>>, vector<1x128xf32>,
    }
    %while3A_93 = arith.constant 1 : i32
    scf.for %while3A_201 = %while3A_91 to %while3A_87 step %while3A_93  : i32 {
      %eq3A_202 = vector.broadcast %while3A_201 : i32 to vector<200x1xi32>
      %eq3A_203 = arith.cmpi eq, %slice3A_77, %eq3A_202 : vector<200x1xi32>
      %jit3A = arith.constant 0xFF800000 : f32
      %broadcast_in_dim3A = vector.shape_cast %eq3A_203 : vector<200x1xi1> to vector<200x1xi1>
      %broadcast_in_dim3A_204 = vector.broadcast %broadcast_in_dim3A : vector<200x1xi1> to vector<200x128xi1>
      %broadcast_in_dim3A_205 = vector.broadcast %jit3A : f32 to vector<200x128xf32>
      %select_n3A = arith.select %broadcast_in_dim3A_204, %slice3A_78, %broadcast_in_dim3A_205 : vector<200x128xi1>, vector<200x128xf32>
      %reduce_max3A = arith.constant dense<0xFF800000> : vector<128xf32>
      %reduce_max3A_206 = vector.multi_reduction <maximumf>, %select_n3A, %reduce_max3A [0] : vector<200x128xf32> to vector<128xf32>
      %broadcast_in_dim3A_207 = vector.shape_cast %reduce_max3A_206 : vector<128xf32> to vector<1x128xf32>
      %get3A_208 = arith.index_cast %while3A_201 : i32 to index
      %get3A_209 = arith.constant 0 : index
      %get3A_210 = vector.load %arg9[%get3A_208, %get3A_209] : memref<64x128xf32, #tpu.memory_space<vmem>>, vector<1x128xf32>
      %max3A_211 = arith.maximumf %get3A_210, %broadcast_in_dim3A_207 : vector<1x128xf32>
      %swap3A = arith.index_cast %while3A_201 : i32 to index
      %swap3A_212 = arith.constant 0 : index
      %swap3A_213 = vector.load %arg9[%swap3A, %swap3A_212] : memref<64x128xf32, #tpu.memory_space<vmem>>, vector<1x128xf32>
      tpu.vector_store %arg9[%swap3A, %swap3A_212], %max3A_211 {strides = array<i32>} : memref<64x128xf32, #tpu.memory_space<vmem>>, vector<1x128xf32>,
    }
    %slice3A_94 = vector.extract_strided_slice %get3A_28 {offsets = [800, 0], sizes = [200, 1], strides = [1, 1]} : vector<2000x1xi32> to vector<200x1xi32>
    %slice3A_95 = vector.extract_strided_slice %max3A_25 {offsets = [800, 0], sizes = [200, 128], strides = [1, 1]} : vector<2000x128xf32> to vector<200x128xf32>
    %slice3A_96 = vector.extract_strided_slice %slice3A_94 {offsets = [0, 0], sizes = [1, 1], strides = [1, 1]} : vector<200x1xi32> to vector<1x1xi32>
    %squeeze3A_97 = vector.extract %slice3A_96[0, 0] : i32 from vector<1x1xi32>
    %slice3A_98 = vector.extract_strided_slice %slice3A_94 {offsets = [199, 0], sizes = [1, 1], strides = [1, 1]} : vector<200x1xi32> to vector<1x1xi32>
    %squeeze3A_99 = vector.extract %slice3A_98[0, 0] : i32 from vector<1x1xi32>
    %add3A_100 = arith.constant 1 : i32
    %add3A_101 = arith.addi %squeeze3A_99, %add3A_100 : i32
    %while3A_102 = arith.constant 0 : i32
    %while3A_103 = arith.subi %add3A_101, %squeeze3A_97 : i32
    %while3A_104 = arith.addi %squeeze3A_97, %while3A_103 : i32
    %while3A_105 = arith.constant 1 : i32
    %while3A_106 = arith.divsi %while3A_103, %while3A_105 : i32
    %while3A_107 = arith.muli %while3A_106, %while3A_105 : i32
    %while3A_108 = arith.addi %squeeze3A_97, %while3A_107 : i32
    %while3A_109 = arith.constant 1 : i32
    scf.for %while3A_201 = %squeeze3A_97 to %while3A_108 step %while3A_109  : i32 {
      %eq3A_202 = vector.broadcast %while3A_201 : i32 to vector<200x1xi32>
      %eq3A_203 = arith.cmpi eq, %slice3A_94, %eq3A_202 : vector<200x1xi32>
      %jit3A = arith.constant 0xFF800000 : f32
      %broadcast_in_dim3A = vector.shape_cast %eq3A_203 : vector<200x1xi1> to vector<200x1xi1>
      %broadcast_in_dim3A_204 = vector.broadcast %broadcast_in_dim3A : vector<200x1xi1> to vector<200x128xi1>
      %broadcast_in_dim3A_205 = vector.broadcast %jit3A : f32 to vector<200x128xf32>
      %select_n3A = arith.select %broadcast_in_dim3A_204, %slice3A_95, %broadcast_in_dim3A_205 : vector<200x128xi1>, vector<200x128xf32>
      %reduce_max3A = arith.constant dense<0xFF800000> : vector<128xf32>
      %reduce_max3A_206 = vector.multi_reduction <maximumf>, %select_n3A, %reduce_max3A [0] : vector<200x128xf32> to vector<128xf32>
      %broadcast_in_dim3A_207 = vector.shape_cast %reduce_max3A_206 : vector<128xf32> to vector<1x128xf32>
      %get3A_208 = arith.index_cast %while3A_201 : i32 to index
      %get3A_209 = arith.constant 0 : index
      %get3A_210 = vector.load %arg9[%get3A_208, %get3A_209] : memref<64x128xf32, #tpu.memory_space<vmem>>, vector<1x128xf32>
      %max3A_211 = arith.maximumf %get3A_210, %broadcast_in_dim3A_207 : vector<1x128xf32>
      %swap3A = arith.index_cast %while3A_201 : i32 to index
      %swap3A_212 = arith.constant 0 : index
      %swap3A_213 = vector.load %arg9[%swap3A, %swap3A_212] : memref<64x128xf32, #tpu.memory_space<vmem>>, vector<1x128xf32>
      tpu.vector_store %arg9[%swap3A, %swap3A_212], %max3A_211 {strides = array<i32>} : memref<64x128xf32, #tpu.memory_space<vmem>>, vector<1x128xf32>,
    }
    %while3A_110 = arith.constant 1 : i32
    scf.for %while3A_201 = %while3A_108 to %while3A_104 step %while3A_110  : i32 {
      %eq3A_202 = vector.broadcast %while3A_201 : i32 to vector<200x1xi32>
      %eq3A_203 = arith.cmpi eq, %slice3A_94, %eq3A_202 : vector<200x1xi32>
      %jit3A = arith.constant 0xFF800000 : f32
      %broadcast_in_dim3A = vector.shape_cast %eq3A_203 : vector<200x1xi1> to vector<200x1xi1>
      %broadcast_in_dim3A_204 = vector.broadcast %broadcast_in_dim3A : vector<200x1xi1> to vector<200x128xi1>
      %broadcast_in_dim3A_205 = vector.broadcast %jit3A : f32 to vector<200x128xf32>
      %select_n3A = arith.select %broadcast_in_dim3A_204, %slice3A_95, %broadcast_in_dim3A_205 : vector<200x128xi1>, vector<200x128xf32>
      %reduce_max3A = arith.constant dense<0xFF800000> : vector<128xf32>
      %reduce_max3A_206 = vector.multi_reduction <maximumf>, %select_n3A, %reduce_max3A [0] : vector<200x128xf32> to vector<128xf32>
      %broadcast_in_dim3A_207 = vector.shape_cast %reduce_max3A_206 : vector<128xf32> to vector<1x128xf32>
      %get3A_208 = arith.index_cast %while3A_201 : i32 to index
      %get3A_209 = arith.constant 0 : index
      %get3A_210 = vector.load %arg9[%get3A_208, %get3A_209] : memref<64x128xf32, #tpu.memory_space<vmem>>, vector<1x128xf32>
      %max3A_211 = arith.maximumf %get3A_210, %broadcast_in_dim3A_207 : vector<1x128xf32>
      %swap3A = arith.index_cast %while3A_201 : i32 to index
      %swap3A_212 = arith.constant 0 : index
      %swap3A_213 = vector.load %arg9[%swap3A, %swap3A_212] : memref<64x128xf32, #tpu.memory_space<vmem>>, vector<1x128xf32>
      tpu.vector_store %arg9[%swap3A, %swap3A_212], %max3A_211 {strides = array<i32>} : memref<64x128xf32, #tpu.memory_space<vmem>>, vector<1x128xf32>,
    }
    %slice3A_111 = vector.extract_strided_slice %get3A_28 {offsets = [1000, 0], sizes = [200, 1], strides = [1, 1]} : vector<2000x1xi32> to vector<200x1xi32>
    %slice3A_112 = vector.extract_strided_slice %max3A_25 {offsets = [1000, 0], sizes = [200, 128], strides = [1, 1]} : vector<2000x128xf32> to vector<200x128xf32>
    %slice3A_113 = vector.extract_strided_slice %slice3A_111 {offsets = [0, 0], sizes = [1, 1], strides = [1, 1]} : vector<200x1xi32> to vector<1x1xi32>
    %squeeze3A_114 = vector.extract %slice3A_113[0, 0] : i32 from vector<1x1xi32>
    %slice3A_115 = vector.extract_strided_slice %slice3A_111 {offsets = [199, 0], sizes = [1, 1], strides = [1, 1]} : vector<200x1xi32> to vector<1x1xi32>
    %squeeze3A_116 = vector.extract %slice3A_115[0, 0] : i32 from vector<1x1xi32>
    %add3A_117 = arith.constant 1 : i32
    %add3A_118 = arith.addi %squeeze3A_116, %add3A_117 : i32
    %while3A_119 = arith.constant 0 : i32
    %while3A_120 = arith.subi %add3A_118, %squeeze3A_114 : i32
    %while3A_121 = arith.addi %squeeze3A_114, %while3A_120 : i32
    %while3A_122 = arith.constant 1 : i32
    %while3A_123 = arith.divsi %while3A_120, %while3A_122 : i32
    %while3A_124 = arith.muli %while3A_123, %while3A_122 : i32
    %while3A_125 = arith.addi %squeeze3A_114, %while3A_124 : i32
    %while3A_126 = arith.constant 1 : i32
    scf.for %while3A_201 = %squeeze3A_114 to %while3A_125 step %while3A_126  : i32 {
      %eq3A_202 = vector.broadcast %while3A_201 : i32 to vector<200x1xi32>
      %eq3A_203 = arith.cmpi eq, %slice3A_111, %eq3A_202 : vector<200x1xi32>
      %jit3A = arith.constant 0xFF800000 : f32
      %broadcast_in_dim3A = vector.shape_cast %eq3A_203 : vector<200x1xi1> to vector<200x1xi1>
      %broadcast_in_dim3A_204 = vector.broadcast %broadcast_in_dim3A : vector<200x1xi1> to vector<200x128xi1>
      %broadcast_in_dim3A_205 = vector.broadcast %jit3A : f32 to vector<200x128xf32>
      %select_n3A = arith.select %broadcast_in_dim3A_204, %slice3A_112, %broadcast_in_dim3A_205 : vector<200x128xi1>, vector<200x128xf32>
      %reduce_max3A = arith.constant dense<0xFF800000> : vector<128xf32>
      %reduce_max3A_206 = vector.multi_reduction <maximumf>, %select_n3A, %reduce_max3A [0] : vector<200x128xf32> to vector<128xf32>
      %broadcast_in_dim3A_207 = vector.shape_cast %reduce_max3A_206 : vector<128xf32> to vector<1x128xf32>
      %get3A_208 = arith.index_cast %while3A_201 : i32 to index
      %get3A_209 = arith.constant 0 : index
      %get3A_210 = vector.load %arg9[%get3A_208, %get3A_209] : memref<64x128xf32, #tpu.memory_space<vmem>>, vector<1x128xf32>
      %max3A_211 = arith.maximumf %get3A_210, %broadcast_in_dim3A_207 : vector<1x128xf32>
      %swap3A = arith.index_cast %while3A_201 : i32 to index
      %swap3A_212 = arith.constant 0 : index
      %swap3A_213 = vector.load %arg9[%swap3A, %swap3A_212] : memref<64x128xf32, #tpu.memory_space<vmem>>, vector<1x128xf32>
      tpu.vector_store %arg9[%swap3A, %swap3A_212], %max3A_211 {strides = array<i32>} : memref<64x128xf32, #tpu.memory_space<vmem>>, vector<1x128xf32>,
    }
    %while3A_127 = arith.constant 1 : i32
    scf.for %while3A_201 = %while3A_125 to %while3A_121 step %while3A_127  : i32 {
      %eq3A_202 = vector.broadcast %while3A_201 : i32 to vector<200x1xi32>
      %eq3A_203 = arith.cmpi eq, %slice3A_111, %eq3A_202 : vector<200x1xi32>
      %jit3A = arith.constant 0xFF800000 : f32
      %broadcast_in_dim3A = vector.shape_cast %eq3A_203 : vector<200x1xi1> to vector<200x1xi1>
      %broadcast_in_dim3A_204 = vector.broadcast %broadcast_in_dim3A : vector<200x1xi1> to vector<200x128xi1>
      %broadcast_in_dim3A_205 = vector.broadcast %jit3A : f32 to vector<200x128xf32>
      %select_n3A = arith.select %broadcast_in_dim3A_204, %slice3A_112, %broadcast_in_dim3A_205 : vector<200x128xi1>, vector<200x128xf32>
      %reduce_max3A = arith.constant dense<0xFF800000> : vector<128xf32>
      %reduce_max3A_206 = vector.multi_reduction <maximumf>, %select_n3A, %reduce_max3A [0] : vector<200x128xf32> to vector<128xf32>
      %broadcast_in_dim3A_207 = vector.shape_cast %reduce_max3A_206 : vector<128xf32> to vector<1x128xf32>
      %get3A_208 = arith.index_cast %while3A_201 : i32 to index
      %get3A_209 = arith.constant 0 : index
      %get3A_210 = vector.load %arg9[%get3A_208, %get3A_209] : memref<64x128xf32, #tpu.memory_space<vmem>>, vector<1x128xf32>
      %max3A_211 = arith.maximumf %get3A_210, %broadcast_in_dim3A_207 : vector<1x128xf32>
      %swap3A = arith.index_cast %while3A_201 : i32 to index
      %swap3A_212 = arith.constant 0 : index
      %swap3A_213 = vector.load %arg9[%swap3A, %swap3A_212] : memref<64x128xf32, #tpu.memory_space<vmem>>, vector<1x128xf32>
      tpu.vector_store %arg9[%swap3A, %swap3A_212], %max3A_211 {strides = array<i32>} : memref<64x128xf32, #tpu.memory_space<vmem>>, vector<1x128xf32>,
    }
    %slice3A_128 = vector.extract_strided_slice %get3A_28 {offsets = [1200, 0], sizes = [200, 1], strides = [1, 1]} : vector<2000x1xi32> to vector<200x1xi32>
    %slice3A_129 = vector.extract_strided_slice %max3A_25 {offsets = [1200, 0], sizes = [200, 128], strides = [1, 1]} : vector<2000x128xf32> to vector<200x128xf32>
    %slice3A_130 = vector.extract_strided_slice %slice3A_128 {offsets = [0, 0], sizes = [1, 1], strides = [1, 1]} : vector<200x1xi32> to vector<1x1xi32>
    %squeeze3A_131 = vector.extract %slice3A_130[0, 0] : i32 from vector<1x1xi32>
    %slice3A_132 = vector.extract_strided_slice %slice3A_128 {offsets = [199, 0], sizes = [1, 1], strides = [1, 1]} : vector<200x1xi32> to vector<1x1xi32>
    %squeeze3A_133 = vector.extract %slice3A_132[0, 0] : i32 from vector<1x1xi32>
    %add3A_134 = arith.constant 1 : i32
    %add3A_135 = arith.addi %squeeze3A_133, %add3A_134 : i32
    %while3A_136 = arith.constant 0 : i32
    %while3A_137 = arith.subi %add3A_135, %squeeze3A_131 : i32
    %while3A_138 = arith.addi %squeeze3A_131, %while3A_137 : i32
    %while3A_139 = arith.constant 1 : i32
    %while3A_140 = arith.divsi %while3A_137, %while3A_139 : i32
    %while3A_141 = arith.muli %while3A_140, %while3A_139 : i32
    %while3A_142 = arith.addi %squeeze3A_131, %while3A_141 : i32
    %while3A_143 = arith.constant 1 : i32
    scf.for %while3A_201 = %squeeze3A_131 to %while3A_142 step %while3A_143  : i32 {
      %eq3A_202 = vector.broadcast %while3A_201 : i32 to vector<200x1xi32>
      %eq3A_203 = arith.cmpi eq, %slice3A_128, %eq3A_202 : vector<200x1xi32>
      %jit3A = arith.constant 0xFF800000 : f32
      %broadcast_in_dim3A = vector.shape_cast %eq3A_203 : vector<200x1xi1> to vector<200x1xi1>
      %broadcast_in_dim3A_204 = vector.broadcast %broadcast_in_dim3A : vector<200x1xi1> to vector<200x128xi1>
      %broadcast_in_dim3A_205 = vector.broadcast %jit3A : f32 to vector<200x128xf32>
      %select_n3A = arith.select %broadcast_in_dim3A_204, %slice3A_129, %broadcast_in_dim3A_205 : vector<200x128xi1>, vector<200x128xf32>
      %reduce_max3A = arith.constant dense<0xFF800000> : vector<128xf32>
      %reduce_max3A_206 = vector.multi_reduction <maximumf>, %select_n3A, %reduce_max3A [0] : vector<200x128xf32> to vector<128xf32>
      %broadcast_in_dim3A_207 = vector.shape_cast %reduce_max3A_206 : vector<128xf32> to vector<1x128xf32>
      %get3A_208 = arith.index_cast %while3A_201 : i32 to index
      %get3A_209 = arith.constant 0 : index
      %get3A_210 = vector.load %arg9[%get3A_208, %get3A_209] : memref<64x128xf32, #tpu.memory_space<vmem>>, vector<1x128xf32>
      %max3A_211 = arith.maximumf %get3A_210, %broadcast_in_dim3A_207 : vector<1x128xf32>
      %swap3A = arith.index_cast %while3A_201 : i32 to index
      %swap3A_212 = arith.constant 0 : index
      %swap3A_213 = vector.load %arg9[%swap3A, %swap3A_212] : memref<64x128xf32, #tpu.memory_space<vmem>>, vector<1x128xf32>
      tpu.vector_store %arg9[%swap3A, %swap3A_212], %max3A_211 {strides = array<i32>} : memref<64x128xf32, #tpu.memory_space<vmem>>, vector<1x128xf32>,
    }
    %while3A_144 = arith.constant 1 : i32
    scf.for %while3A_201 = %while3A_142 to %while3A_138 step %while3A_144  : i32 {
      %eq3A_202 = vector.broadcast %while3A_201 : i32 to vector<200x1xi32>
      %eq3A_203 = arith.cmpi eq, %slice3A_128, %eq3A_202 : vector<200x1xi32>
      %jit3A = arith.constant 0xFF800000 : f32
      %broadcast_in_dim3A = vector.shape_cast %eq3A_203 : vector<200x1xi1> to vector<200x1xi1>
      %broadcast_in_dim3A_204 = vector.broadcast %broadcast_in_dim3A : vector<200x1xi1> to vector<200x128xi1>
      %broadcast_in_dim3A_205 = vector.broadcast %jit3A : f32 to vector<200x128xf32>
      %select_n3A = arith.select %broadcast_in_dim3A_204, %slice3A_129, %broadcast_in_dim3A_205 : vector<200x128xi1>, vector<200x128xf32>
      %reduce_max3A = arith.constant dense<0xFF800000> : vector<128xf32>
      %reduce_max3A_206 = vector.multi_reduction <maximumf>, %select_n3A, %reduce_max3A [0] : vector<200x128xf32> to vector<128xf32>
      %broadcast_in_dim3A_207 = vector.shape_cast %reduce_max3A_206 : vector<128xf32> to vector<1x128xf32>
      %get3A_208 = arith.index_cast %while3A_201 : i32 to index
      %get3A_209 = arith.constant 0 : index
      %get3A_210 = vector.load %arg9[%get3A_208, %get3A_209] : memref<64x128xf32, #tpu.memory_space<vmem>>, vector<1x128xf32>
      %max3A_211 = arith.maximumf %get3A_210, %broadcast_in_dim3A_207 : vector<1x128xf32>
      %swap3A = arith.index_cast %while3A_201 : i32 to index
      %swap3A_212 = arith.constant 0 : index
      %swap3A_213 = vector.load %arg9[%swap3A, %swap3A_212] : memref<64x128xf32, #tpu.memory_space<vmem>>, vector<1x128xf32>
      tpu.vector_store %arg9[%swap3A, %swap3A_212], %max3A_211 {strides = array<i32>} : memref<64x128xf32, #tpu.memory_space<vmem>>, vector<1x128xf32>,
    }
    %slice3A_145 = vector.extract_strided_slice %get3A_28 {offsets = [1400, 0], sizes = [200, 1], strides = [1, 1]} : vector<2000x1xi32> to vector<200x1xi32>
    %slice3A_146 = vector.extract_strided_slice %max3A_25 {offsets = [1400, 0], sizes = [200, 128], strides = [1, 1]} : vector<2000x128xf32> to vector<200x128xf32>
    %slice3A_147 = vector.extract_strided_slice %slice3A_145 {offsets = [0, 0], sizes = [1, 1], strides = [1, 1]} : vector<200x1xi32> to vector<1x1xi32>
    %squeeze3A_148 = vector.extract %slice3A_147[0, 0] : i32 from vector<1x1xi32>
    %slice3A_149 = vector.extract_strided_slice %slice3A_145 {offsets = [199, 0], sizes = [1, 1], strides = [1, 1]} : vector<200x1xi32> to vector<1x1xi32>
    %squeeze3A_150 = vector.extract %slice3A_149[0, 0] : i32 from vector<1x1xi32>
    %add3A_151 = arith.constant 1 : i32
    %add3A_152 = arith.addi %squeeze3A_150, %add3A_151 : i32
    %while3A_153 = arith.constant 0 : i32
    %while3A_154 = arith.subi %add3A_152, %squeeze3A_148 : i32
    %while3A_155 = arith.addi %squeeze3A_148, %while3A_154 : i32
    %while3A_156 = arith.constant 1 : i32
    %while3A_157 = arith.divsi %while3A_154, %while3A_156 : i32
    %while3A_158 = arith.muli %while3A_157, %while3A_156 : i32
    %while3A_159 = arith.addi %squeeze3A_148, %while3A_158 : i32
    %while3A_160 = arith.constant 1 : i32
    scf.for %while3A_201 = %squeeze3A_148 to %while3A_159 step %while3A_160  : i32 {
      %eq3A_202 = vector.broadcast %while3A_201 : i32 to vector<200x1xi32>
      %eq3A_203 = arith.cmpi eq, %slice3A_145, %eq3A_202 : vector<200x1xi32>
      %jit3A = arith.constant 0xFF800000 : f32
      %broadcast_in_dim3A = vector.shape_cast %eq3A_203 : vector<200x1xi1> to vector<200x1xi1>
      %broadcast_in_dim3A_204 = vector.broadcast %broadcast_in_dim3A : vector<200x1xi1> to vector<200x128xi1>
      %broadcast_in_dim3A_205 = vector.broadcast %jit3A : f32 to vector<200x128xf32>
      %select_n3A = arith.select %broadcast_in_dim3A_204, %slice3A_146, %broadcast_in_dim3A_205 : vector<200x128xi1>, vector<200x128xf32>
      %reduce_max3A = arith.constant dense<0xFF800000> : vector<128xf32>
      %reduce_max3A_206 = vector.multi_reduction <maximumf>, %select_n3A, %reduce_max3A [0] : vector<200x128xf32> to vector<128xf32>
      %broadcast_in_dim3A_207 = vector.shape_cast %reduce_max3A_206 : vector<128xf32> to vector<1x128xf32>
      %get3A_208 = arith.index_cast %while3A_201 : i32 to index
      %get3A_209 = arith.constant 0 : index
      %get3A_210 = vector.load %arg9[%get3A_208, %get3A_209] : memref<64x128xf32, #tpu.memory_space<vmem>>, vector<1x128xf32>
      %max3A_211 = arith.maximumf %get3A_210, %broadcast_in_dim3A_207 : vector<1x128xf32>
      %swap3A = arith.index_cast %while3A_201 : i32 to index
      %swap3A_212 = arith.constant 0 : index
      %swap3A_213 = vector.load %arg9[%swap3A, %swap3A_212] : memref<64x128xf32, #tpu.memory_space<vmem>>, vector<1x128xf32>
      tpu.vector_store %arg9[%swap3A, %swap3A_212], %max3A_211 {strides = array<i32>} : memref<64x128xf32, #tpu.memory_space<vmem>>, vector<1x128xf32>,
    }
    %while3A_161 = arith.constant 1 : i32
    scf.for %while3A_201 = %while3A_159 to %while3A_155 step %while3A_161  : i32 {
      %eq3A_202 = vector.broadcast %while3A_201 : i32 to vector<200x1xi32>
      %eq3A_203 = arith.cmpi eq, %slice3A_145, %eq3A_202 : vector<200x1xi32>
      %jit3A = arith.constant 0xFF800000 : f32
      %broadcast_in_dim3A = vector.shape_cast %eq3A_203 : vector<200x1xi1> to vector<200x1xi1>
      %broadcast_in_dim3A_204 = vector.broadcast %broadcast_in_dim3A : vector<200x1xi1> to vector<200x128xi1>
      %broadcast_in_dim3A_205 = vector.broadcast %jit3A : f32 to vector<200x128xf32>
      %select_n3A = arith.select %broadcast_in_dim3A_204, %slice3A_146, %broadcast_in_dim3A_205 : vector<200x128xi1>, vector<200x128xf32>
      %reduce_max3A = arith.constant dense<0xFF800000> : vector<128xf32>
      %reduce_max3A_206 = vector.multi_reduction <maximumf>, %select_n3A, %reduce_max3A [0] : vector<200x128xf32> to vector<128xf32>
      %broadcast_in_dim3A_207 = vector.shape_cast %reduce_max3A_206 : vector<128xf32> to vector<1x128xf32>
      %get3A_208 = arith.index_cast %while3A_201 : i32 to index
      %get3A_209 = arith.constant 0 : index
      %get3A_210 = vector.load %arg9[%get3A_208, %get3A_209] : memref<64x128xf32, #tpu.memory_space<vmem>>, vector<1x128xf32>
      %max3A_211 = arith.maximumf %get3A_210, %broadcast_in_dim3A_207 : vector<1x128xf32>
      %swap3A = arith.index_cast %while3A_201 : i32 to index
      %swap3A_212 = arith.constant 0 : index
      %swap3A_213 = vector.load %arg9[%swap3A, %swap3A_212] : memref<64x128xf32, #tpu.memory_space<vmem>>, vector<1x128xf32>
      tpu.vector_store %arg9[%swap3A, %swap3A_212], %max3A_211 {strides = array<i32>} : memref<64x128xf32, #tpu.memory_space<vmem>>, vector<1x128xf32>,
    }
    %slice3A_162 = vector.extract_strided_slice %get3A_28 {offsets = [1600, 0], sizes = [200, 1], strides = [1, 1]} : vector<2000x1xi32> to vector<200x1xi32>
    %slice3A_163 = vector.extract_strided_slice %max3A_25 {offsets = [1600, 0], sizes = [200, 128], strides = [1, 1]} : vector<2000x128xf32> to vector<200x128xf32>
    %slice3A_164 = vector.extract_strided_slice %slice3A_162 {offsets = [0, 0], sizes = [1, 1], strides = [1, 1]} : vector<200x1xi32> to vector<1x1xi32>
    %squeeze3A_165 = vector.extract %slice3A_164[0, 0] : i32 from vector<1x1xi32>
    %slice3A_166 = vector.extract_strided_slice %slice3A_162 {offsets = [199, 0], sizes = [1, 1], strides = [1, 1]} : vector<200x1xi32> to vector<1x1xi32>
    %squeeze3A_167 = vector.extract %slice3A_166[0, 0] : i32 from vector<1x1xi32>
    %add3A_168 = arith.constant 1 : i32
    %add3A_169 = arith.addi %squeeze3A_167, %add3A_168 : i32
    %while3A_170 = arith.constant 0 : i32
    %while3A_171 = arith.subi %add3A_169, %squeeze3A_165 : i32
    %while3A_172 = arith.addi %squeeze3A_165, %while3A_171 : i32
    %while3A_173 = arith.constant 1 : i32
    %while3A_174 = arith.divsi %while3A_171, %while3A_173 : i32
    %while3A_175 = arith.muli %while3A_174, %while3A_173 : i32
    %while3A_176 = arith.addi %squeeze3A_165, %while3A_175 : i32
    %while3A_177 = arith.constant 1 : i32
    scf.for %while3A_201 = %squeeze3A_165 to %while3A_176 step %while3A_177  : i32 {
      %eq3A_202 = vector.broadcast %while3A_201 : i32 to vector<200x1xi32>
      %eq3A_203 = arith.cmpi eq, %slice3A_162, %eq3A_202 : vector<200x1xi32>
      %jit3A = arith.constant 0xFF800000 : f32
      %broadcast_in_dim3A = vector.shape_cast %eq3A_203 : vector<200x1xi1> to vector<200x1xi1>
      %broadcast_in_dim3A_204 = vector.broadcast %broadcast_in_dim3A : vector<200x1xi1> to vector<200x128xi1>
      %broadcast_in_dim3A_205 = vector.broadcast %jit3A : f32 to vector<200x128xf32>
      %select_n3A = arith.select %broadcast_in_dim3A_204, %slice3A_163, %broadcast_in_dim3A_205 : vector<200x128xi1>, vector<200x128xf32>
      %reduce_max3A = arith.constant dense<0xFF800000> : vector<128xf32>
      %reduce_max3A_206 = vector.multi_reduction <maximumf>, %select_n3A, %reduce_max3A [0] : vector<200x128xf32> to vector<128xf32>
      %broadcast_in_dim3A_207 = vector.shape_cast %reduce_max3A_206 : vector<128xf32> to vector<1x128xf32>
      %get3A_208 = arith.index_cast %while3A_201 : i32 to index
      %get3A_209 = arith.constant 0 : index
      %get3A_210 = vector.load %arg9[%get3A_208, %get3A_209] : memref<64x128xf32, #tpu.memory_space<vmem>>, vector<1x128xf32>
      %max3A_211 = arith.maximumf %get3A_210, %broadcast_in_dim3A_207 : vector<1x128xf32>
      %swap3A = arith.index_cast %while3A_201 : i32 to index
      %swap3A_212 = arith.constant 0 : index
      %swap3A_213 = vector.load %arg9[%swap3A, %swap3A_212] : memref<64x128xf32, #tpu.memory_space<vmem>>, vector<1x128xf32>
      tpu.vector_store %arg9[%swap3A, %swap3A_212], %max3A_211 {strides = array<i32>} : memref<64x128xf32, #tpu.memory_space<vmem>>, vector<1x128xf32>,
    }
    %while3A_178 = arith.constant 1 : i32
    scf.for %while3A_201 = %while3A_176 to %while3A_172 step %while3A_178  : i32 {
      %eq3A_202 = vector.broadcast %while3A_201 : i32 to vector<200x1xi32>
      %eq3A_203 = arith.cmpi eq, %slice3A_162, %eq3A_202 : vector<200x1xi32>
      %jit3A = arith.constant 0xFF800000 : f32
      %broadcast_in_dim3A = vector.shape_cast %eq3A_203 : vector<200x1xi1> to vector<200x1xi1>
      %broadcast_in_dim3A_204 = vector.broadcast %broadcast_in_dim3A : vector<200x1xi1> to vector<200x128xi1>
      %broadcast_in_dim3A_205 = vector.broadcast %jit3A : f32 to vector<200x128xf32>
      %select_n3A = arith.select %broadcast_in_dim3A_204, %slice3A_163, %broadcast_in_dim3A_205 : vector<200x128xi1>, vector<200x128xf32>
      %reduce_max3A = arith.constant dense<0xFF800000> : vector<128xf32>
      %reduce_max3A_206 = vector.multi_reduction <maximumf>, %select_n3A, %reduce_max3A [0] : vector<200x128xf32> to vector<128xf32>
      %broadcast_in_dim3A_207 = vector.shape_cast %reduce_max3A_206 : vector<128xf32> to vector<1x128xf32>
      %get3A_208 = arith.index_cast %while3A_201 : i32 to index
      %get3A_209 = arith.constant 0 : index
      %get3A_210 = vector.load %arg9[%get3A_208, %get3A_209] : memref<64x128xf32, #tpu.memory_space<vmem>>, vector<1x128xf32>
      %max3A_211 = arith.maximumf %get3A_210, %broadcast_in_dim3A_207 : vector<1x128xf32>
      %swap3A = arith.index_cast %while3A_201 : i32 to index
      %swap3A_212 = arith.constant 0 : index
      %swap3A_213 = vector.load %arg9[%swap3A, %swap3A_212] : memref<64x128xf32, #tpu.memory_space<vmem>>, vector<1x128xf32>
      tpu.vector_store %arg9[%swap3A, %swap3A_212], %max3A_211 {strides = array<i32>} : memref<64x128xf32, #tpu.memory_space<vmem>>, vector<1x128xf32>,
    }
    %slice3A_179 = vector.extract_strided_slice %get3A_28 {offsets = [1800, 0], sizes = [200, 1], strides = [1, 1]} : vector<2000x1xi32> to vector<200x1xi32>
    %slice3A_180 = vector.extract_strided_slice %max3A_25 {offsets = [1800, 0], sizes = [200, 128], strides = [1, 1]} : vector<2000x128xf32> to vector<200x128xf32>
    %slice3A_181 = vector.extract_strided_slice %slice3A_179 {offsets = [0, 0], sizes = [1, 1], strides = [1, 1]} : vector<200x1xi32> to vector<1x1xi32>
    %squeeze3A_182 = vector.extract %slice3A_181[0, 0] : i32 from vector<1x1xi32>
    %slice3A_183 = vector.extract_strided_slice %slice3A_179 {offsets = [199, 0], sizes = [1, 1], strides = [1, 1]} : vector<200x1xi32> to vector<1x1xi32>
    %squeeze3A_184 = vector.extract %slice3A_183[0, 0] : i32 from vector<1x1xi32>
    %add3A_185 = arith.constant 1 : i32
    %add3A_186 = arith.addi %squeeze3A_184, %add3A_185 : i32
    %while3A_187 = arith.constant 0 : i32
    %while3A_188 = arith.subi %add3A_186, %squeeze3A_182 : i32
    %while3A_189 = arith.addi %squeeze3A_182, %while3A_188 : i32
    %while3A_190 = arith.constant 1 : i32
    %while3A_191 = arith.divsi %while3A_188, %while3A_190 : i32
    %while3A_192 = arith.muli %while3A_191, %while3A_190 : i32
    %while3A_193 = arith.addi %squeeze3A_182, %while3A_192 : i32
    %while3A_194 = arith.constant 1 : i32
    scf.for %while3A_201 = %squeeze3A_182 to %while3A_193 step %while3A_194  : i32 {
      %eq3A_202 = vector.broadcast %while3A_201 : i32 to vector<200x1xi32>
      %eq3A_203 = arith.cmpi eq, %slice3A_179, %eq3A_202 : vector<200x1xi32>
      %jit3A = arith.constant 0xFF800000 : f32
      %broadcast_in_dim3A = vector.shape_cast %eq3A_203 : vector<200x1xi1> to vector<200x1xi1>
      %broadcast_in_dim3A_204 = vector.broadcast %broadcast_in_dim3A : vector<200x1xi1> to vector<200x128xi1>
      %broadcast_in_dim3A_205 = vector.broadcast %jit3A : f32 to vector<200x128xf32>
      %select_n3A = arith.select %broadcast_in_dim3A_204, %slice3A_180, %broadcast_in_dim3A_205 : vector<200x128xi1>, vector<200x128xf32>
      %reduce_max3A = arith.constant dense<0xFF800000> : vector<128xf32>
      %reduce_max3A_206 = vector.multi_reduction <maximumf>, %select_n3A, %reduce_max3A [0] : vector<200x128xf32> to vector<128xf32>
      %broadcast_in_dim3A_207 = vector.shape_cast %reduce_max3A_206 : vector<128xf32> to vector<1x128xf32>
      %get3A_208 = arith.index_cast %while3A_201 : i32 to index
      %get3A_209 = arith.constant 0 : index
      %get3A_210 = vector.load %arg9[%get3A_208, %get3A_209] : memref<64x128xf32, #tpu.memory_space<vmem>>, vector<1x128xf32>
      %max3A_211 = arith.maximumf %get3A_210, %broadcast_in_dim3A_207 : vector<1x128xf32>
      %swap3A = arith.index_cast %while3A_201 : i32 to index
      %swap3A_212 = arith.constant 0 : index
      %swap3A_213 = vector.load %arg9[%swap3A, %swap3A_212] : memref<64x128xf32, #tpu.memory_space<vmem>>, vector<1x128xf32>
      tpu.vector_store %arg9[%swap3A, %swap3A_212], %max3A_211 {strides = array<i32>} : memref<64x128xf32, #tpu.memory_space<vmem>>, vector<1x128xf32>,
    }
    %while3A_195 = arith.constant 1 : i32
    scf.for %while3A_201 = %while3A_193 to %while3A_189 step %while3A_195  : i32 {
      %eq3A_202 = vector.broadcast %while3A_201 : i32 to vector<200x1xi32>
      %eq3A_203 = arith.cmpi eq, %slice3A_179, %eq3A_202 : vector<200x1xi32>
      %jit3A = arith.constant 0xFF800000 : f32
      %broadcast_in_dim3A = vector.shape_cast %eq3A_203 : vector<200x1xi1> to vector<200x1xi1>
      %broadcast_in_dim3A_204 = vector.broadcast %broadcast_in_dim3A : vector<200x1xi1> to vector<200x128xi1>
      %broadcast_in_dim3A_205 = vector.broadcast %jit3A : f32 to vector<200x128xf32>
      %select_n3A = arith.select %broadcast_in_dim3A_204, %slice3A_180, %broadcast_in_dim3A_205 : vector<200x128xi1>, vector<200x128xf32>
      %reduce_max3A = arith.constant dense<0xFF800000> : vector<128xf32>
      %reduce_max3A_206 = vector.multi_reduction <maximumf>, %select_n3A, %reduce_max3A [0] : vector<200x128xf32> to vector<128xf32>
      %broadcast_in_dim3A_207 = vector.shape_cast %reduce_max3A_206 : vector<128xf32> to vector<1x128xf32>
      %get3A_208 = arith.index_cast %while3A_201 : i32 to index
      %get3A_209 = arith.constant 0 : index
      %get3A_210 = vector.load %arg9[%get3A_208, %get3A_209] : memref<64x128xf32, #tpu.memory_space<vmem>>, vector<1x128xf32>
      %max3A_211 = arith.maximumf %get3A_210, %broadcast_in_dim3A_207 : vector<1x128xf32>
      %swap3A = arith.index_cast %while3A_201 : i32 to index
      %swap3A_212 = arith.constant 0 : index
      %swap3A_213 = vector.load %arg9[%swap3A, %swap3A_212] : memref<64x128xf32, #tpu.memory_space<vmem>>, vector<1x128xf32>
      tpu.vector_store %arg9[%swap3A, %swap3A_212], %max3A_211 {strides = array<i32>} : memref<64x128xf32, #tpu.memory_space<vmem>>, vector<1x128xf32>,
    }
    %eq3A_196 = arith.constant 4 : i32
    %eq3A_197 = arith.cmpi eq, %arg0, %eq3A_196 : i32
    %convert_element_type3A_198 = arith.extui %eq3A_197 : i1 to i32
    %cond3A_199 = arith.constant 0 : i32
    %cond3A_200 = arith.cmpi ne, %convert_element_type3A_198, %cond3A_199 : i32
    scf.if %cond3A_200 {
      %get3A_201 = arith.constant 0 : index
      %get3A_202 = arith.constant 0 : index
      %get3A_203 = vector.load %arg9[%get3A_201, %get3A_202] : memref<64x128xf32, #tpu.memory_space<vmem>>, vector<64x128xf32>
      %get3A_204 = arith.constant 0 : index
      %get3A_205 = arith.constant 0 : index
      %get3A_206 = vector.load %arg6[%get3A_204, %get3A_205] : memref<128x2xf32, #tpu.memory_space<vmem>>, vector<128x2xf32>
      %dot_general3A = arith.constant dense<0.000000e+00> : vector<64x2xf32>
      %dot_general3A_207 = tpu.matmul %get3A_203, %get3A_206, %dot_general3A {dimension_numbers = #tpu.dot_dimension_numbers<[1], [0], [0], [1], [0, 0, 1, 1], [], []>, transpose_lhs_hint = false} : vector<64x128xf32>, vector<128x2xf32>, vector<64x2xf32> -> vector<64x2xf32>
      %get3A_208 = arith.constant 0 : index
      %get3A_209 = arith.constant 0 : index
      %get3A_210 = vector.load %arg7[%get3A_208, %get3A_209] : memref<1x2xf32, #tpu.memory_space<vmem>>, vector<1x2xf32>
      %add3A_211 = vector.broadcast %get3A_210 : vector<1x2xf32> to vector<64x2xf32>
      %add3A_212 = arith.addf %dot_general3A_207, %add3A_211 : vector<64x2xf32>
      %reduce_max3A = arith.constant dense<0xFF800000> : vector<64xf32>
      %reduce_max3A_213 = vector.multi_reduction <maximumf>, %add3A_212, %reduce_max3A [1] : vector<64x2xf32> to vector<64xf32>
      %broadcast_in_dim3A = vector.shape_cast %reduce_max3A_213 : vector<64xf32> to vector<64x1xf32>
      %sub3A = vector.broadcast %broadcast_in_dim3A : vector<64x1xf32> to vector<64x2xf32>
      %sub3A_214 = arith.subf %add3A_212, %sub3A : vector<64x2xf32>
      %exp3A = math.exp %sub3A_214 : vector<64x2xf32>
      %reduce_sum3A = arith.constant dense<0.000000e+00> : vector<64xf32>
      %reduce_sum3A_215 = vector.multi_reduction <add>, %exp3A, %reduce_sum3A [1] : vector<64x2xf32> to vector<64xf32>
      %broadcast_in_dim3A_216 = vector.shape_cast %reduce_sum3A_215 : vector<64xf32> to vector<64x1xf32>
      %log3A = math.log %broadcast_in_dim3A_216 : vector<64x1xf32>
      %add3A_217 = arith.addf %log3A, %broadcast_in_dim3A : vector<64x1xf32>
      %sub3A_218 = vector.broadcast %add3A_217 : vector<64x1xf32> to vector<64x2xf32>
      %sub3A_219 = arith.subf %add3A_212, %sub3A_218 : vector<64x2xf32>
      %swap3A = arith.constant 0 : index
      %swap3A_220 = arith.constant 0 : index
      %swap3A_221 = vector.load %arg8[%swap3A, %swap3A_220] : memref<64x2xf32, #tpu.memory_space<vmem>>, vector<64x2xf32>
      tpu.vector_store %arg8[%swap3A, %swap3A_220], %sub3A_219 {strides = array<i32>} : memref<64x2xf32, #tpu.memory_space<vmem>>, vector<64x2xf32>,
    } else {
    }
    return
  }
  func.func @transform_0(%arg0: i32) -> (i32, i32, i32) {
    %c0_i32 = arith.constant 0 : i32
    %c0_i32_0 = arith.constant 0 : i32
    %c0_i32_1 = arith.constant 0 : i32
    return %c0_i32, %arg0, %c0_i32_0 : i32, i32, i32
  }
  func.func @transform_1(%arg0: i32) -> (i32, i32) {
    %c0_i32 = arith.constant 0 : i32
    %c0_i32_0 = arith.constant 0 : i32
    return %arg0, %c0_i32 : i32, i32
  }
  func.func @transform_2(%arg0: i32) -> (i32, i32) {
    %c0_i32 = arith.constant 0 : i32
    %c0_i32_0 = arith.constant 0 : i32
    return %arg0, %c0_i32 : i32, i32
  }
  func.func @transform_3(%arg0: i32) -> (i32, i32) {
    %c0_i32 = arith.constant 0 : i32
    %c0_i32_0 = arith.constant 0 : i32
    %c0_i32_1 = arith.constant 0 : i32
    return %c0_i32, %c0_i32_0 : i32, i32
  }
  func.func @transform_4(%arg0: i32) -> (i32, i32) {
    %c0_i32 = arith.constant 0 : i32
    %c0_i32_0 = arith.constant 0 : i32
    return %arg0, %c0_i32 : i32, i32
  }
  func.func @transform_5(%arg0: i32) -> (i32, i32) {
    %c0_i32 = arith.constant 0 : i32
    %c0_i32_0 = arith.constant 0 : i32
    %c0_i32_1 = arith.constant 0 : i32
    return %c0_i32, %c0_i32_0 : i32, i32
  }
  func.func @transform_6(%arg0: i32) -> (i32, i32) {
    %c0_i32 = arith.constant 0 : i32
    %c0_i32_0 = arith.constant 0 : i32
    %c0_i32_1 = arith.constant 0 : i32
    return %c0_i32, %c0_i32_0 : i32, i32
  }
  func.func @transform_7(%arg0: i32) -> (i32, i32) {
    %c0_i32 = arith.constant 0 : i32
    %c0_i32_0 = arith.constant 0 : i32
    %c0_i32_1 = arith.constant 0 : i32
    return %c0_i32, %c0_i32_0 : i32, i32
  }
}

</mosaic_0001>

<sc_bundles>
// kernel: kernel.12.cloned.1.call-start
scs
__scs_entry_jumppad:
0x0: {  	(pc) =	sbr.rel $0x88, $3  }
0x1: {  	(tag) =	ssettag $0x0;
	lr =	simm.s32 $0x1  }
0x2: {  	[smem:$0x3F98] =	sst lr;
	_ =	strace $0xD0000000  }
0x3: {  	_ = 	snop  }
0x4: {  	_ = 	snop  }
0x5: {  	_ = 	snop  }
0x6: {  	_ = 	snop  }
0x7: {  	_ = 	snop  }
__scs_overlays_trampoline_lowered:
0x8: {  	[smem:$0x3FA7] =	sst s0  }
0x9: {  	[smem:$0x3FA8] =	sst s1  }
0xa: {  	[smem:$0x3FA9] =	sst s2  }
0xb: {  	[smem:$0x3FAA] =	sst s3  }
0xc: {  	[smem:$0x3FAB] =	sst s4  }
0xd: {  	[smem:$0x3FAC] =	sst s5  }
0xe: {  	[smem:$0x3FAD] =	sst s6  }
0xf: {  	[smem:$0x3FAE] =	sst s7  }
0x10: {  	[smem:$0x3FAF] =	sst s8  }
0x11: {  	[smem:$0x3FB0] =	sst s9;
	s0 =	simm.s32 @!p0 $0x0  }
0x12: {  	s1 =	sld [smem:$0x3F96];
	s0 =	simm.s32 @p0 $0x1  }
0x13: {  	[smem:$0x3FB1] =	sst s0;
	s0 =	simm.s32 @!p1 $0x0  }
0x14: {  	s2 =	sld [smem:$0x3F95];
	s0 =	simm.s32 @p1 $0x1  }
0x15: {  	[smem:$0x3FB2] =	sst s0;
	s0 =	simm.s32 @!p2 $0x0  }
0x16: {  	s3 =	sld [smem:$0x3FDB];
	s0 =	simm.s32 @p2 $0x1  }
0x17: {  	s4 =	simm.s32 $0x1BF5;
	[smem:$0x3FB4] =	sst s0  }
0x18: {  	s0 =	sld [smem:$0x3F97];
	_ =	swait.ge [sflag:s4], $0x0  }
0x19: {  	s7 =	sld [smem:$0x3F98]  }
0x1a: {  	s8 =	sadd.s32 $0xFFFFE003, lr  }
0x1b: {  	s9 =	sadd.s32 $0xFFFFFEF7, lr;
	s5 =	simm.s32 $0xFFFFFFFF;
	p2 =	slt.u32 s8, $0xFFFFF086  }
0x1c: {  	p1 =	slt.u32 s9, $0xF7A;
	s5 =	simm.s32 @!p2 $0x0  }
0x1d: {  	s5 =	simm.s32 @p1 $0x1;
	p0 =	seq.s32 s7, s2  }
0x1e: {  	s7 =	smul.u32 @!p0 $0xF7A, s2;
	p2 =	seq.s32 @!p0 s5, $0x0  }
0x1f: {  	s9 =	smul.u32 $0xF7A, s1;
	s8 =	simm.s32 @!p0 $0x1BF5;
	p2 =	por !p2, p0  }
0x20: {  	[sflag:s8] =	ssyncset.s32 @!p0 $0xFFFFF086;
	s6 =	sadd.s32 @!p0 s3, s7;
	s7 =	simm.s32 @!p0 $0x108  }
0x21: {  	s3 =	sadd.s32 s3, s9;
	s6 =	sadd.s32 @!p0 $0x88, s6;
	s7 =	simm.s32 @p2 $0x1082  }
0x22: {  	[simem:s7], [sflag:s8] =	dma.local @!p0 [hbm:s6], $0xF7A  }
0x23: {  	s9 =	sor.u32 $0xD0000000, s2;
	s6 =	simm.s32 $0x108;
	_ =	swait.ge @!p0 [sflag:s8], $0x0  }
0x24: {  	s3 =	sadd.s32 $0x88, s3;
	s6 =	simm.s32 @!p1 $0x1082;
	[sflag:s4] =	ssyncset.s32 $0xFFFFF086  }
0x25: {  	[simem:s6], [sflag:s4] =	dma.local [hbm:s3], $0xF7A  }
0x26: {  	[smem:$0x3F98] =	sst s1;
	(tag) =	ssettag s2;
	_ =	strace s9  }
0x27: {  	s1 =	sld [smem:$0x3FA8]  }
0x28: {  	s2 =	sld [smem:$0x3FA9]  }
0x29: {  	s4 =	sld [smem:$0x3FAB]  }
0x2a: {  	p0 =	seq.s32 s5, $0x0;
	s5 =	sld [smem:$0x3FAC]  }
0x2b: {  	s6 =	sld [smem:$0x3FAD]  }
0x2c: {  	s7 =	sld [smem:$0x3FAE]  }
0x2d: {  	s3 =	simm.s32 $0x108;
	s8 =	sld [smem:$0x3FAF]  }
0x2e: {  	s3 =	simm.s32 @!p0 $0x1082;
	s9 =	sld [smem:$0x3FB0]  }
0x2f: {  	lr =	sadd.s32 s0, s3;
	s0 =	sld [smem:$0x3FA7]  }
0x30: {  	s3 =	sld [smem:$0x3FAA]  }
0x31: {  	[smem:$0x3FB3] =	sst s10  }
0x32: {  	s10 =	sld [smem:$0x3FB1];
	_ =	sdelay $0x3  }
0x33: {  	p0 =	seq.s32 s10, $0x1;
	s10 =	sld [smem:$0x3FB3];
	_ =	sdelay $0x3  }
0x34: {  	[smem:$0x3FB3] =	sst s10  }
0x35: {  	s10 =	sld [smem:$0x3FB2];
	_ =	sdelay $0x3  }
0x36: {  	p1 =	seq.s32 s10, $0x1;
	s10 =	sld [smem:$0x3FB3];
	_ =	sdelay $0x3  }
0x37: {  	[smem:$0x3FB3] =	sst s10  }
0x38: {  	s10 =	sld [smem:$0x3FB4]  }
0x39: {  	_ = 	snop;
	(pc) =	sbr.ind lr, $3  }
0x3a: {  	_ = 	snop  }
0x3b: {  	_ = 	snop  }
0x3c: {  	p2 =	seq.s32 s10, $0x1;
	s10 =	sld [smem:$0x3FB3]  }
0x3d: {  	_ =	shalt  }
0x3e: {  	_ =	shalt  }
0x3f: {  	_ =	shalt  }
0x40: {  	_ =	shalt  }
0x41: {  	_ =	shalt  }
0x42: {  	_ =	shalt  }
0x43: {  	_ =	shalt  }
0x44: {  	_ =	shalt  }
0x45: {  	_ =	shalt  }
0x46: {  	_ =	shalt  }
0x47: {  	_ =	shalt  }
0x48: {  	_ =	shalt  }
0x49: {  	_ =	shalt  }
0x4a: {  	_ =	shalt  }
0x4b: {  	_ =	shalt  }
0x4c: {  	_ =	shalt  }
0x4d: {  	_ =	shalt  }
0x4e: {  	_ =	shalt  }
0x4f: {  	_ =	shalt  }
0x50: {  	_ =	shalt  }
0x51: {  	_ =	shalt  }
0x52: {  	_ =	shalt  }
0x53: {  	_ =	shalt  }
0x54: {  	_ =	shalt  }
0x55: {  	_ =	shalt  }
0x56: {  	_ =	shalt  }
0x57: {  	_ =	shalt  }
0x58: {  	_ =	shalt  }
0x59: {  	_ =	shalt  }
0x5a: {  	_ =	shalt  }
0x5b: {  	_ =	shalt  }
0x5c: {  	_ =	shalt  }
0x5d: {  	_ =	shalt  }
0x5e: {  	_ =	shalt  }
0x5f: {  	_ =	shalt  }
0x60: {  	_ =	shalt  }
0x61: {  	_ =	shalt  }
0x62: {  	_ =	shalt  }
0x63: {  	_ =	shalt  }
0x64: {  	_ =	shalt  }
0x65: {  	_ =	shalt  }
0x66: {  	_ =	shalt  }
0x67: {  	_ =	shalt  }
0x68: {  	_ =	shalt  }
0x69: {  	_ =	shalt  }
0x6a: {  	_ =	shalt  }
0x6b: {  	_ =	shalt  }
0x6c: {  	_ =	shalt  }
0x6d: {  	_ =	shalt  }
0x6e: {  	_ =	shalt  }
0x6f: {  	_ =	shalt  }
0x70: {  	_ =	shalt  }
0x71: {  	_ =	shalt  }
0x72: {  	_ =	shalt  }
0x73: {  	_ =	shalt  }
0x74: {  	_ =	shalt  }
0x75: {  	_ =	shalt  }
0x76: {  	_ =	shalt  }
0x77: {  	_ =	shalt  }
0x78: {  	_ =	shalt  }
0x79: {  	_ =	shalt  }
0x7a: {  	_ =	shalt  }
0x7b: {  	_ =	shalt  }
0x7c: {  	_ =	shalt  }
0x7d: {  	_ =	shalt  }
0x7e: {  	_ =	shalt  }
0x7f: {  	_ =	shalt  }
0x80: {  	_ =	shalt  }
0x81: {  	_ =	shalt  }
0x82: {  	_ =	shalt  }
0x83: {  	_ =	shalt  }
0x84: {  	_ =	shalt  }
0x85: {  	_ =	shalt  }
0x86: {  	_ =	shalt  }
0x87: {  	_ =	shalt  }
.Lfunc_end0:
.L_simem_size_0:
called_computation.1_lowered:
.L_overlay_start_0:
0x88: {  	s2 =	sld [smem:$0x3FD9]  }
0x89: {  	s3 =	sld [smem:$0x3FFE];
	_ =	sdelay $0x1  }
0x8a: {  	s1 =	srdreg.scid  }
0x8b: {  	s0 =	sand.u32 $0x1, s1  }
0x8c: {  	s16 =	sshll.u32 s0, $0xA;
	s2 =	sadd.s32 s3, s2  }
0x8d: {  	s2 =	sadd.s32 s2, s16  }
0x8e: {  	[smem:$0x3FBF] =	sst s2  }
0x8f: {  	_ = 	snop  }
0x90: {  	(tm) =	ssettm $0x1  }
0x91: {  	s17 =	sld [smem:$0x3FFB];
	_ =	sdelay $0x3  }
0x92: {  	_ =	strace s17  }
0x93: {  	s2 =	sld [smem:$0x3FFC];
	_ =	sdelay $0x3  }
0x94: {  	_ =	strace s2  }
0x95: {  	s2 =	sld [smem:$0x3FFD];
	_ =	sdelay $0x3  }
0x96: {  	_ =	strace s2  }
0x97: {  	_ =	strace $0x8FFFFFFF  }
0x98: {  	s18 =	sld [smem:$0x3FDB];
	_ =	sdelay $0x1  }
0x99: {  	s19 =	simm.s32 $_scs_section_size  }
0x9a: {  	s4 =	simm.s32 $_size__tile_overlayer_lowered;
	s5 =	simm.s32 $_tile_overlayer_lowered  }
0x9b: {  	s22 =	simm.s32 $0x1BFF;
	s21 =	sshll.u32 s5, $0x1;
	s2 =	sadd.s32 s19, s18  }
0x9c: {  	s6 =	simm.s32 $0x0;
	s20 =	sshll.u32 s4, $0x1;
	s4 =	sadd.s32 s21, s2  }
0x9d: {  	[timem:s6], [sflag:s22] =	dma.local [hbm:s4], s20  }
0x9e: {  	_ =	swait.ge [sflag:s22], s20  }
0x9f: {  	s3 =	ssub.s32 $0x0, s20;
	[sflag:s22] =	ssyncset.done $0x0  }
0xa0: {  	[sflag:s22] =	ssyncadd.s32 s3;
	_ =	sdelay $0x1  }
0xa1: {  	s23 =	simm.s32 $0x1B8B  }
0xa2: {  	_ =	swait.ge [sflag:s23], $0x1  }
0xa3: {  	[sflag:s23] =	ssyncset.done $0x0  }
0xa4: {  	s25 =	simm.s32 $0x1B8E;
	s24 =	sld [smem:$0x3FFE];
	[sflag:s23] =	ssyncadd.s32 $0xFFFFFFFF  }
0xa5: {  	s26 =	simm.s32 $execute0_lowered;
	[smem:$0x3FD2] =	sst s25  }
0xa6: {  	s4 =	sshll.u32 s26, $0x1;
	_ =	strace $0x80000049;
	[dreg:$0x1] =	wrdreg $0xFFFFFFFF  }
0xa7: {  	s28 =	simm.s32 $_size_execute0_lowered;
	s2 =	sadd.s32 s2, s4;
	[dreg:$0x0] =	wrdreg $0x0  }
0xa8: {  	s4 =	sshll.u32 s28, $0x1;
	[dreg:$0x2] =	wrdreg s2  }
0xa9: {  	[dreg:$0x3] =	wrdreg s4  }
0xaa: {  	[dreg:$0x4] =	wrdreg $0xC0  }
0xab: {  	_ =	task [dreg:s6], $0x5FFFF  }
0xac: {  	[dreg:$0x1] =	wrdreg $0xFFFFFFFF  }
0xad: {  	[dreg:$0x0] =	wrdreg $0x60  }
0xae: {  	[dreg:$0x2] =	wrdreg s24  }
0xaf: {  	[dreg:$0x3] =	wrdreg $0x90000  }
0xb0: {  	[dreg:$0x4] =	wrdreg $0x9  }
0xb1: {  	_ =	task.clear_ibuf [dreg:s6], $0x5FFFF;
	_ =	strace $0x90000049  }
0xb2: {  	s29 =	simm.s32 $0x9;
	_ =	strace $0x8000004B  }
0xb3: {  	_ =	swait.ge [sflag:s29], $0x1  }
0xb4: {  	[sflag:s29] =	ssyncadd.s32 $0xFFFFFFFF  }
0xb5: {  	_ =	strace $0x9000004B  }
0xb6: {  	_ =	sfence  }
0xb7: {  	s30 =	sld [smem:$0x0];
	_ =	sdelay $0x2  }
0xb8: {  	s31 =	sshll.u32 s1, $0xD;
	s1 =	sshrl.u32 s1, $0x2  }
0xb9: {  	s3 =	sand.u32 $0x4000, s31;
	s1 =	sadd.s32 s1, s30  }
0xba: {  	s0 =	sor.u32 s3, s0;
	s1 =	sshll.u32 s1, $0x11  }
0xbb: {  	s0 =	sor.u32 s1, s0  }
0xbc: {  	s0 =	sadd.s32 $0x8F2B, s0  }
0xbd: {  	[sflag:s0] =	ssyncadd.remote.s32 $0x1  }
0xbe: {  	_ =	sfence.sel $0xFFFF  }
0xbf: {  	[dreg:$0x0] =	wrdreg $0xFFFFFFFF;
	(pc) =	sbr.abs _section_cstart, $3  }
0xc0: {  	[dreg:$0x1] =	wrdreg $0xFFFFFFFF  }
0xc1: {  	_ =	task.clear_ibuf [dreg:s6], $0x2FFFF;
	_ =	strace $0x9FFFFFFF  }
0xc2: {  	(tm) =	ssettm $0x7FFFFFFF  }
0xc3: {  	_ =	shalt  }
tec
execute0_lowered:
.L_overlay_start_1:
0x0: {  	(tag) =	ssettag $0x1  }
0x1: {  	s7 =	rddreg [dreg:$0x0]  }
0x2: {  	s0 =	srdreg.scid;
	s2 =	rddreg [dreg:$0x1];
	s3 =	simm.s32 $0x0  }
0x3: {  	s19 =	simm.s32 $0x5000;
	s20 =	simm.s32 $0x1;
	s21 =	simm.s32 $0x2800  }
0x4: {  	s22 =	simm.s32 $0x80;
	s6 =	sand.u32 $0x1, s0;
	s0 =	stileid.u32  }
0x5: {  	s23 =	simm.s32 $0x0;
	[smem:$0x7FF] =	sst s3;
	s8 =	smul.u32 $0x280, s0  }
0x6: {  	s4 =	sadd.s32 $0x17600, s7;
	s1 =	sshll.u32 s6, $0x4;
	s9 =	smul.u32 $0x2800, s6  }
0x7: {  	s10 =	smul.u32 $0x50000, s0;
	s29 =	ssub.s32 $0x2, s6;
	s1 =	sor.u32 s0, s1  }
0x8: {  	s31 =	sshrl.u32 s29, $0x1;
	s5 =	smul.u32 $0x500, s1;
	s1 =	rddreg [dreg:$0x2]  }
0x9: {  	_ =	strace $0x8000004A;
	s8 =	sadd.s32 s8, s9;
	s30 =	sshrl.u32 s10, $0x2  }
0xa: {  	s18 =	ssub.s32 s29, s31;
	s8 =	sshll.u32 s8, $0x4;
	s6 =	sadd.s32 s30, s2  }
0xb: {  	s18 =	smax.u32 s18, $0x1;
	s12 =	sadd.s32 s5, s7;
	s5 =	sadd.s32 $0xCA00, s7  }
0xc: {  	s17 =	sadd.s32 s8, s7;
	s7 =	sadd.s32 $0x4000, s6;
	s8 =	sadd.s32 $0x8000, s6  }
0xd: {  	s9 =	sadd.s32 $0xC000, s6;
	s10 =	sadd.s32 $0x10000, s6;
	s11 =	sadd.s32 $0xD600, s12  }
0xe: {  	s12 =	sadd.s32 $0x2A00, s12;
	s13 =	sadd.s32 $0x3E800, s17;
	s14 =	sadd.s32 $0x3F000, s17  }
0xf: {  	s15 =	sadd.s32 $0x3F800, s17;
	s16 =	sadd.s32 $0x40000, s17;
	s17 =	sadd.s32 $0x40800, s17  }
.LBB2_1:
0x10: {  	[tilespmem:s19], [sflag:$0x1] =	stream.linear.gather [hbm4b:s5+s3], $0x4000, $0x38;
	[tilespmem:$0x1D000] =	vst v63  }
0x11: {  	_ =	swait.ge [sflag:s20], $0x4000  }
0x12: {  	[sflag:s20] =	ssyncset.done $0x0  }
0x13: {  	[sflag:s20] =	ssyncadd.s32 $0xFFFFC000  }
0x14: {  	[spmem:s6] =	stream.linear.scatter [tilespmem:s19], [sflag:$0x1], $0x4000, $0x38;
	[tilespmem:$0x1D000] =	vst v63  }
0x15: {  	_ =	swait.ge [sflag:s20], $0x4000  }
0x16: {  	[sflag:s20] =	ssyncset.done $0x0  }
0x17: {  	[sflag:s20] =	ssyncadd.s32 $0xFFFFC000  }
0x18: {  	[spmem:s7] =	stream.linear.scatter [tilespmem:s19], [sflag:$0x1], $0x4000, $0x38;
	[tilespmem:$0x1D000] =	vst v63  }
0x19: {  	_ =	swait.ge [sflag:s20], $0x4000  }
0x1a: {  	[sflag:s20] =	ssyncset.done $0x0  }
0x1b: {  	[sflag:s20] =	ssyncadd.s32 $0xFFFFC000  }
0x1c: {  	[spmem:s8] =	stream.linear.scatter [tilespmem:s19], [sflag:$0x1], $0x4000, $0x38;
	[tilespmem:$0x1D000] =	vst v63  }
0x1d: {  	_ =	swait.ge [sflag:s20], $0x4000  }
0x1e: {  	[sflag:s20] =	ssyncset.done $0x0  }
0x1f: {  	[sflag:s20] =	ssyncadd.s32 $0xFFFFC000  }
0x20: {  	[spmem:s9] =	stream.linear.scatter [tilespmem:s19], [sflag:$0x1], $0x4000, $0x38;
	[tilespmem:$0x1D000] =	vst v63  }
0x21: {  	_ =	swait.ge [sflag:s20], $0x4000  }
0x22: {  	[sflag:s20] =	ssyncset.done $0x0  }
0x23: {  	[sflag:s20] =	ssyncadd.s32 $0xFFFFC000  }
0x24: {  	[spmem:s10] =	stream.linear.scatter [tilespmem:s19], [sflag:$0x1], $0x4000, $0x38;
	[tilespmem:$0x1D000] =	vst v63  }
0x25: {  	_ =	swait.ge [sflag:s20], $0x4000  }
0x26: {  	[sflag:s20] =	ssyncset.done $0x0  }
0x27: {  	[sflag:s20] =	ssyncadd.s32 $0xFFFFC000  }
0x28: {  	[tilespmem:s3], [sflag:$0x1] =	stream.linear.gather [hbm4b:s11+s3], $0x2780, $0x38;
	[tilespmem:$0x1D000] =	vst v63  }
0x29: {  	_ =	swait.ge [sflag:s20], $0x2780  }
0x2a: {  	[sflag:s20] =	ssyncset.done $0x0  }
0x2b: {  	[sflag:s20] =	ssyncadd.s32 $0xFFFFD880  }
0x2c: {  	[tilespmem:s21], [sflag:$0x1] =	stream.linear.gather [hbm4b:s12+s3], $0x2780, $0x38;
	[tilespmem:$0x1D000] =	vst v63  }
0x2d: {  	_ =	swait.ge [sflag:s20], $0x2780  }
0x2e: {  	[sflag:s20] =	ssyncset.done $0x0  }
0x2f: {  	[sflag:s20] =	ssyncadd.s32 $0xFFFFD880  }
0x30: {  	s24 =	simm.s32 $0x0;
	[bflag:$0x0] =	sbarrier.arrive $0xFFFF  }
0x31: {  	[tilespmem:s19], [sflag:$0x1] =	stream.indirect.gather [hbm4b:s4+s22], $0x80, s24, s22, $0xb8;
	[tilespmem:$0x1D000] =	vst v63  }
0x32: {  	_ =	swait.ge [sflag:s20], $0x4000  }
0x33: {  	[sflag:s20] =	ssyncset.done $0x0  }
0x34: {  	s31 =	simm.s32 $0x2800;
	[sflag:s20] =	ssyncadd.s32 $0xFFFFC000  }
0x35: {  	[spmem:s2] =	stream.indirect.scatter.add.f32 [tilespmem:s19], [sflag:$0x1], $0x80, s31, s22, $0xb8;
	[tilespmem:$0x1D000] =	vst v63  }
0x36: {  	_ =	swait.ge [sflag:s20], $0x4000  }
0x37: {  	s25 =	simm.s32 $0x400;
	s24 =	simm.s32 $0x200;
	[sflag:s20] =	ssyncset.done $0x0  }
.LBB2_2:
0x38: {  	s26 =	sshra.s32 s24, $0x2  }
0x39: {  	[sflag:s20] =	ssyncadd.s32 $0xFFFFC000;
	s24 =	smov.u32 s25;
	s28 =	sadd.s32 $0x200, s25  }
0x3a: {  	[tilespmem:s19], [sflag:$0x1] =	stream.indirect.gather [hbm4b:s4+s22], $0x80, s26, s22, $0xb8;
	[tilespmem:$0x1D000] =	vst v63  }
0x3b: {  	p0 =	sne.s32 s25, $0x9C00;
	_ =	swait.ge [sflag:s20], $0x4000  }
.Ltmp0:
0x3c: {  	[sflag:s20] =	ssyncset.done $0x0;
	(pc) =	sbr.rel @p0 .LBB2_2-.Ltmp0, $4  }
0x3d: {  	s25 =	sadd.s32 $0x2800, s26;
	[sflag:s20] =	ssyncadd.s32 $0xFFFFC000  }
0x3e: {  	[spmem:s2] =	stream.indirect.scatter.add.f32 [tilespmem:s19], [sflag:$0x1], $0x80, s25, s22, $0xb8;
	[tilespmem:$0x1D000] =	vst v63  }
0x3f: {  	_ =	swait.ge [sflag:s20], $0x4000  }
0x40: {  	s25 =	smov.u32 s28;
	[sflag:s20] =	ssyncset.done $0x0  }
0x41: {  	s24 =	sshra.s32 s24, $0x2;
	[sflag:s20] =	ssyncadd.s32 $0xFFFFC000  }
0x42: {  	[tilespmem:s19], [sflag:$0x1] =	stream.indirect.gather [hbm4b:s4+s22], $0x80, s24, s22, $0xb8;
	[tilespmem:$0x1D000] =	vst v63  }
0x43: {  	_ =	swait.ge [sflag:s20], $0x4000  }
0x44: {  	[sflag:s20] =	ssyncset.done $0x0  }
0x45: {  	s24 =	sadd.s32 $0x2800, s24;
	[sflag:s20] =	ssyncadd.s32 $0xFFFFC000  }
0x46: {  	[spmem:s2] =	stream.indirect.scatter.add.f32 [tilespmem:s19], [sflag:$0x1], $0x80, s24, s22, $0xb8;
	[tilespmem:$0x1D000] =	vst v63  }
0x47: {  	_ =	swait.ge [sflag:s20], $0x4000  }
0x48: {  	[sflag:s20] =	ssyncset.done $0x0  }
0x49: {  	[sflag:s20] =	ssyncadd.s32 $0xFFFFC000  }
0x4a: {  	[bflag:$0x0] =	sbarrier.arrive $0xFFFF  }
0x4b: {  	[tilespmem:s19], [sflag:$0x1] =	stream.linear.gather [spmem:s6], $0x4000, $0x38;
	[tilespmem:$0x1D000] =	vst v63  }
0x4c: {  	_ =	swait.ge [sflag:s20], $0x4000  }
0x4d: {  	[sflag:s20] =	ssyncset.done $0x0  }
0x4e: {  	[sflag:s20] =	ssyncadd.s32 $0xFFFFC000  }
0x4f: {  	[hbm4b:s13+s3] =	stream.linear.scatter [tilespmem:s19], [sflag:$0x1], $0x4000, $0x38;
	[tilespmem:$0x1D000] =	vst v63  }
0x50: {  	_ =	swait.ge [sflag:s20], $0x4000  }
0x51: {  	[sflag:s20] =	ssyncset.done $0x0  }
0x52: {  	[sflag:s20] =	ssyncadd.s32 $0xFFFFC000  }
0x53: {  	[tilespmem:s19], [sflag:$0x1] =	stream.linear.gather [spmem:s7], $0x4000, $0x38;
	[tilespmem:$0x1D000] =	vst v63  }
0x54: {  	_ =	swait.ge [sflag:s20], $0x4000  }
0x55: {  	[sflag:s20] =	ssyncset.done $0x0  }
0x56: {  	[sflag:s20] =	ssyncadd.s32 $0xFFFFC000  }
0x57: {  	[hbm4b:s14+s3] =	stream.linear.scatter [tilespmem:s19], [sflag:$0x1], $0x4000, $0x38;
	[tilespmem:$0x1D000] =	vst v63  }
0x58: {  	_ =	swait.ge [sflag:s20], $0x4000  }
0x59: {  	[sflag:s20] =	ssyncset.done $0x0  }
0x5a: {  	[sflag:s20] =	ssyncadd.s32 $0xFFFFC000  }
0x5b: {  	[tilespmem:s19], [sflag:$0x1] =	stream.linear.gather [spmem:s8], $0x4000, $0x38;
	[tilespmem:$0x1D000] =	vst v63  }
0x5c: {  	_ =	swait.ge [sflag:s20], $0x4000  }
0x5d: {  	[sflag:s20] =	ssyncset.done $0x0  }
0x5e: {  	[sflag:s20] =	ssyncadd.s32 $0xFFFFC000  }
0x5f: {  	[hbm4b:s15+s3] =	stream.linear.scatter [tilespmem:s19], [sflag:$0x1], $0x4000, $0x38;
	[tilespmem:$0x1D000] =	vst v63  }
0x60: {  	_ =	swait.ge [sflag:s20], $0x4000  }
0x61: {  	[sflag:s20] =	ssyncset.done $0x0  }
0x62: {  	[sflag:s20] =	ssyncadd.s32 $0xFFFFC000  }
0x63: {  	[tilespmem:s19], [sflag:$0x1] =	stream.linear.gather [spmem:s9], $0x4000, $0x38;
	[tilespmem:$0x1D000] =	vst v63  }
0x64: {  	_ =	swait.ge [sflag:s20], $0x4000  }
0x65: {  	[sflag:s20] =	ssyncset.done $0x0  }
0x66: {  	[sflag:s20] =	ssyncadd.s32 $0xFFFFC000  }
0x67: {  	[hbm4b:s16+s3] =	stream.linear.scatter [tilespmem:s19], [sflag:$0x1], $0x4000, $0x38;
	[tilespmem:$0x1D000] =	vst v63  }
0x68: {  	_ =	swait.ge [sflag:s20], $0x4000  }
0x69: {  	[sflag:s20] =	ssyncset.done $0x0  }
0x6a: {  	[sflag:s20] =	ssyncadd.s32 $0xFFFFC000  }
0x6b: {  	[tilespmem:s19], [sflag:$0x1] =	stream.linear.gather [spmem:s10], $0x4000, $0x38;
	[tilespmem:$0x1D000] =	vst v63  }
0x6c: {  	s23 =	sadd.s32 $0x1, s23;
	_ =	swait.ge [sflag:s20], $0x4000  }
0x6d: {  	p0 =	sne.s32 s23, s18;
	[sflag:s20] =	ssyncset.done $0x0  }
.Ltmp1:
0x6e: {  	[sflag:s20] =	ssyncadd.s32 $0xFFFFC000;
	(pc) =	sbr.rel @p0 .LBB2_1-.Ltmp1, $4  }
0x6f: {  	[hbm4b:s17+s3] =	stream.linear.scatter [tilespmem:s19], [sflag:$0x1], $0x4000, $0x38;
	[tilespmem:$0x1D000] =	vst v63  }
0x70: {  	_ =	swait.ge [sflag:s20], $0x4000  }
0x71: {  	[sflag:s20] =	ssyncset.done $0x0  }
0x72: {  	[sflag:s20] =	ssyncadd.s32 $0xFFFFC000  }
0x73: {  	_ =	sfence.sel $0x180000  }
0x74: {  	[bflag:$0x0] =	sbarrier.arrive $0xFFFF  }
0x75: {  	p0 =	sne.s32 s0, $0x0;
	_ =	strace $0x9000004A  }
0x76: {  	s0 =	sadd.s32 @!p0 $0x100000, s1;
	[bflag:$0x2] =	sbarrier.arrive $0xFFFF  }
0x77: {  	[sflag:s0] =	ssyncadd.tile.s32 @!p0 $0x1;
	_ =	shalt  }
.Lfunc_end2:
_tile_overlayer_lowered:
.L_overlay_start_2:
0x78: {  	(tag) =	ssettag $0x2  }
0x79: {  	s0 =	rddreg [dreg:$0x0];
	s2 =	stileid.u32  }
0x7a: {  	s1 =	rddreg [dreg:$0x1];
	p0 =	sne.s32 s2, $0x0  }
0x7b: {  	s3 =	rddreg [dreg:$0x2];
	[bflag:$0x3] =	sbarrier.arrive $0xFFFF;
	s2 =	simm.s32 @!p0 $0x1C01  }
0x7c: {  	[timem:s3], [sflag:s2] =	dma.local @!p0 [hbm:s0], s1  }
0x7d: {  	s0 =	simm.s32 @!p0 $0x1  }
0x7e: {  	_ =	swait.ge @!p0 [sflag:s0], s1  }
0x7f: {  	s1 =	ssub.s32 @!p0 $0x0, s1;
	[sflag:s0] =	ssyncset.done @!p0 $0x0  }
0x80: {  	[sflag:s0] =	ssyncadd.s32 @!p0 s1  }
0x81: {  	[bflag:$0x3] =	sbarrier.arrive $0xFFFF  }
0x82: {  	_ =	shalt  }

// kernel: kernel.15.cloned.1.call-start
scs
__scs_entry_jumppad:
0x0: {  	(pc) =	sbr.rel $0x88, $3  }
0x1: {  	(tag) =	ssettag $0x0;
	lr =	simm.s32 $0x1  }
0x2: {  	[smem:$0x3F98] =	sst lr;
	_ =	strace $0xD0000000  }
0x3: {  	_ = 	snop  }
0x4: {  	_ = 	snop  }
0x5: {  	_ = 	snop  }
0x6: {  	_ = 	snop  }
0x7: {  	_ = 	snop  }
__scs_overlays_trampoline_lowered:
0x8: {  	[smem:$0x3FA7] =	sst s0  }
0x9: {  	[smem:$0x3FA8] =	sst s1  }
0xa: {  	[smem:$0x3FA9] =	sst s2  }
0xb: {  	[smem:$0x3FAA] =	sst s3  }
0xc: {  	[smem:$0x3FAB] =	sst s4  }
0xd: {  	[smem:$0x3FAC] =	sst s5  }
0xe: {  	[smem:$0x3FAD] =	sst s6  }
0xf: {  	[smem:$0x3FAE] =	sst s7  }
0x10: {  	[smem:$0x3FAF] =	sst s8  }
0x11: {  	[smem:$0x3FB0] =	sst s9;
	s0 =	simm.s32 @!p0 $0x0  }
0x12: {  	s1 =	sld [smem:$0x3F96];
	s0 =	simm.s32 @p0 $0x1  }
0x13: {  	[smem:$0x3FB1] =	sst s0;
	s0 =	simm.s32 @!p1 $0x0  }
0x14: {  	s2 =	sld [smem:$0x3F95];
	s0 =	simm.s32 @p1 $0x1  }
0x15: {  	[smem:$0x3FB2] =	sst s0;
	s0 =	simm.s32 @!p2 $0x0  }
0x16: {  	s3 =	sld [smem:$0x3FDB];
	s0 =	simm.s32 @p2 $0x1  }
0x17: {  	s4 =	simm.s32 $0x1BF5;
	[smem:$0x3FB4] =	sst s0  }
0x18: {  	s0 =	sld [smem:$0x3F97];
	_ =	swait.ge [sflag:s4], $0x0  }
0x19: {  	s7 =	sld [smem:$0x3F98]  }
0x1a: {  	s8 =	sadd.s32 $0xFFFFE003, lr  }
0x1b: {  	s9 =	sadd.s32 $0xFFFFFEF7, lr;
	s5 =	simm.s32 $0xFFFFFFFF;
	p2 =	slt.u32 s8, $0xFFFFF086  }
0x1c: {  	p1 =	slt.u32 s9, $0xF7A;
	s5 =	simm.s32 @!p2 $0x0  }
0x1d: {  	s5 =	simm.s32 @p1 $0x1;
	p0 =	seq.s32 s7, s2  }
0x1e: {  	s7 =	smul.u32 @!p0 $0xF7A, s2;
	p2 =	seq.s32 @!p0 s5, $0x0  }
0x1f: {  	s9 =	smul.u32 $0xF7A, s1;
	s8 =	simm.s32 @!p0 $0x1BF5;
	p2 =	por !p2, p0  }
0x20: {  	[sflag:s8] =	ssyncset.s32 @!p0 $0xFFFFF086;
	s6 =	sadd.s32 @!p0 s3, s7;
	s7 =	simm.s32 @!p0 $0x108  }
0x21: {  	s3 =	sadd.s32 s3, s9;
	s6 =	sadd.s32 @!p0 $0x88, s6;
	s7 =	simm.s32 @p2 $0x1082  }
0x22: {  	[simem:s7], [sflag:s8] =	dma.local @!p0 [hbm:s6], $0xF7A  }
0x23: {  	s9 =	sor.u32 $0xD0000000, s2;
	s6 =	simm.s32 $0x108;
	_ =	swait.ge @!p0 [sflag:s8], $0x0  }
0x24: {  	s3 =	sadd.s32 $0x88, s3;
	s6 =	simm.s32 @!p1 $0x1082;
	[sflag:s4] =	ssyncset.s32 $0xFFFFF086  }
0x25: {  	[simem:s6], [sflag:s4] =	dma.local [hbm:s3], $0xF7A  }
0x26: {  	[smem:$0x3F98] =	sst s1;
	(tag) =	ssettag s2;
	_ =	strace s9  }
0x27: {  	s1 =	sld [smem:$0x3FA8]  }
0x28: {  	s2 =	sld [smem:$0x3FA9]  }
0x29: {  	s4 =	sld [smem:$0x3FAB]  }
0x2a: {  	p0 =	seq.s32 s5, $0x0;
	s5 =	sld [smem:$0x3FAC]  }
0x2b: {  	s6 =	sld [smem:$0x3FAD]  }
0x2c: {  	s7 =	sld [smem:$0x3FAE]  }
0x2d: {  	s3 =	simm.s32 $0x108;
	s8 =	sld [smem:$0x3FAF]  }
0x2e: {  	s3 =	simm.s32 @!p0 $0x1082;
	s9 =	sld [smem:$0x3FB0]  }
0x2f: {  	lr =	sadd.s32 s0, s3;
	s0 =	sld [smem:$0x3FA7]  }
0x30: {  	s3 =	sld [smem:$0x3FAA]  }
0x31: {  	[smem:$0x3FB3] =	sst s10  }
0x32: {  	s10 =	sld [smem:$0x3FB1];
	_ =	sdelay $0x3  }
0x33: {  	p0 =	seq.s32 s10, $0x1;
	s10 =	sld [smem:$0x3FB3];
	_ =	sdelay $0x3  }
0x34: {  	[smem:$0x3FB3] =	sst s10  }
0x35: {  	s10 =	sld [smem:$0x3FB2];
	_ =	sdelay $0x3  }
0x36: {  	p1 =	seq.s32 s10, $0x1;
	s10 =	sld [smem:$0x3FB3];
	_ =	sdelay $0x3  }
0x37: {  	[smem:$0x3FB3] =	sst s10  }
0x38: {  	s10 =	sld [smem:$0x3FB4]  }
0x39: {  	_ = 	snop;
	(pc) =	sbr.ind lr, $3  }
0x3a: {  	_ = 	snop  }
0x3b: {  	_ = 	snop  }
0x3c: {  	p2 =	seq.s32 s10, $0x1;
	s10 =	sld [smem:$0x3FB3]  }
0x3d: {  	_ =	shalt  }
0x3e: {  	_ =	shalt  }
0x3f: {  	_ =	shalt  }
0x40: {  	_ =	shalt  }
0x41: {  	_ =	shalt  }
0x42: {  	_ =	shalt  }
0x43: {  	_ =	shalt  }
0x44: {  	_ =	shalt  }
0x45: {  	_ =	shalt  }
0x46: {  	_ =	shalt  }
0x47: {  	_ =	shalt  }
0x48: {  	_ =	shalt  }
0x49: {  	_ =	shalt  }
0x4a: {  	_ =	shalt  }
0x4b: {  	_ =	shalt  }
0x4c: {  	_ =	shalt  }
0x4d: {  	_ =	shalt  }
0x4e: {  	_ =	shalt  }
0x4f: {  	_ =	shalt  }
0x50: {  	_ =	shalt  }
0x51: {  	_ =	shalt  }
0x52: {  	_ =	shalt  }
0x53: {  	_ =	shalt  }
0x54: {  	_ =	shalt  }
0x55: {  	_ =	shalt  }
0x56: {  	_ =	shalt  }
0x57: {  	_ =	shalt  }
0x58: {  	_ =	shalt  }
0x59: {  	_ =	shalt  }
0x5a: {  	_ =	shalt  }
0x5b: {  	_ =	shalt  }
0x5c: {  	_ =	shalt  }
0x5d: {  	_ =	shalt  }
0x5e: {  	_ =	shalt  }
0x5f: {  	_ =	shalt  }
0x60: {  	_ =	shalt  }
0x61: {  	_ =	shalt  }
0x62: {  	_ =	shalt  }
0x63: {  	_ =	shalt  }
0x64: {  	_ =	shalt  }
0x65: {  	_ =	shalt  }
0x66: {  	_ =	shalt  }
0x67: {  	_ =	shalt  }
0x68: {  	_ =	shalt  }
0x69: {  	_ =	shalt  }
0x6a: {  	_ =	shalt  }
0x6b: {  	_ =	shalt  }
0x6c: {  	_ =	shalt  }
0x6d: {  	_ =	shalt  }
0x6e: {  	_ =	shalt  }
0x6f: {  	_ =	shalt  }
0x70: {  	_ =	shalt  }
0x71: {  	_ =	shalt  }
0x72: {  	_ =	shalt  }
0x73: {  	_ =	shalt  }
0x74: {  	_ =	shalt  }
0x75: {  	_ =	shalt  }
0x76: {  	_ =	shalt  }
0x77: {  	_ =	shalt  }
0x78: {  	_ =	shalt  }
0x79: {  	_ =	shalt  }
0x7a: {  	_ =	shalt  }
0x7b: {  	_ =	shalt  }
0x7c: {  	_ =	shalt  }
0x7d: {  	_ =	shalt  }
0x7e: {  	_ =	shalt  }
0x7f: {  	_ =	shalt  }
0x80: {  	_ =	shalt  }
0x81: {  	_ =	shalt  }
0x82: {  	_ =	shalt  }
0x83: {  	_ =	shalt  }
0x84: {  	_ =	shalt  }
0x85: {  	_ =	shalt  }
0x86: {  	_ =	shalt  }
0x87: {  	_ =	shalt  }
.Lfunc_end0:
.L_simem_size_0:
called_computation.2_lowered:
.L_overlay_start_0:
0x88: {  	s2 =	sld [smem:$0x3FD9]  }
0x89: {  	s3 =	sld [smem:$0x3FFE];
	_ =	sdelay $0x1  }
0x8a: {  	s1 =	srdreg.scid  }
0x8b: {  	s0 =	sand.u32 $0x1, s1  }
0x8c: {  	s16 =	sshll.u32 s0, $0xA;
	s2 =	sadd.s32 s3, s2  }
0x8d: {  	s2 =	sadd.s32 s2, s16  }
0x8e: {  	[smem:$0x3FBF] =	sst s2  }
0x8f: {  	_ = 	snop  }
0x90: {  	(tm) =	ssettm $0x1  }
0x91: {  	s17 =	sld [smem:$0x3FFB];
	_ =	sdelay $0x3  }
0x92: {  	_ =	strace s17  }
0x93: {  	s2 =	sld [smem:$0x3FFC];
	_ =	sdelay $0x3  }
0x94: {  	_ =	strace s2  }
0x95: {  	s2 =	sld [smem:$0x3FFD];
	_ =	sdelay $0x3  }
0x96: {  	_ =	strace s2  }
0x97: {  	_ =	strace $0x8FFFFFFF  }
0x98: {  	s18 =	sld [smem:$0x3FDB];
	_ =	sdelay $0x1  }
0x99: {  	s19 =	simm.s32 $_scs_section_size  }
0x9a: {  	s4 =	simm.s32 $_size__tile_overlayer_lowered;
	s5 =	simm.s32 $_tile_overlayer_lowered  }
0x9b: {  	s22 =	simm.s32 $0x1BFF;
	s21 =	sshll.u32 s5, $0x1;
	s2 =	sadd.s32 s19, s18  }
0x9c: {  	s6 =	simm.s32 $0x0;
	s20 =	sshll.u32 s4, $0x1;
	s4 =	sadd.s32 s21, s2  }
0x9d: {  	[timem:s6], [sflag:s22] =	dma.local [hbm:s4], s20  }
0x9e: {  	_ =	swait.ge [sflag:s22], s20  }
0x9f: {  	s3 =	ssub.s32 $0x0, s20;
	[sflag:s22] =	ssyncset.done $0x0  }
0xa0: {  	[sflag:s22] =	ssyncadd.s32 s3;
	_ =	sdelay $0x1  }
0xa1: {  	s23 =	simm.s32 $0x1B8B  }
0xa2: {  	_ =	swait.ge [sflag:s23], $0x1  }
0xa3: {  	[sflag:s23] =	ssyncset.done $0x0  }
0xa4: {  	s25 =	simm.s32 $0x1B8E;
	s24 =	sld [smem:$0x3FFE];
	[sflag:s23] =	ssyncadd.s32 $0xFFFFFFFF  }
0xa5: {  	s26 =	simm.s32 $execute0_lowered;
	[smem:$0x3FD2] =	sst s25  }
0xa6: {  	s4 =	sshll.u32 s26, $0x1;
	_ =	strace $0x8000004C;
	[dreg:$0x1] =	wrdreg $0xFFFFFFFF  }
0xa7: {  	s28 =	simm.s32 $_size_execute0_lowered;
	s2 =	sadd.s32 s2, s4;
	[dreg:$0x0] =	wrdreg $0x0  }
0xa8: {  	s4 =	sshll.u32 s28, $0x1;
	[dreg:$0x2] =	wrdreg s2  }
0xa9: {  	[dreg:$0x3] =	wrdreg s4  }
0xaa: {  	[dreg:$0x4] =	wrdreg $0xC0  }
0xab: {  	_ =	task [dreg:s6], $0x5FFFF  }
0xac: {  	[dreg:$0x1] =	wrdreg $0xFFFFFFFF  }
0xad: {  	[dreg:$0x0] =	wrdreg $0x60  }
0xae: {  	[dreg:$0x2] =	wrdreg s24  }
0xaf: {  	[dreg:$0x3] =	wrdreg $0x90000  }
0xb0: {  	[dreg:$0x4] =	wrdreg $0x9  }
0xb1: {  	_ =	task.clear_ibuf [dreg:s6], $0x5FFFF;
	_ =	strace $0x9000004C  }
0xb2: {  	s29 =	simm.s32 $0x9;
	_ =	strace $0x8000004E  }
0xb3: {  	_ =	swait.ge [sflag:s29], $0x1  }
0xb4: {  	[sflag:s29] =	ssyncadd.s32 $0xFFFFFFFF  }
0xb5: {  	_ =	strace $0x9000004E  }
0xb6: {  	_ =	sfence  }
0xb7: {  	s30 =	sld [smem:$0x0];
	_ =	sdelay $0x2  }
0xb8: {  	s31 =	sshll.u32 s1, $0xD;
	s1 =	sshrl.u32 s1, $0x2  }
0xb9: {  	s3 =	sand.u32 $0x4000, s31;
	s1 =	sadd.s32 s1, s30  }
0xba: {  	s0 =	sor.u32 s3, s0;
	s1 =	sshll.u32 s1, $0x11  }
0xbb: {  	s0 =	sor.u32 s1, s0  }
0xbc: {  	s0 =	sadd.s32 $0x8F2B, s0  }
0xbd: {  	[sflag:s0] =	ssyncadd.remote.s32 $0x1  }
0xbe: {  	_ =	sfence.sel $0xFFFF  }
0xbf: {  	[dreg:$0x0] =	wrdreg $0xFFFFFFFF;
	(pc) =	sbr.abs _section_cstart, $3  }
0xc0: {  	[dreg:$0x1] =	wrdreg $0xFFFFFFFF  }
0xc1: {  	_ =	task.clear_ibuf [dreg:s6], $0x2FFFF;
	_ =	strace $0x9FFFFFFF  }
0xc2: {  	(tm) =	ssettm $0x7FFFFFFF  }
0xc3: {  	_ =	shalt  }
tec
execute0_lowered:
.L_overlay_start_1:
0x0: {  	(tag) =	ssettag $0x1  }
0x1: {  	s7 =	rddreg [dreg:$0x0]  }
0x2: {  	s0 =	srdreg.scid;
	s2 =	rddreg [dreg:$0x1];
	s3 =	simm.s32 $0x0  }
0x3: {  	s19 =	simm.s32 $0x5000;
	s20 =	simm.s32 $0x1;
	s21 =	simm.s32 $0x2800  }
0x4: {  	s22 =	simm.s32 $0x80;
	s6 =	sand.u32 $0x1, s0;
	s0 =	stileid.u32  }
0x5: {  	s23 =	simm.s32 $0x0;
	[smem:$0x7FF] =	sst s3;
	s8 =	smul.u32 $0x280, s0  }
0x6: {  	s4 =	sadd.s32 $0x17600, s7;
	s1 =	sshll.u32 s6, $0x4;
	s9 =	smul.u32 $0x2800, s6  }
0x7: {  	s10 =	smul.u32 $0x50000, s0;
	s29 =	ssub.s32 $0x2, s6;
	s1 =	sor.u32 s0, s1  }
0x8: {  	s31 =	sshrl.u32 s29, $0x1;
	s5 =	smul.u32 $0x500, s1;
	s1 =	rddreg [dreg:$0x2]  }
0x9: {  	_ =	strace $0x8000004D;
	s8 =	sadd.s32 s8, s9;
	s30 =	sshrl.u32 s10, $0x2  }
0xa: {  	s18 =	ssub.s32 s29, s31;
	s8 =	sshll.u32 s8, $0x4;
	s6 =	sadd.s32 s30, s2  }
0xb: {  	s18 =	smax.u32 s18, $0x1;
	s12 =	sadd.s32 s5, s7;
	s5 =	sadd.s32 $0xCA00, s7  }
0xc: {  	s17 =	sadd.s32 s8, s7;
	s7 =	sadd.s32 $0x4000, s6;
	s8 =	sadd.s32 $0x8000, s6  }
0xd: {  	s9 =	sadd.s32 $0xC000, s6;
	s10 =	sadd.s32 $0x10000, s6;
	s11 =	sadd.s32 $0xD600, s12  }
0xe: {  	s12 =	sadd.s32 $0x2A00, s12;
	s13 =	sadd.s32 $0x3E800, s17;
	s14 =	sadd.s32 $0x3F000, s17  }
0xf: {  	s15 =	sadd.s32 $0x3F800, s17;
	s16 =	sadd.s32 $0x40000, s17;
	s17 =	sadd.s32 $0x40800, s17  }
.LBB2_1:
0x10: {  	[tilespmem:s19], [sflag:$0x1] =	stream.linear.gather [hbm4b:s5+s3], $0x4000, $0x38;
	[tilespmem:$0x1D000] =	vst v63  }
0x11: {  	_ =	swait.ge [sflag:s20], $0x4000  }
0x12: {  	[sflag:s20] =	ssyncset.done $0x0  }
0x13: {  	[sflag:s20] =	ssyncadd.s32 $0xFFFFC000  }
0x14: {  	[spmem:s6] =	stream.linear.scatter [tilespmem:s19], [sflag:$0x1], $0x4000, $0x38;
	[tilespmem:$0x1D000] =	vst v63  }
0x15: {  	_ =	swait.ge [sflag:s20], $0x4000  }
0x16: {  	[sflag:s20] =	ssyncset.done $0x0  }
0x17: {  	[sflag:s20] =	ssyncadd.s32 $0xFFFFC000  }
0x18: {  	[spmem:s7] =	stream.linear.scatter [tilespmem:s19], [sflag:$0x1], $0x4000, $0x38;
	[tilespmem:$0x1D000] =	vst v63  }
0x19: {  	_ =	swait.ge [sflag:s20], $0x4000  }
0x1a: {  	[sflag:s20] =	ssyncset.done $0x0  }
0x1b: {  	[sflag:s20] =	ssyncadd.s32 $0xFFFFC000  }
0x1c: {  	[spmem:s8] =	stream.linear.scatter [tilespmem:s19], [sflag:$0x1], $0x4000, $0x38;
	[tilespmem:$0x1D000] =	vst v63  }
0x1d: {  	_ =	swait.ge [sflag:s20], $0x4000  }
0x1e: {  	[sflag:s20] =	ssyncset.done $0x0  }
0x1f: {  	[sflag:s20] =	ssyncadd.s32 $0xFFFFC000  }
0x20: {  	[spmem:s9] =	stream.linear.scatter [tilespmem:s19], [sflag:$0x1], $0x4000, $0x38;
	[tilespmem:$0x1D000] =	vst v63  }
0x21: {  	_ =	swait.ge [sflag:s20], $0x4000  }
0x22: {  	[sflag:s20] =	ssyncset.done $0x0  }
0x23: {  	[sflag:s20] =	ssyncadd.s32 $0xFFFFC000  }
0x24: {  	[spmem:s10] =	stream.linear.scatter [tilespmem:s19], [sflag:$0x1], $0x4000, $0x38;
	[tilespmem:$0x1D000] =	vst v63  }
0x25: {  	_ =	swait.ge [sflag:s20], $0x4000  }
0x26: {  	[sflag:s20] =	ssyncset.done $0x0  }
0x27: {  	[sflag:s20] =	ssyncadd.s32 $0xFFFFC000  }
0x28: {  	[tilespmem:s3], [sflag:$0x1] =	stream.linear.gather [hbm4b:s11+s3], $0x2780, $0x38;
	[tilespmem:$0x1D000] =	vst v63  }
0x29: {  	_ =	swait.ge [sflag:s20], $0x2780  }
0x2a: {  	[sflag:s20] =	ssyncset.done $0x0  }
0x2b: {  	[sflag:s20] =	ssyncadd.s32 $0xFFFFD880  }
0x2c: {  	[tilespmem:s21], [sflag:$0x1] =	stream.linear.gather [hbm4b:s12+s3], $0x2780, $0x38;
	[tilespmem:$0x1D000] =	vst v63  }
0x2d: {  	_ =	swait.ge [sflag:s20], $0x2780  }
0x2e: {  	[sflag:s20] =	ssyncset.done $0x0  }
0x2f: {  	[sflag:s20] =	ssyncadd.s32 $0xFFFFD880  }
0x30: {  	s24 =	simm.s32 $0x0;
	[bflag:$0x0] =	sbarrier.arrive $0xFFFF  }
0x31: {  	[tilespmem:s19], [sflag:$0x1] =	stream.indirect.gather [hbm4b:s4+s22], $0x80, s24, s22, $0xb8;
	[tilespmem:$0x1D000] =	vst v63  }
0x32: {  	_ =	swait.ge [sflag:s20], $0x4000  }
0x33: {  	[sflag:s20] =	ssyncset.done $0x0  }
0x34: {  	s31 =	simm.s32 $0x2800;
	[sflag:s20] =	ssyncadd.s32 $0xFFFFC000  }
0x35: {  	[spmem:s2] =	stream.indirect.scatter.add.f32 [tilespmem:s19], [sflag:$0x1], $0x80, s31, s22, $0xb8;
	[tilespmem:$0x1D000] =	vst v63  }
0x36: {  	_ =	swait.ge [sflag:s20], $0x4000  }
0x37: {  	s25 =	simm.s32 $0x400;
	s24 =	simm.s32 $0x200;
	[sflag:s20] =	ssyncset.done $0x0  }
.LBB2_2:
0x38: {  	s26 =	sshra.s32 s24, $0x2  }
0x39: {  	[sflag:s20] =	ssyncadd.s32 $0xFFFFC000;
	s24 =	smov.u32 s25;
	s28 =	sadd.s32 $0x200, s25  }
0x3a: {  	[tilespmem:s19], [sflag:$0x1] =	stream.indirect.gather [hbm4b:s4+s22], $0x80, s26, s22, $0xb8;
	[tilespmem:$0x1D000] =	vst v63  }
0x3b: {  	p0 =	sne.s32 s25, $0x9C00;
	_ =	swait.ge [sflag:s20], $0x4000  }
.Ltmp0:
0x3c: {  	[sflag:s20] =	ssyncset.done $0x0;
	(pc) =	sbr.rel @p0 .LBB2_2-.Ltmp0, $4  }
0x3d: {  	s25 =	sadd.s32 $0x2800, s26;
	[sflag:s20] =	ssyncadd.s32 $0xFFFFC000  }
0x3e: {  	[spmem:s2] =	stream.indirect.scatter.add.f32 [tilespmem:s19], [sflag:$0x1], $0x80, s25, s22, $0xb8;
	[tilespmem:$0x1D000] =	vst v63  }
0x3f: {  	_ =	swait.ge [sflag:s20], $0x4000  }
0x40: {  	s25 =	smov.u32 s28;
	[sflag:s20] =	ssyncset.done $0x0  }
0x41: {  	s24 =	sshra.s32 s24, $0x2;
	[sflag:s20] =	ssyncadd.s32 $0xFFFFC000  }
0x42: {  	[tilespmem:s19], [sflag:$0x1] =	stream.indirect.gather [hbm4b:s4+s22], $0x80, s24, s22, $0xb8;
	[tilespmem:$0x1D000] =	vst v63  }
0x43: {  	_ =	swait.ge [sflag:s20], $0x4000  }
0x44: {  	[sflag:s20] =	ssyncset.done $0x0  }
0x45: {  	s24 =	sadd.s32 $0x2800, s24;
	[sflag:s20] =	ssyncadd.s32 $0xFFFFC000  }
0x46: {  	[spmem:s2] =	stream.indirect.scatter.add.f32 [tilespmem:s19], [sflag:$0x1], $0x80, s24, s22, $0xb8;
	[tilespmem:$0x1D000] =	vst v63  }
0x47: {  	_ =	swait.ge [sflag:s20], $0x4000  }
0x48: {  	[sflag:s20] =	ssyncset.done $0x0  }
0x49: {  	[sflag:s20] =	ssyncadd.s32 $0xFFFFC000  }
0x4a: {  	[bflag:$0x0] =	sbarrier.arrive $0xFFFF  }
0x4b: {  	[tilespmem:s19], [sflag:$0x1] =	stream.linear.gather [spmem:s6], $0x4000, $0x38;
	[tilespmem:$0x1D000] =	vst v63  }
0x4c: {  	_ =	swait.ge [sflag:s20], $0x4000  }
0x4d: {  	[sflag:s20] =	ssyncset.done $0x0  }
0x4e: {  	[sflag:s20] =	ssyncadd.s32 $0xFFFFC000  }
0x4f: {  	[hbm4b:s13+s3] =	stream.linear.scatter [tilespmem:s19], [sflag:$0x1], $0x4000, $0x38;
	[tilespmem:$0x1D000] =	vst v63  }
0x50: {  	_ =	swait.ge [sflag:s20], $0x4000  }
0x51: {  	[sflag:s20] =	ssyncset.done $0x0  }
0x52: {  	[sflag:s20] =	ssyncadd.s32 $0xFFFFC000  }
0x53: {  	[tilespmem:s19], [sflag:$0x1] =	stream.linear.gather [spmem:s7], $0x4000, $0x38;
	[tilespmem:$0x1D000] =	vst v63  }
0x54: {  	_ =	swait.ge [sflag:s20], $0x4000  }
0x55: {  	[sflag:s20] =	ssyncset.done $0x0  }
0x56: {  	[sflag:s20] =	ssyncadd.s32 $0xFFFFC000  }
0x57: {  	[hbm4b:s14+s3] =	stream.linear.scatter [tilespmem:s19], [sflag:$0x1], $0x4000, $0x38;
	[tilespmem:$0x1D000] =	vst v63  }
0x58: {  	_ =	swait.ge [sflag:s20], $0x4000  }
0x59: {  	[sflag:s20] =	ssyncset.done $0x0  }
0x5a: {  	[sflag:s20] =	ssyncadd.s32 $0xFFFFC000  }
0x5b: {  	[tilespmem:s19], [sflag:$0x1] =	stream.linear.gather [spmem:s8], $0x4000, $0x38;
	[tilespmem:$0x1D000] =	vst v63  }
0x5c: {  	_ =	swait.ge [sflag:s20], $0x4000  }
0x5d: {  	[sflag:s20] =	ssyncset.done $0x0  }
0x5e: {  	[sflag:s20] =	ssyncadd.s32 $0xFFFFC000  }
0x5f: {  	[hbm4b:s15+s3] =	stream.linear.scatter [tilespmem:s19], [sflag:$0x1], $0x4000, $0x38;
	[tilespmem:$0x1D000] =	vst v63  }
0x60: {  	_ =	swait.ge [sflag:s20], $0x4000  }
0x61: {  	[sflag:s20] =	ssyncset.done $0x0  }
0x62: {  	[sflag:s20] =	ssyncadd.s32 $0xFFFFC000  }
0x63: {  	[tilespmem:s19], [sflag:$0x1] =	stream.linear.gather [spmem:s9], $0x4000, $0x38;
	[tilespmem:$0x1D000] =	vst v63  }
0x64: {  	_ =	swait.ge [sflag:s20], $0x4000  }
0x65: {  	[sflag:s20] =	ssyncset.done $0x0  }
0x66: {  	[sflag:s20] =	ssyncadd.s32 $0xFFFFC000  }
0x67: {  	[hbm4b:s16+s3] =	stream.linear.scatter [tilespmem:s19], [sflag:$0x1], $0x4000, $0x38;
	[tilespmem:$0x1D000] =	vst v63  }
0x68: {  	_ =	swait.ge [sflag:s20], $0x4000  }
0x69: {  	[sflag:s20] =	ssyncset.done $0x0  }
0x6a: {  	[sflag:s20] =	ssyncadd.s32 $0xFFFFC000  }
0x6b: {  	[tilespmem:s19], [sflag:$0x1] =	stream.linear.gather [spmem:s10], $0x4000, $0x38;
	[tilespmem:$0x1D000] =	vst v63  }
0x6c: {  	s23 =	sadd.s32 $0x1, s23;
	_ =	swait.ge [sflag:s20], $0x4000  }
0x6d: {  	p0 =	sne.s32 s23, s18;
	[sflag:s20] =	ssyncset.done $0x0  }
.Ltmp1:
0x6e: {  	[sflag:s20] =	ssyncadd.s32 $0xFFFFC000;
	(pc) =	sbr.rel @p0 .LBB2_1-.Ltmp1, $4  }
0x6f: {  	[hbm4b:s17+s3] =	stream.linear.scatter [tilespmem:s19], [sflag:$0x1], $0x4000, $0x38;
	[tilespmem:$0x1D000] =	vst v63  }
0x70: {  	_ =	swait.ge [sflag:s20], $0x4000  }
0x71: {  	[sflag:s20] =	ssyncset.done $0x0  }
0x72: {  	[sflag:s20] =	ssyncadd.s32 $0xFFFFC000  }
0x73: {  	_ =	sfence.sel $0x180000  }
0x74: {  	[bflag:$0x0] =	sbarrier.arrive $0xFFFF  }
0x75: {  	p0 =	sne.s32 s0, $0x0;
	_ =	strace $0x9000004D  }
0x76: {  	s0 =	sadd.s32 @!p0 $0x100000, s1;
	[bflag:$0x2] =	sbarrier.arrive $0xFFFF  }
0x77: {  	[sflag:s0] =	ssyncadd.tile.s32 @!p0 $0x1;
	_ =	shalt  }
.Lfunc_end2:
_tile_overlayer_lowered:
.L_overlay_start_2:
0x78: {  	(tag) =	ssettag $0x2  }
0x79: {  	s0 =	rddreg [dreg:$0x0];
	s2 =	stileid.u32  }
0x7a: {  	s1 =	rddreg [dreg:$0x1];
	p0 =	sne.s32 s2, $0x0  }
0x7b: {  	s3 =	rddreg [dreg:$0x2];
	[bflag:$0x3] =	sbarrier.arrive $0xFFFF;
	s2 =	simm.s32 @!p0 $0x1C01  }
0x7c: {  	[timem:s3], [sflag:s2] =	dma.local @!p0 [hbm:s0], s1  }
0x7d: {  	s0 =	simm.s32 @!p0 $0x1  }
0x7e: {  	_ =	swait.ge @!p0 [sflag:s0], s1  }
0x7f: {  	s1 =	ssub.s32 @!p0 $0x0, s1;
	[sflag:s0] =	ssyncset.done @!p0 $0x0  }
0x80: {  	[sflag:s0] =	ssyncadd.s32 @!p0 s1  }
0x81: {  	[bflag:$0x3] =	sbarrier.arrive $0xFFFF  }
0x82: {  	_ =	shalt  }

// kernel: kernel.9.cloned.1.call-start
scs
__scs_entry_jumppad:
0x0: {  	(pc) =	sbr.rel $0x88, $3  }
0x1: {  	(tag) =	ssettag $0x0;
	lr =	simm.s32 $0x1  }
0x2: {  	[smem:$0x3F98] =	sst lr;
	_ =	strace $0xD0000000  }
0x3: {  	_ = 	snop  }
0x4: {  	_ = 	snop  }
0x5: {  	_ = 	snop  }
0x6: {  	_ = 	snop  }
0x7: {  	_ = 	snop  }
__scs_overlays_trampoline_lowered:
0x8: {  	[smem:$0x3FA7] =	sst s0  }
0x9: {  	[smem:$0x3FA8] =	sst s1  }
0xa: {  	[smem:$0x3FA9] =	sst s2  }
0xb: {  	[smem:$0x3FAA] =	sst s3  }
0xc: {  	[smem:$0x3FAB] =	sst s4  }
0xd: {  	[smem:$0x3FAC] =	sst s5  }
0xe: {  	[smem:$0x3FAD] =	sst s6  }
0xf: {  	[smem:$0x3FAE] =	sst s7  }
0x10: {  	[smem:$0x3FAF] =	sst s8  }
0x11: {  	[smem:$0x3FB0] =	sst s9;
	s0 =	simm.s32 @!p0 $0x0  }
0x12: {  	s1 =	sld [smem:$0x3F96];
	s0 =	simm.s32 @p0 $0x1  }
0x13: {  	[smem:$0x3FB1] =	sst s0;
	s0 =	simm.s32 @!p1 $0x0  }
0x14: {  	s2 =	sld [smem:$0x3F95];
	s0 =	simm.s32 @p1 $0x1  }
0x15: {  	[smem:$0x3FB2] =	sst s0;
	s0 =	simm.s32 @!p2 $0x0  }
0x16: {  	s3 =	sld [smem:$0x3FDB];
	s0 =	simm.s32 @p2 $0x1  }
0x17: {  	s4 =	simm.s32 $0x1BF5;
	[smem:$0x3FB4] =	sst s0  }
0x18: {  	s0 =	sld [smem:$0x3F97];
	_ =	swait.ge [sflag:s4], $0x0  }
0x19: {  	s7 =	sld [smem:$0x3F98]  }
0x1a: {  	s8 =	sadd.s32 $0xFFFFE003, lr  }
0x1b: {  	s9 =	sadd.s32 $0xFFFFFEF7, lr;
	s5 =	simm.s32 $0xFFFFFFFF;
	p2 =	slt.u32 s8, $0xFFFFF086  }
0x1c: {  	p1 =	slt.u32 s9, $0xF7A;
	s5 =	simm.s32 @!p2 $0x0  }
0x1d: {  	s5 =	simm.s32 @p1 $0x1;
	p0 =	seq.s32 s7, s2  }
0x1e: {  	s7 =	smul.u32 @!p0 $0xF7A, s2;
	p2 =	seq.s32 @!p0 s5, $0x0  }
0x1f: {  	s9 =	smul.u32 $0xF7A, s1;
	s8 =	simm.s32 @!p0 $0x1BF5;
	p2 =	por !p2, p0  }
0x20: {  	[sflag:s8] =	ssyncset.s32 @!p0 $0xFFFFF086;
	s6 =	sadd.s32 @!p0 s3, s7;
	s7 =	simm.s32 @!p0 $0x108  }
0x21: {  	s3 =	sadd.s32 s3, s9;
	s6 =	sadd.s32 @!p0 $0x88, s6;
	s7 =	simm.s32 @p2 $0x1082  }
0x22: {  	[simem:s7], [sflag:s8] =	dma.local @!p0 [hbm:s6], $0xF7A  }
0x23: {  	s9 =	sor.u32 $0xD0000000, s2;
	s6 =	simm.s32 $0x108;
	_ =	swait.ge @!p0 [sflag:s8], $0x0  }
0x24: {  	s3 =	sadd.s32 $0x88, s3;
	s6 =	simm.s32 @!p1 $0x1082;
	[sflag:s4] =	ssyncset.s32 $0xFFFFF086  }
0x25: {  	[simem:s6], [sflag:s4] =	dma.local [hbm:s3], $0xF7A  }
0x26: {  	[smem:$0x3F98] =	sst s1;
	(tag) =	ssettag s2;
	_ =	strace s9  }
0x27: {  	s1 =	sld [smem:$0x3FA8]  }
0x28: {  	s2 =	sld [smem:$0x3FA9]  }
0x29: {  	s4 =	sld [smem:$0x3FAB]  }
0x2a: {  	p0 =	seq.s32 s5, $0x0;
	s5 =	sld [smem:$0x3FAC]  }
0x2b: {  	s6 =	sld [smem:$0x3FAD]  }
0x2c: {  	s7 =	sld [smem:$0x3FAE]  }
0x2d: {  	s3 =	simm.s32 $0x108;
	s8 =	sld [smem:$0x3FAF]  }
0x2e: {  	s3 =	simm.s32 @!p0 $0x1082;
	s9 =	sld [smem:$0x3FB0]  }
0x2f: {  	lr =	sadd.s32 s0, s3;
	s0 =	sld [smem:$0x3FA7]  }
0x30: {  	s3 =	sld [smem:$0x3FAA]  }
0x31: {  	[smem:$0x3FB3] =	sst s10  }
0x32: {  	s10 =	sld [smem:$0x3FB1];
	_ =	sdelay $0x3  }
0x33: {  	p0 =	seq.s32 s10, $0x1;
	s10 =	sld [smem:$0x3FB3];
	_ =	sdelay $0x3  }
0x34: {  	[smem:$0x3FB3] =	sst s10  }
0x35: {  	s10 =	sld [smem:$0x3FB2];
	_ =	sdelay $0x3  }
0x36: {  	p1 =	seq.s32 s10, $0x1;
	s10 =	sld [smem:$0x3FB3];
	_ =	sdelay $0x3  }
0x37: {  	[smem:$0x3FB3] =	sst s10  }
0x38: {  	s10 =	sld [smem:$0x3FB4]  }
0x39: {  	_ = 	snop;
	(pc) =	sbr.ind lr, $3  }
0x3a: {  	_ = 	snop  }
0x3b: {  	_ = 	snop  }
0x3c: {  	p2 =	seq.s32 s10, $0x1;
	s10 =	sld [smem:$0x3FB3]  }
0x3d: {  	_ =	shalt  }
0x3e: {  	_ =	shalt  }
0x3f: {  	_ =	shalt  }
0x40: {  	_ =	shalt  }
0x41: {  	_ =	shalt  }
0x42: {  	_ =	shalt  }
0x43: {  	_ =	shalt  }
0x44: {  	_ =	shalt  }
0x45: {  	_ =	shalt  }
0x46: {  	_ =	shalt  }
0x47: {  	_ =	shalt  }
0x48: {  	_ =	shalt  }
0x49: {  	_ =	shalt  }
0x4a: {  	_ =	shalt  }
0x4b: {  	_ =	shalt  }
0x4c: {  	_ =	shalt  }
0x4d: {  	_ =	shalt  }
0x4e: {  	_ =	shalt  }
0x4f: {  	_ =	shalt  }
0x50: {  	_ =	shalt  }
0x51: {  	_ =	shalt  }
0x52: {  	_ =	shalt  }
0x53: {  	_ =	shalt  }
0x54: {  	_ =	shalt  }
0x55: {  	_ =	shalt  }
0x56: {  	_ =	shalt  }
0x57: {  	_ =	shalt  }
0x58: {  	_ =	shalt  }
0x59: {  	_ =	shalt  }
0x5a: {  	_ =	shalt  }
0x5b: {  	_ =	shalt  }
0x5c: {  	_ =	shalt  }
0x5d: {  	_ =	shalt  }
0x5e: {  	_ =	shalt  }
0x5f: {  	_ =	shalt  }
0x60: {  	_ =	shalt  }
0x61: {  	_ =	shalt  }
0x62: {  	_ =	shalt  }
0x63: {  	_ =	shalt  }
0x64: {  	_ =	shalt  }
0x65: {  	_ =	shalt  }
0x66: {  	_ =	shalt  }
0x67: {  	_ =	shalt  }
0x68: {  	_ =	shalt  }
0x69: {  	_ =	shalt  }
0x6a: {  	_ =	shalt  }
0x6b: {  	_ =	shalt  }
0x6c: {  	_ =	shalt  }
0x6d: {  	_ =	shalt  }
0x6e: {  	_ =	shalt  }
0x6f: {  	_ =	shalt  }
0x70: {  	_ =	shalt  }
0x71: {  	_ =	shalt  }
0x72: {  	_ =	shalt  }
0x73: {  	_ =	shalt  }
0x74: {  	_ =	shalt  }
0x75: {  	_ =	shalt  }
0x76: {  	_ =	shalt  }
0x77: {  	_ =	shalt  }
0x78: {  	_ =	shalt  }
0x79: {  	_ =	shalt  }
0x7a: {  	_ =	shalt  }
0x7b: {  	_ =	shalt  }
0x7c: {  	_ =	shalt  }
0x7d: {  	_ =	shalt  }
0x7e: {  	_ =	shalt  }
0x7f: {  	_ =	shalt  }
0x80: {  	_ =	shalt  }
0x81: {  	_ =	shalt  }
0x82: {  	_ =	shalt  }
0x83: {  	_ =	shalt  }
0x84: {  	_ =	shalt  }
0x85: {  	_ =	shalt  }
0x86: {  	_ =	shalt  }
0x87: {  	_ =	shalt  }
.Lfunc_end0:
.L_simem_size_0:
called_computation_lowered:
.L_overlay_start_0:
0x88: {  	s2 =	sld [smem:$0x3FD9]  }
0x89: {  	s3 =	sld [smem:$0x3FFE];
	_ =	sdelay $0x1  }
0x8a: {  	s1 =	srdreg.scid  }
0x8b: {  	s0 =	sand.u32 $0x1, s1  }
0x8c: {  	s16 =	sshll.u32 s0, $0xA;
	s2 =	sadd.s32 s3, s2  }
0x8d: {  	s2 =	sadd.s32 s2, s16  }
0x8e: {  	[smem:$0x3FBF] =	sst s2  }
0x8f: {  	_ = 	snop  }
0x90: {  	(tm) =	ssettm $0x1  }
0x91: {  	s17 =	sld [smem:$0x3FFB];
	_ =	sdelay $0x3  }
0x92: {  	_ =	strace s17  }
0x93: {  	s2 =	sld [smem:$0x3FFC];
	_ =	sdelay $0x3  }
0x94: {  	_ =	strace s2  }
0x95: {  	s2 =	sld [smem:$0x3FFD];
	_ =	sdelay $0x3  }
0x96: {  	_ =	strace s2  }
0x97: {  	_ =	strace $0x8FFFFFFF  }
0x98: {  	s18 =	sld [smem:$0x3FDB];
	_ =	sdelay $0x1  }
0x99: {  	s19 =	simm.s32 $_scs_section_size  }
0x9a: {  	s4 =	simm.s32 $_size__tile_overlayer_lowered;
	s5 =	simm.s32 $_tile_overlayer_lowered  }
0x9b: {  	s22 =	simm.s32 $0x1BFF;
	s21 =	sshll.u32 s5, $0x1;
	s2 =	sadd.s32 s19, s18  }
0x9c: {  	s6 =	simm.s32 $0x0;
	s20 =	sshll.u32 s4, $0x1;
	s4 =	sadd.s32 s21, s2  }
0x9d: {  	[timem:s6], [sflag:s22] =	dma.local [hbm:s4], s20  }
0x9e: {  	_ =	swait.ge [sflag:s22], s20  }
0x9f: {  	s3 =	ssub.s32 $0x0, s20;
	[sflag:s22] =	ssyncset.done $0x0  }
0xa0: {  	[sflag:s22] =	ssyncadd.s32 s3;
	_ =	sdelay $0x1  }
0xa1: {  	s23 =	simm.s32 $0x1B8B  }
0xa2: {  	_ =	swait.ge [sflag:s23], $0x1  }
0xa3: {  	[sflag:s23] =	ssyncset.done $0x0  }
0xa4: {  	s25 =	simm.s32 $0x1B8E;
	s24 =	sld [smem:$0x3FFE];
	[sflag:s23] =	ssyncadd.s32 $0xFFFFFFFF  }
0xa5: {  	s26 =	simm.s32 $execute0_lowered;
	[smem:$0x3FD2] =	sst s25  }
0xa6: {  	s4 =	sshll.u32 s26, $0x1;
	_ =	strace $0x80000046;
	[dreg:$0x1] =	wrdreg $0xFFFFFFFF  }
0xa7: {  	s28 =	simm.s32 $_size_execute0_lowered;
	s2 =	sadd.s32 s2, s4;
	[dreg:$0x0] =	wrdreg $0x0  }
0xa8: {  	s4 =	sshll.u32 s28, $0x1;
	[dreg:$0x2] =	wrdreg s2  }
0xa9: {  	[dreg:$0x3] =	wrdreg s4  }
0xaa: {  	[dreg:$0x4] =	wrdreg $0xC0  }
0xab: {  	_ =	task [dreg:s6], $0x5FFFF  }
0xac: {  	[dreg:$0x1] =	wrdreg $0xFFFFFFFF  }
0xad: {  	[dreg:$0x0] =	wrdreg $0x60  }
0xae: {  	[dreg:$0x2] =	wrdreg s24  }
0xaf: {  	[dreg:$0x3] =	wrdreg $0x2B000  }
0xb0: {  	[dreg:$0x4] =	wrdreg $0x9  }
0xb1: {  	_ =	task.clear_ibuf [dreg:s6], $0x5FFFF;
	_ =	strace $0x90000046  }
0xb2: {  	s29 =	simm.s32 $0x9;
	_ =	strace $0x80000048  }
0xb3: {  	_ =	swait.ge [sflag:s29], $0x1  }
0xb4: {  	[sflag:s29] =	ssyncadd.s32 $0xFFFFFFFF  }
0xb5: {  	_ =	strace $0x90000048  }
0xb6: {  	_ =	sfence  }
0xb7: {  	s30 =	sld [smem:$0x0];
	_ =	sdelay $0x2  }
0xb8: {  	s31 =	sshll.u32 s1, $0xD;
	s1 =	sshrl.u32 s1, $0x2  }
0xb9: {  	s3 =	sand.u32 $0x4000, s31;
	s1 =	sadd.s32 s1, s30  }
0xba: {  	s0 =	sor.u32 s3, s0;
	s1 =	sshll.u32 s1, $0x11  }
0xbb: {  	s0 =	sor.u32 s1, s0  }
0xbc: {  	s0 =	sadd.s32 $0x8F2B, s0  }
0xbd: {  	[sflag:s0] =	ssyncadd.remote.s32 $0x1  }
0xbe: {  	_ =	sfence.sel $0xFFFF  }
0xbf: {  	[dreg:$0x0] =	wrdreg $0xFFFFFFFF;
	(pc) =	sbr.abs _section_cstart, $3  }
0xc0: {  	[dreg:$0x1] =	wrdreg $0xFFFFFFFF  }
0xc1: {  	_ =	task.clear_ibuf [dreg:s6], $0x2FFFF;
	_ =	strace $0x9FFFFFFF  }
0xc2: {  	(tm) =	ssettm $0x7FFFFFFF  }
0xc3: {  	_ =	shalt  }
tec
execute0_lowered:
.L_overlay_start_1:
0x0: {  	(tag) =	ssettag $0x1  }
0x1: {  	s5 =	rddreg [dreg:$0x0];
	s0 =	srdreg.scid  }
0x2: {  	s2 =	rddreg [dreg:$0x1];
	s1 =	stileid.u32  }
0x3: {  	s3 =	simm.s32 $0x0;
	s11 =	simm.s32 $0x80;
	s12 =	simm.s32 $0x2800  }
0x4: {  	s13 =	simm.s32 $0x0;
	s4 =	sand.u32 $0x1, s0;
	s0 =	rddreg [dreg:$0x2]  }
0x5: {  	s7 =	smul.u32 $0x280, s1;
	[smem:$0x7FF] =	sst s3;
	s6 =	sshll.u32 s4, $0x4  }
0x6: {  	s8 =	smul.u32 $0x2800, s4;
	s9 =	ssub.s32 $0x2, s4;
	s6 =	sor.u32 s1, s6  }
0x7: {  	_ =	strace $0x80000047;
	s10 =	sshrl.u32 s9, $0x1;
	s6 =	smul.u32 $0x500, s6  }
0x8: {  	s4 =	sadd.s32 $0xCA00, s5;
	s8 =	sadd.s32 s7, s8;
	s9 =	ssub.s32 s9, s10  }
0x9: {  	s10 =	simm.s32 $0x1;
	s8 =	sshrl.u32 s8, $0x3;
	s6 =	sadd.s32 s6, s5  }
0xa: {  	s8 =	sadd.s32 s8, s5;
	s5 =	sadd.s32 s7, s2;
	s6 =	sadd.s32 $0x2A00, s6  }
0xb: {  	v0 =	vimm.f32 $1.000000000e+00;
	s7 =	sadd.s32 $0xCC00, s8;
	s8 =	smax.u32 s9, $0x1;
	s9 =	simm.s32 $0x2880  }
.LBB2_1:
0xc: {  	[tilespmem:s9], [sflag:$0x1] =	stream.linear.gather [hbm4b:s4+s3], $0x280, $0x38;
	[tilespmem:$0x2D80] =	vst v63  }
0xd: {  	_ =	swait.ge [sflag:s10], $0x280  }
0xe: {  	[sflag:s10] =	ssyncset.done $0x0  }
0xf: {  	[sflag:s10] =	ssyncadd.s32 $0xFFFFFD80  }
0x10: {  	[spmem:s5] =	stream.linear.scatter [tilespmem:s9], [sflag:$0x1], $0x280, $0x38;
	[tilespmem:$0x2D80] =	vst v63  }
0x11: {  	_ =	swait.ge [sflag:s10], $0x280  }
0x12: {  	[sflag:s10] =	ssyncset.done $0x0  }
0x13: {  	[sflag:s10] =	ssyncadd.s32 $0xFFFFFD80  }
0x14: {  	[tilespmem:$0x2800] =	vst v0  }
0x15: {  	[tilespmem:$0x2810] =	vst v0  }
0x16: {  	[tilespmem:$0x2820] =	vst v0  }
0x17: {  	[tilespmem:$0x2830] =	vst v0  }
0x18: {  	[tilespmem:$0x2840] =	vst v0  }
0x19: {  	[tilespmem:$0x2850] =	vst v0  }
0x1a: {  	[tilespmem:$0x2860] =	vst v0  }
0x1b: {  	[tilespmem:$0x2870] =	vst v0  }
0x1c: {  	[tilespmem:s3], [sflag:$0x1] =	stream.linear.gather [hbm4b:s6+s3], $0x2780, $0x38;
	[tilespmem:$0x2D80] =	vst v63  }
0x1d: {  	_ =	swait.ge [sflag:s10], $0x2780  }
0x1e: {  	[sflag:s10] =	ssyncset.done $0x0  }
0x1f: {  	[sflag:s10] =	ssyncadd.s32 $0xFFFFD880  }
0x20: {  	s14 =	simm.s32 $0x0;
	[bflag:$0x0] =	sbarrier.arrive $0xFFFF  }
0x21: {  	[spmem:s2] =	stream.indirect.scatter.add.f32 [tilespmem:s12], [sflag:$0x1], $0x1, s14, s11, $0xb8;
	[tilespmem:$0x2D80] =	vst v63  }
0x22: {  	_ =	swait.ge [sflag:s10], $0x80  }
0x23: {  	s14 =	simm.s32 $0x200;
	[sflag:s10] =	ssyncset.done $0x0  }
.LBB2_2:
0x24: {  	s15 =	sshra.s32 s14, $0x2;
	[sflag:s10] =	ssyncadd.s32 $0xFFFFFF80;
	p0 =	sne.s32 s14, $0x9C00  }
0x25: {  	[spmem:s2] =	stream.indirect.scatter.add.f32 [tilespmem:s12], [sflag:$0x1], $0x1, s15, s11, $0xb8;
	[tilespmem:$0x2D80] =	vst v63  }
.Ltmp0:
0x26: {  	_ = 	snop;
	(pc) =	sbr.rel @p0 .LBB2_2-.Ltmp0, $4  }
0x27: {  	_ = 	snop  }
0x28: {  	s14 =	sadd.s32 $0x200, s14  }
0x29: {  	_ =	swait.ge [sflag:s10], $0x80  }
0x2a: {  	[sflag:s10] =	ssyncset.done $0x0  }
0x2b: {  	[sflag:s10] =	ssyncadd.s32 $0xFFFFFF80  }
0x2c: {  	[bflag:$0x0] =	sbarrier.arrive $0xFFFF  }
0x2d: {  	[tilespmem:s9], [sflag:$0x1] =	stream.linear.gather [spmem:s5], $0x280, $0x38;
	[tilespmem:$0x2D80] =	vst v63  }
0x2e: {  	s13 =	sadd.s32 $0x1, s13;
	_ =	swait.ge [sflag:s10], $0x280  }
0x2f: {  	p0 =	sne.s32 s13, s8;
	[sflag:s10] =	ssyncset.done $0x0  }
.Ltmp1:
0x30: {  	[sflag:s10] =	ssyncadd.s32 $0xFFFFFD80;
	(pc) =	sbr.rel @p0 .LBB2_1-.Ltmp1, $4  }
0x31: {  	[hbm4b:s7+s3] =	stream.linear.scatter [tilespmem:s9], [sflag:$0x1], $0x280, $0x38;
	[tilespmem:$0x2D80] =	vst v63  }
0x32: {  	_ =	swait.ge [sflag:s10], $0x280  }
0x33: {  	[sflag:s10] =	ssyncset.done $0x0  }
0x34: {  	[sflag:s10] =	ssyncadd.s32 $0xFFFFFD80  }
0x35: {  	_ =	sfence.sel $0x180000  }
0x36: {  	[bflag:$0x0] =	sbarrier.arrive $0xFFFF  }
0x37: {  	p0 =	sne.s32 s1, $0x0;
	_ =	strace $0x90000047  }
0x38: {  	s0 =	sadd.s32 @!p0 $0x100000, s0;
	[bflag:$0x2] =	sbarrier.arrive $0xFFFF  }
0x39: {  	[sflag:s0] =	ssyncadd.tile.s32 @!p0 $0x1;
	_ =	shalt  }
.Lfunc_end2:
_tile_overlayer_lowered:
.L_overlay_start_2:
0x3a: {  	(tag) =	ssettag $0x2  }
0x3b: {  	s0 =	rddreg [dreg:$0x0];
	s2 =	stileid.u32  }
0x3c: {  	s1 =	rddreg [dreg:$0x1];
	p0 =	sne.s32 s2, $0x0  }
0x3d: {  	s3 =	rddreg [dreg:$0x2];
	[bflag:$0x3] =	sbarrier.arrive $0xFFFF;
	s2 =	simm.s32 @!p0 $0x1C01  }
0x3e: {  	[timem:s3], [sflag:s2] =	dma.local @!p0 [hbm:s0], s1  }
0x3f: {  	s0 =	simm.s32 @!p0 $0x1  }
0x40: {  	_ =	swait.ge @!p0 [sflag:s0], s1  }
0x41: {  	s1 =	ssub.s32 @!p0 $0x0, s1;
	[sflag:s0] =	ssyncset.done @!p0 $0x0  }
0x42: {  	[sflag:s0] =	ssyncadd.s32 @!p0 s1  }
0x43: {  	[bflag:$0x3] =	sbarrier.arrive $0xFFFF  }
0x44: {  	_ =	shalt  }

</sc_bundles>
